<compile_context>
chip_gen: v7x
topology: tpu7x:2x2x1
jax: 0.10.2.dev20260603
libtpu: 0.0.44.dev20260713+nightly
codegen_flags: <defaults>
</compile_context>

<pallas_src>
import dataclasses
import functools

import jax
import jax.numpy as jnp
from jax import lax
from jax.experimental import pallas as pl
from jax.experimental.pallas import tpu as pltpu
from jax.experimental.pallas import tpu_sc as plsc

_N = 100000
_E = 6400000
_C = 4
_CP = 8
_CHUNK = 1024
_SUB = _CHUNK // 2
_KR = _SUB // 128
_NCHUNKS = _E // _CHUNK
_NWORKERS = 32
_MAXT = -(-_NCHUNKS // _NWORKERS)
_S0 = 6256
_SLAST = _N - 15 * _S0
_BLK = 512


def _sc_accumulate(charges, ai, aj, dist):
    mesh = plsc.VectorSubcoreMesh(core_axis_name="c", subcore_axis_name="s")
    cp = pltpu.CompilerParams()
    if "needs_layout_passes" in pltpu.CompilerParams.__dataclass_fields__:
        cp = dataclasses.replace(cp, needs_layout_passes=False)
    if "use_tc_tiling_on_sc" in pltpu.CompilerParams.__dataclass_fields__:
        cp = dataclasses.replace(cp, use_tc_tiling_on_sc=False)

    sub_set = [
        pltpu.VMEM((_KR, 128), jnp.int32),
        pltpu.VMEM((_KR, 128), jnp.int32),
        pltpu.VMEM((_SUB,), jnp.float32),
        pltpu.VMEM((_SUB, _CP), jnp.float32),
        pltpu.VMEM((_SUB, _CP), jnp.float32),
        pltpu.SemaphoreType.DMA,
        pltpu.SemaphoreType.DMA,
        pltpu.SemaphoreType.DMA,
    ]

    @functools.partial(
        pl.kernel,
        compiler_params=cp,
        out_type=jax.ShapeDtypeStruct((2, _N, _CP), jnp.float32),
        mesh=mesh,
        scratch_types=[
            pltpu.VMEM_SHARED((_N, _CP), jnp.float32),
            pltpu.VMEM_SHARED((_N, _CP), jnp.float32),
            pltpu.VMEM((_BLK, _C), jnp.float32),
        ] + sub_set + sub_set,
    )
    def k(chg_hbm, ai_hbm, aj_hbm, dist_hbm, out_hbm,
          chg_sh, acc_sh, c4,
          ii0, jj0, ww0, ba0, bb0, si0, sg0, ss0,
          ii1, jj1, ww1, ba1, bb1, si1, sg1, ss1):
        c = lax.axis_index("c")
        s = lax.axis_index("s")
        wid = c * 16 + s

        iota = lax.iota(jnp.int32, 16)
        four = jnp.full((16,), _C, jnp.int32)
        col = lax.rem(iota, four)
        rpat = lax.div(iota, four)
        zero16 = jnp.zeros((16,), jnp.float32)
        row8 = lax.div(iota, jnp.full((16,), _CP, jnp.int32))
        col8 = lax.rem(iota, jnp.full((16,), _CP, jnp.int32))

        @pl.loop(0, _BLK * _CP // 16)
        def _z(g):
            plsc.store_scatter(bb0, [row8 + g * 2, col8], zero16)

        def stage_block(off, nrows):
            pltpu.sync_copy(chg_hbm.at[pl.ds(off, nrows)],
                            c4.at[pl.ds(0, nrows)])

            @pl.loop(0, nrows * _C // 16)
            def _p(g):
                r = rpat + g * 4
                v = plsc.load_gather(c4, [r, col])
                plsc.store_scatter(ba0, [r, col], v)

            pltpu.sync_copy(ba0.at[pl.ds(0, nrows)],
                            chg_sh.at[pl.ds(off, nrows)])
            pltpu.sync_copy(bb0.at[pl.ds(0, nrows)],
                            acc_sh.at[pl.ds(off, nrows)])

        row0 = pl.multiple_of(s * _S0, 8)

        @pl.when(s < 15)
        def _():
            @pl.loop(0, _S0 // _BLK)
            def _b(b):
                stage_block(row0 + b * _BLK, _BLK)
            stage_block(row0 + (_S0 // _BLK) * _BLK, _S0 % _BLK)

        @pl.when(s == 15)
        def _():
            @pl.loop(0, _SLAST // _BLK)
            def _b(b):
                stage_block(15 * _S0 + b * _BLK, _BLK)
            stage_block(15 * _S0 + (_SLAST // _BLK) * _BLK,
                        _SLAST % _BLK)

        plsc.subcore_barrier()

        def issue_inputs(q, sub, ii, jj, ww, sem):
            rb = q * (2 * _KR) + sub * _KR
            eb = q * _CHUNK + sub * _SUB
            return (pltpu.async_copy(ai_hbm.at[pl.ds(rb, _KR)], ii, sem),
                    pltpu.async_copy(aj_hbm.at[pl.ds(rb, _KR)], jj, sem),
                    pltpu.async_copy(dist_hbm.at[pl.ds(eb, _SUB)], ww, sem))

        def issue_gathers(ii, jj, ba, bb, sem):
            hs = []
            for k2 in range(_KR):
                sl = pl.ds(k2 * 128, 128)
                hs.append(pltpu.async_copy(chg_sh.at[jj.at[k2]], ba.at[sl], sem))
                hs.append(pltpu.async_copy(chg_sh.at[ii.at[k2]], bb.at[sl], sem))
            return hs

        def compute_w(ww):
            @pl.loop(0, _SUB // 16)
            def _w(u):
                sl = pl.ds(u * 16, 16)
                ww[sl] = 0.5 / ww[sl]

        def scale(ww, ba, bb):
            @plsc.parallel_loop(0, _SUB * _C // 16, unroll=4)
            def _scale(g):
                row = rpat + g * 4
                wb = plsc.load_gather(ww, [row])
                a = plsc.load_gather(ba, [row, col])
                plsc.store_scatter(ba, [row, col], a * wb)
                b = plsc.load_gather(bb, [row, col])
                plsc.store_scatter(bb, [row, col], b * wb)

        def issue_scatters(ii, jj, ba, bb, sem):
            hs = []
            for k2 in range(_KR):
                sl = pl.ds(k2 * 128, 128)
                hs.append(pltpu.async_copy(ba.at[sl], acc_sh.at[ii.at[k2]],
                                           sem, add=True))
                hs.append(pltpu.async_copy(bb.at[sl], acc_sh.at[jj.at[k2]],
                                           sem, add=True))
            return hs

        @pl.loop(0, _MAXT)
        def _chunks(t):
            q = wid + t * _NWORKERS

            @pl.when(q < _NCHUNKS)
            def _():
                h_i0 = issue_inputs(q, 0, ii0, jj0, ww0, si0)
                h_i1 = issue_inputs(q, 1, ii1, jj1, ww1, si1)
                for h in h_i0:
                    h.wait()
                h_g0 = issue_gathers(ii0, jj0, ba0, bb0, sg0)
                compute_w(ww0)
                for h in h_i1:
                    h.wait()
                h_g1 = issue_gathers(ii1, jj1, ba1, bb1, sg1)
                compute_w(ww1)
                for h in h_g0:
                    h.wait()
                scale(ww0, ba0, bb0)
                h_s0 = issue_scatters(ii0, jj0, ba0, bb0, ss0)
                for h in h_g1:
                    h.wait()
                scale(ww1, ba1, bb1)
                h_s1 = issue_scatters(ii1, jj1, ba1, bb1, ss1)
                for h in h_s0 + h_s1:
                    h.wait()

        plsc.subcore_barrier()

        @pl.when(s < 15)
        def _():
            pltpu.sync_copy(acc_sh.at[pl.ds(row0, _S0)],
                            out_hbm.at[c].at[pl.ds(row0, _S0)])

        @pl.when(s == 15)
        def _():
            pltpu.sync_copy(acc_sh.at[pl.ds(15 * _S0, _SLAST)],
                            out_hbm.at[c].at[pl.ds(15 * _S0, _SLAST)])

    return k(charges, ai, aj, dist)


def _tc_combine(parts):
    def body(x_ref, o_ref):
        o_ref[...] = x_ref[0] + x_ref[1]

    return pl.pallas_call(
        body,
        out_shape=jax.ShapeDtypeStruct(parts.shape[1:], parts.dtype),
    )(parts)


def kernel(charges, cell, positions, neighbor_indices, neighbor_distances):
    del cell, positions
    ai = neighbor_indices[:, 0].reshape(_E // 128, 128)
    aj = neighbor_indices[:, 1].reshape(_E // 128, 128)
    parts = _sc_accumulate(charges, ai, aj, neighbor_distances)
    out = _tc_combine(parts.reshape(2, _N * _CP // 128, 128))
    return out.reshape(_N, _CP)[:, :_C]

# --- scband reference (transcript-rebuilt; emitter-appended) ---
"""Pipeline reference for scband-calculator-11690900980006 (READ-ONLY COPY).

The authoritative reference and input builder live on the scoring server;
editing this copy changes nothing except your own understanding.
"""

import jax, jax.numpy as jnp
import numpy as np

N_NODES = 100000
N_EDGES = 6400000
N_CHANNELS = 4


def setup_inputs(seed: int = 0) -> dict:
    key = jax.random.key(seed)
    k1, k2, k3, k4, k5 = jax.random.split(key, 5)
    charges = jax.random.normal(k1, (N_NODES, N_CHANNELS), dtype=jnp.float32)
    cell = jax.random.normal(k2, (3, 3), dtype=jnp.float32)
    positions = jax.random.normal(k3, (N_NODES, 3), dtype=jnp.float32)
    neighbor_indices = jax.random.randint(k4, (N_EDGES, 2), 0, N_NODES, dtype=jnp.int64 if jax.config.read('jax_enable_x64') else jnp.int32).astype(jnp.int32)
    # pair distances: uniform in [0.5, 3.5) to avoid singularities in 1/r
    neighbor_distances = (jax.random.uniform(k5, (N_EDGES,), dtype=jnp.float32) * 3.0 + 0.5)
    return {
        'charges': charges,
        'cell': cell,
        'positions': positions,
        'neighbor_indices': neighbor_indices,
        'neighbor_distances': neighbor_distances,
    }


def reference(charges, cell, positions, neighbor_indices, neighbor_distances):
    # Coulomb potential, smearing=None, exclusion_radius=None, pair_mask=None
    # potentials_bare = potential.from_dist(r) = 1/r
    potentials_bare = 1.0 / neighbor_distances
    atom_is = neighbor_indices[:, 0]
    atom_js = neighbor_indices[:, 1]
    # gather charges of neighbor j, scale by bare pair potential
    contributions_is = charges[atom_js] * potentials_bare[:, None]
    # scatter-add onto node i
    potential = jnp.zeros_like(charges).at[atom_is].add(contributions_is)
    # half neighbor list (full_neighbor_list=False): symmetrize
    contributions_js = charges[atom_is] * potentials_bare[:, None]
    potential = potential.at[atom_js].add(contributions_js)
    return potential / 2

if __name__ == "__main__":
    import jax
    _d = setup_inputs()
    print(jax.jit(kernel)(*tuple(_d.values())))

</pallas_src>

<mosaic_0001>
#map = affine_map<(d0, d1) -> (0, 0)>
#map1 = affine_map<(d0, d1) -> (0)>
#map2 = affine_map<(d0, d1) -> (0, 0, 0)>
module attributes {stable_mosaic.version = 14 : i64} {
  func.func @k(%arg0: i32, %arg1: i32, %arg2: memref<100000x4xf32, #tpu.memory_space<hbm>>, %arg3: memref<50000x128xi32, #tpu.memory_space<hbm>>, %arg4: memref<50000x128xi32, #tpu.memory_space<hbm>>, %arg5: memref<6400000xf32, #tpu.memory_space<hbm>>, %arg6: memref<2x100000x8xf32, #tpu.memory_space<hbm>>, %arg7: memref<100000x8xf32, #tpu.memory_space<vmem_shared>>, %arg8: memref<100000x8xf32, #tpu.memory_space<vmem_shared>>, %arg9: memref<512x4xf32, #tpu.memory_space<vmem>>, %arg10: memref<4x128xi32, #tpu.memory_space<vmem>>, %arg11: memref<4x128xi32, #tpu.memory_space<vmem>>, %arg12: memref<512xf32, #tpu.memory_space<vmem>>, %arg13: memref<512x8xf32, #tpu.memory_space<vmem>>, %arg14: memref<512x8xf32, #tpu.memory_space<vmem>>, %arg15: memref<!tpu.dma_semaphore, #tpu.memory_space<semaphore_mem>>, %arg16: memref<!tpu.dma_semaphore, #tpu.memory_space<semaphore_mem>>, %arg17: memref<!tpu.dma_semaphore, #tpu.memory_space<semaphore_mem>>, %arg18: memref<4x128xi32, #tpu.memory_space<vmem>>, %arg19: memref<4x128xi32, #tpu.memory_space<vmem>>, %arg20: memref<512xf32, #tpu.memory_space<vmem>>, %arg21: memref<512x8xf32, #tpu.memory_space<vmem>>, %arg22: memref<512x8xf32, #tpu.memory_space<vmem>>, %arg23: memref<!tpu.dma_semaphore, #tpu.memory_space<semaphore_mem>>, %arg24: memref<!tpu.dma_semaphore, #tpu.memory_space<semaphore_mem>>, %arg25: memref<!tpu.dma_semaphore, #tpu.memory_space<semaphore_mem>>) attributes {dimension_semantics = [#tpu.dimension_semantics<core_parallel>, #tpu.dimension_semantics<subcore_parallel>], iteration_bounds = array<i64: 2, 16>, scalar_prefetch = 0 : i64, scratch_operands = 19 : i64, tpu.core_type = #tpu.core_type<sc_vector_subcore>, window_params = [{transform_indices = #map}, {transform_indices = #map}, {transform_indices = #map}, {transform_indices = #map1}, {transform_indices = #map2}]} {
    %mul3A = arith.constant 16 : i32
    %mul3A_0 = arith.muli %arg0, %mul3A : i32
    %add3A = arith.addi %mul3A_0, %arg1 : i32
    %iota3A = tpu.iota {dimensions = array<i32: 0>} : vector<16xi32>
    %broadcast_in_dim3A = arith.constant 4 : i32
    %broadcast_in_dim3A_1 = vector.broadcast %broadcast_in_dim3A : i32 to vector<16xi32>
    %rem3A = arith.remsi %iota3A, %broadcast_in_dim3A_1 : vector<16xi32>
    %div3A = arith.divsi %iota3A, %broadcast_in_dim3A_1 : vector<16xi32>
    %broadcast_in_dim3A_2 = arith.constant 0.000000e+00 : f32
    %broadcast_in_dim3A_3 = vector.broadcast %broadcast_in_dim3A_2 : f32 to vector<16xf32>
    %broadcast_in_dim3A_4 = arith.constant 8 : i32
    %broadcast_in_dim3A_5 = vector.broadcast %broadcast_in_dim3A_4 : i32 to vector<16xi32>
    %div3A_6 = arith.divsi %iota3A, %broadcast_in_dim3A_5 : vector<16xi32>
    %broadcast_in_dim3A_7 = arith.constant 8 : i32
    %broadcast_in_dim3A_8 = vector.broadcast %broadcast_in_dim3A_7 : i32 to vector<16xi32>
    %rem3A_9 = arith.remsi %iota3A, %broadcast_in_dim3A_8 : vector<16xi32>
    %scan3A = arith.constant 0 : i32
    %scan3A_10 = arith.constant 256 : i32
    %scan3A_11 = arith.addi %scan3A, %scan3A_10 : i32
    %scan3A_12 = arith.constant 1 : i32
    scf.for %scan3A_38 = %scan3A to %scan3A_11 step %scan3A_12  : i32 {
      %mul3A_39 = arith.constant 1 : i32
      %mul3A_40 = arith.muli %scan3A_38, %mul3A_39 : i32
      %add3A_41 = arith.constant 0 : i32
      %add3A_42 = arith.addi %add3A_41, %mul3A_40 : i32
      %mul3A_43 = arith.constant 2 : i32
      %mul3A_44 = arith.muli %add3A_42, %mul3A_43 : i32
      %add3A_45 = vector.broadcast %mul3A_44 : i32 to vector<16xi32>
      %add3A_46 = arith.addi %div3A_6, %add3A_45 : vector<16xi32>
      tpu.vector_store_idx %arg14[%add3A_46, %rem3A_9], %broadcast_in_dim3A_3 : memref<512x8xf32, #tpu.memory_space<vmem>>[vector<16xi32>, vector<16xi32>], vector<16xf32>,
    }
    %scan3A_13 = arith.constant 256 : i32
    %mul3A_14 = arith.constant 6256 : i32
    %mul3A_15 = arith.muli %arg1, %mul3A_14 : i32
    %multiple_of3A = tpu.assume_multiple %mul3A_15, 8 : i32
    %lt3A = arith.constant 15 : i32
    %lt3A_16 = arith.cmpi slt, %arg1, %lt3A : i32
    %convert_element_type3A = arith.extui %lt3A_16 : i1 to i32
    %cond3A = arith.constant 0 : i32
    %cond3A_17 = arith.cmpi ne, %convert_element_type3A, %cond3A : i32
    scf.if %cond3A_17 {
      %scan3A_38 = arith.constant 0 : i32
      %scan3A_39 = arith.constant 12 : i32
      %scan3A_40 = arith.addi %scan3A_38, %scan3A_39 : i32
      %scan3A_41 = arith.constant 1 : i32
      scf.for %scan3A_50 = %scan3A_38 to %scan3A_40 step %scan3A_41  : i32 {
        %mul3A_51 = arith.constant 1 : i32
        %mul3A_52 = arith.muli %scan3A_50, %mul3A_51 : i32
        %add3A_53 = arith.constant 0 : i32
        %add3A_54 = arith.addi %add3A_53, %mul3A_52 : i32
        %mul3A_55 = arith.constant 512 : i32
        %mul3A_56 = arith.muli %add3A_54, %mul3A_55 : i32
        %add3A_57 = arith.addi %multiple_of3A, %mul3A_56 : i32
        "tpu.region"() ({
          %run_scoped3A = tpu.sem_alloc : memref<!tpu.dma_semaphore, #tpu.memory_space<semaphore_mem>>
          %dma_start3A = arith.constant 0 : i32
          %dma_start3A_63 = arith.constant 0 : i32
          %dma_start3A_64 = tpu.memref_slice %arg9[%dma_start3A, %dma_start3A_63] : memref<512x4xf32, #tpu.memory_space<vmem>> -> memref<512x4xf32, #tpu.memory_space<vmem>>
          %dma_start3A_65 = arith.constant 0 : i32
          %dma_start3A_66 = tpu.memref_slice %arg2[%add3A_57, %dma_start3A_65] : memref<100000x4xf32, #tpu.memory_space<hbm>> -> memref<512x4xf32, #tpu.memory_space<hbm>>
          %dma_start3A_67 = arith.constant 0 : i32
          %dma_start3A_68 = arith.constant 0 : i32
          %dma_start3A_69 = tpu.memref_slice %arg9[%dma_start3A_67, %dma_start3A_68] : memref<512x4xf32, #tpu.memory_space<vmem>> -> memref<512x4xf32, #tpu.memory_space<vmem>>
          %dma_start3A_70 = arith.constant 0 : i32
          %dma_start3A_71 = tpu.memref_slice %arg2[%add3A_57, %dma_start3A_70] : memref<100000x4xf32, #tpu.memory_space<hbm>> -> memref<512x4xf32, #tpu.memory_space<hbm>>
          tpu.enqueue_dma source(%dma_start3A_71 : memref<512x4xf32, #tpu.memory_space<hbm>>) target(%dma_start3A_69 : memref<512x4xf32, #tpu.memory_space<vmem>>) target_semaphore(%run_scoped3A : memref<!tpu.dma_semaphore, #tpu.memory_space<semaphore_mem>>)
          %dma_wait3A = arith.constant 0 : i32
          %dma_wait3A_72 = arith.constant 0 : i32
          %dma_wait3A_73 = tpu.memref_slice %arg9[%dma_wait3A, %dma_wait3A_72] : memref<512x4xf32, #tpu.memory_space<vmem>> -> memref<512x4xf32, #tpu.memory_space<vmem>>
          %dma_wait3A_74 = arith.constant 0 : i32
          %dma_wait3A_75 = tpu.memref_slice %arg2[%add3A_57, %dma_wait3A_74] : memref<100000x4xf32, #tpu.memory_space<hbm>> -> memref<512x4xf32, #tpu.memory_space<hbm>>
          %dma_wait3A_76 = arith.constant 0 : i32
          %dma_wait3A_77 = arith.constant 0 : i32
          %dma_wait3A_78 = tpu.memref_slice %arg9[%dma_wait3A_76, %dma_wait3A_77] : memref<512x4xf32, #tpu.memory_space<vmem>> -> memref<512x4xf32, #tpu.memory_space<vmem>>
          %dma_wait3A_79 = arith.constant 0 : i32
          %dma_wait3A_80 = tpu.memref_slice %arg2[%add3A_57, %dma_wait3A_79] : memref<100000x4xf32, #tpu.memory_space<hbm>> -> memref<512x4xf32, #tpu.memory_space<hbm>>
          tpu.wait_dma2 semaphore(%run_scoped3A : memref<!tpu.dma_semaphore, #tpu.memory_space<semaphore_mem>>) src(%dma_wait3A_80 : memref<512x4xf32, #tpu.memory_space<hbm>>) dst(%dma_wait3A_78 : memref<512x4xf32, #tpu.memory_space<vmem>>)
          tpu.yield
        }) : () -> ()
        %scan3A_58 = arith.constant 0 : i32
        %scan3A_59 = arith.constant 128 : i32
        %scan3A_60 = arith.addi %scan3A_58, %scan3A_59 : i32
        %scan3A_61 = arith.constant 1 : i32
        scf.for %scan3A_63 = %scan3A_58 to %scan3A_60 step %scan3A_61  : i32 {
          %mul3A_64 = arith.constant 1 : i32
          %mul3A_65 = arith.muli %scan3A_63, %mul3A_64 : i32
          %add3A_66 = arith.constant 0 : i32
          %add3A_67 = arith.addi %add3A_66, %mul3A_65 : i32
          %mul3A_68 = arith.constant 4 : i32
          %mul3A_69 = arith.muli %add3A_67, %mul3A_68 : i32
          %add3A_70 = vector.broadcast %mul3A_69 : i32 to vector<16xi32>
          %add3A_71 = arith.addi %div3A, %add3A_70 : vector<16xi32>
          %gather3A = tpu.vector_load_idx %arg9[%add3A_71, %rem3A] : memref<512x4xf32, #tpu.memory_space<vmem>>[vector<16xi32>, vector<16xi32>], vector<16xf32>,
          tpu.vector_store_idx %arg13[%add3A_71, %rem3A], %gather3A : memref<512x8xf32, #tpu.memory_space<vmem>>[vector<16xi32>, vector<16xi32>], vector<16xf32>,
        }
        %scan3A_62 = arith.constant 128 : i32
        "tpu.region"() ({
          %run_scoped3A = tpu.sem_alloc : memref<!tpu.dma_semaphore, #tpu.memory_space<semaphore_mem>>
          %dma_start3A = arith.constant 0 : i32
          %dma_start3A_63 = arith.constant 0 : i32
          %dma_start3A_64 = tpu.memref_slice %arg13[%dma_start3A, %dma_start3A_63] : memref<512x8xf32, #tpu.memory_space<vmem>> -> memref<512x8xf32, #tpu.memory_space<vmem>>
          %dma_start3A_65 = arith.constant 0 : i32
          %dma_start3A_66 = tpu.memref_slice %arg7[%add3A_57, %dma_start3A_65] : memref<100000x8xf32, #tpu.memory_space<vmem_shared>> -> memref<512x8xf32, #tpu.memory_space<vmem_shared>>
          %dma_start3A_67 = arith.constant 0 : i32
          %dma_start3A_68 = tpu.memref_slice %arg7[%add3A_57, %dma_start3A_67] : memref<100000x8xf32, #tpu.memory_space<vmem_shared>> -> memref<512x8xf32, #tpu.memory_space<vmem_shared>>
          %dma_start3A_69 = arith.constant 0 : i32
          %dma_start3A_70 = arith.constant 0 : i32
          %dma_start3A_71 = tpu.memref_slice %arg13[%dma_start3A_69, %dma_start3A_70] : memref<512x8xf32, #tpu.memory_space<vmem>> -> memref<512x8xf32, #tpu.memory_space<vmem>>
          tpu.enqueue_dma source(%dma_start3A_71 : memref<512x8xf32, #tpu.memory_space<vmem>>) target(%dma_start3A_68 : memref<512x8xf32, #tpu.memory_space<vmem_shared>>) target_semaphore(%run_scoped3A : memref<!tpu.dma_semaphore, #tpu.memory_space<semaphore_mem>>)
          %dma_wait3A = arith.constant 0 : i32
          %dma_wait3A_72 = arith.constant 0 : i32
          %dma_wait3A_73 = tpu.memref_slice %arg13[%dma_wait3A, %dma_wait3A_72] : memref<512x8xf32, #tpu.memory_space<vmem>> -> memref<512x8xf32, #tpu.memory_space<vmem>>
          %dma_wait3A_74 = arith.constant 0 : i32
          %dma_wait3A_75 = tpu.memref_slice %arg7[%add3A_57, %dma_wait3A_74] : memref<100000x8xf32, #tpu.memory_space<vmem_shared>> -> memref<512x8xf32, #tpu.memory_space<vmem_shared>>
          %dma_wait3A_76 = arith.constant 0 : i32
          %dma_wait3A_77 = tpu.memref_slice %arg7[%add3A_57, %dma_wait3A_76] : memref<100000x8xf32, #tpu.memory_space<vmem_shared>> -> memref<512x8xf32, #tpu.memory_space<vmem_shared>>
          %dma_wait3A_78 = arith.constant 0 : i32
          %dma_wait3A_79 = arith.constant 0 : i32
          %dma_wait3A_80 = tpu.memref_slice %arg13[%dma_wait3A_78, %dma_wait3A_79] : memref<512x8xf32, #tpu.memory_space<vmem>> -> memref<512x8xf32, #tpu.memory_space<vmem>>
          tpu.wait_dma2 semaphore(%run_scoped3A : memref<!tpu.dma_semaphore, #tpu.memory_space<semaphore_mem>>) src(%dma_wait3A_80 : memref<512x8xf32, #tpu.memory_space<vmem>>) dst(%dma_wait3A_77 : memref<512x8xf32, #tpu.memory_space<vmem_shared>>)
          tpu.yield
        }) : () -> ()
        "tpu.region"() ({
          %run_scoped3A = tpu.sem_alloc : memref<!tpu.dma_semaphore, #tpu.memory_space<semaphore_mem>>
          %dma_start3A = arith.constant 0 : i32
          %dma_start3A_63 = arith.constant 0 : i32
          %dma_start3A_64 = tpu.memref_slice %arg14[%dma_start3A, %dma_start3A_63] : memref<512x8xf32, #tpu.memory_space<vmem>> -> memref<512x8xf32, #tpu.memory_space<vmem>>
          %dma_start3A_65 = arith.constant 0 : i32
          %dma_start3A_66 = tpu.memref_slice %arg8[%add3A_57, %dma_start3A_65] : memref<100000x8xf32, #tpu.memory_space<vmem_shared>> -> memref<512x8xf32, #tpu.memory_space<vmem_shared>>
          %dma_start3A_67 = arith.constant 0 : i32
          %dma_start3A_68 = tpu.memref_slice %arg8[%add3A_57, %dma_start3A_67] : memref<100000x8xf32, #tpu.memory_space<vmem_shared>> -> memref<512x8xf32, #tpu.memory_space<vmem_shared>>
          %dma_start3A_69 = arith.constant 0 : i32
          %dma_start3A_70 = arith.constant 0 : i32
          %dma_start3A_71 = tpu.memref_slice %arg14[%dma_start3A_69, %dma_start3A_70] : memref<512x8xf32, #tpu.memory_space<vmem>> -> memref<512x8xf32, #tpu.memory_space<vmem>>
          tpu.enqueue_dma source(%dma_start3A_71 : memref<512x8xf32, #tpu.memory_space<vmem>>) target(%dma_start3A_68 : memref<512x8xf32, #tpu.memory_space<vmem_shared>>) target_semaphore(%run_scoped3A : memref<!tpu.dma_semaphore, #tpu.memory_space<semaphore_mem>>)
          %dma_wait3A = arith.constant 0 : i32
          %dma_wait3A_72 = arith.constant 0 : i32
          %dma_wait3A_73 = tpu.memref_slice %arg14[%dma_wait3A, %dma_wait3A_72] : memref<512x8xf32, #tpu.memory_space<vmem>> -> memref<512x8xf32, #tpu.memory_space<vmem>>
          %dma_wait3A_74 = arith.constant 0 : i32
          %dma_wait3A_75 = tpu.memref_slice %arg8[%add3A_57, %dma_wait3A_74] : memref<100000x8xf32, #tpu.memory_space<vmem_shared>> -> memref<512x8xf32, #tpu.memory_space<vmem_shared>>
          %dma_wait3A_76 = arith.constant 0 : i32
          %dma_wait3A_77 = tpu.memref_slice %arg8[%add3A_57, %dma_wait3A_76] : memref<100000x8xf32, #tpu.memory_space<vmem_shared>> -> memref<512x8xf32, #tpu.memory_space<vmem_shared>>
          %dma_wait3A_78 = arith.constant 0 : i32
          %dma_wait3A_79 = arith.constant 0 : i32
          %dma_wait3A_80 = tpu.memref_slice %arg14[%dma_wait3A_78, %dma_wait3A_79] : memref<512x8xf32, #tpu.memory_space<vmem>> -> memref<512x8xf32, #tpu.memory_space<vmem>>
          tpu.wait_dma2 semaphore(%run_scoped3A : memref<!tpu.dma_semaphore, #tpu.memory_space<semaphore_mem>>) src(%dma_wait3A_80 : memref<512x8xf32, #tpu.memory_space<vmem>>) dst(%dma_wait3A_77 : memref<512x8xf32, #tpu.memory_space<vmem_shared>>)
          tpu.yield
        }) : () -> ()
      }
      %scan3A_42 = arith.constant 12 : i32
      %add3A_43 = arith.constant 6144 : i32
      %add3A_44 = arith.addi %multiple_of3A, %add3A_43 : i32
      "tpu.region"() ({
        %run_scoped3A = tpu.sem_alloc : memref<!tpu.dma_semaphore, #tpu.memory_space<semaphore_mem>>
        %dma_start3A = arith.constant 0 : i32
        %dma_start3A_50 = arith.constant 0 : i32
        %dma_start3A_51 = tpu.memref_slice %arg9[%dma_start3A, %dma_start3A_50] : memref<512x4xf32, #tpu.memory_space<vmem>> -> memref<112x4xf32, #tpu.memory_space<vmem>>
        %dma_start3A_52 = arith.constant 0 : i32
        %dma_start3A_53 = tpu.memref_slice %arg2[%add3A_44, %dma_start3A_52] : memref<100000x4xf32, #tpu.memory_space<hbm>> -> memref<112x4xf32, #tpu.memory_space<hbm>>
        %dma_start3A_54 = arith.constant 0 : i32
        %dma_start3A_55 = arith.constant 0 : i32
        %dma_start3A_56 = tpu.memref_slice %arg9[%dma_start3A_54, %dma_start3A_55] : memref<512x4xf32, #tpu.memory_space<vmem>> -> memref<112x4xf32, #tpu.memory_space<vmem>>
        %dma_start3A_57 = arith.constant 0 : i32
        %dma_start3A_58 = tpu.memref_slice %arg2[%add3A_44, %dma_start3A_57] : memref<100000x4xf32, #tpu.memory_space<hbm>> -> memref<112x4xf32, #tpu.memory_space<hbm>>
        tpu.enqueue_dma source(%dma_start3A_58 : memref<112x4xf32, #tpu.memory_space<hbm>>) target(%dma_start3A_56 : memref<112x4xf32, #tpu.memory_space<vmem>>) target_semaphore(%run_scoped3A : memref<!tpu.dma_semaphore, #tpu.memory_space<semaphore_mem>>)
        %dma_wait3A = arith.constant 0 : i32
        %dma_wait3A_59 = arith.constant 0 : i32
        %dma_wait3A_60 = tpu.memref_slice %arg9[%dma_wait3A, %dma_wait3A_59] : memref<512x4xf32, #tpu.memory_space<vmem>> -> memref<112x4xf32, #tpu.memory_space<vmem>>
        %dma_wait3A_61 = arith.constant 0 : i32
        %dma_wait3A_62 = tpu.memref_slice %arg2[%add3A_44, %dma_wait3A_61] : memref<100000x4xf32, #tpu.memory_space<hbm>> -> memref<112x4xf32, #tpu.memory_space<hbm>>
        %dma_wait3A_63 = arith.constant 0 : i32
        %dma_wait3A_64 = arith.constant 0 : i32
        %dma_wait3A_65 = tpu.memref_slice %arg9[%dma_wait3A_63, %dma_wait3A_64] : memref<512x4xf32, #tpu.memory_space<vmem>> -> memref<112x4xf32, #tpu.memory_space<vmem>>
        %dma_wait3A_66 = arith.constant 0 : i32
        %dma_wait3A_67 = tpu.memref_slice %arg2[%add3A_44, %dma_wait3A_66] : memref<100000x4xf32, #tpu.memory_space<hbm>> -> memref<112x4xf32, #tpu.memory_space<hbm>>
        tpu.wait_dma2 semaphore(%run_scoped3A : memref<!tpu.dma_semaphore, #tpu.memory_space<semaphore_mem>>) src(%dma_wait3A_67 : memref<112x4xf32, #tpu.memory_space<hbm>>) dst(%dma_wait3A_65 : memref<112x4xf32, #tpu.memory_space<vmem>>)
        tpu.yield
      }) : () -> ()
      %scan3A_45 = arith.constant 0 : i32
      %scan3A_46 = arith.constant 28 : i32
      %scan3A_47 = arith.addi %scan3A_45, %scan3A_46 : i32
      %scan3A_48 = arith.constant 1 : i32
      scf.for %scan3A_50 = %scan3A_45 to %scan3A_47 step %scan3A_48  : i32 {
        %mul3A_51 = arith.constant 1 : i32
        %mul3A_52 = arith.muli %scan3A_50, %mul3A_51 : i32
        %add3A_53 = arith.constant 0 : i32
        %add3A_54 = arith.addi %add3A_53, %mul3A_52 : i32
        %mul3A_55 = arith.constant 4 : i32
        %mul3A_56 = arith.muli %add3A_54, %mul3A_55 : i32
        %add3A_57 = vector.broadcast %mul3A_56 : i32 to vector<16xi32>
        %add3A_58 = arith.addi %div3A, %add3A_57 : vector<16xi32>
        %gather3A = tpu.vector_load_idx %arg9[%add3A_58, %rem3A] : memref<512x4xf32, #tpu.memory_space<vmem>>[vector<16xi32>, vector<16xi32>], vector<16xf32>,
        tpu.vector_store_idx %arg13[%add3A_58, %rem3A], %gather3A : memref<512x8xf32, #tpu.memory_space<vmem>>[vector<16xi32>, vector<16xi32>], vector<16xf32>,
      }
      %scan3A_49 = arith.constant 28 : i32
      "tpu.region"() ({
        %run_scoped3A = tpu.sem_alloc : memref<!tpu.dma_semaphore, #tpu.memory_space<semaphore_mem>>
        %dma_start3A = arith.constant 0 : i32
        %dma_start3A_50 = arith.constant 0 : i32
        %dma_start3A_51 = tpu.memref_slice %arg13[%dma_start3A, %dma_start3A_50] : memref<512x8xf32, #tpu.memory_space<vmem>> -> memref<112x8xf32, #tpu.memory_space<vmem>>
        %dma_start3A_52 = arith.constant 0 : i32
        %dma_start3A_53 = tpu.memref_slice %arg7[%add3A_44, %dma_start3A_52] : memref<100000x8xf32, #tpu.memory_space<vmem_shared>> -> memref<112x8xf32, #tpu.memory_space<vmem_shared>>
        %dma_start3A_54 = arith.constant 0 : i32
        %dma_start3A_55 = tpu.memref_slice %arg7[%add3A_44, %dma_start3A_54] : memref<100000x8xf32, #tpu.memory_space<vmem_shared>> -> memref<112x8xf32, #tpu.memory_space<vmem_shared>>
        %dma_start3A_56 = arith.constant 0 : i32
        %dma_start3A_57 = arith.constant 0 : i32
        %dma_start3A_58 = tpu.memref_slice %arg13[%dma_start3A_56, %dma_start3A_57] : memref<512x8xf32, #tpu.memory_space<vmem>> -> memref<112x8xf32, #tpu.memory_space<vmem>>
        tpu.enqueue_dma source(%dma_start3A_58 : memref<112x8xf32, #tpu.memory_space<vmem>>) target(%dma_start3A_55 : memref<112x8xf32, #tpu.memory_space<vmem_shared>>) target_semaphore(%run_scoped3A : memref<!tpu.dma_semaphore, #tpu.memory_space<semaphore_mem>>)
        %dma_wait3A = arith.constant 0 : i32
        %dma_wait3A_59 = arith.constant 0 : i32
        %dma_wait3A_60 = tpu.memref_slice %arg13[%dma_wait3A, %dma_wait3A_59] : memref<512x8xf32, #tpu.memory_space<vmem>> -> memref<112x8xf32, #tpu.memory_space<vmem>>
        %dma_wait3A_61 = arith.constant 0 : i32
        %dma_wait3A_62 = tpu.memref_slice %arg7[%add3A_44, %dma_wait3A_61] : memref<100000x8xf32, #tpu.memory_space<vmem_shared>> -> memref<112x8xf32, #tpu.memory_space<vmem_shared>>
        %dma_wait3A_63 = arith.constant 0 : i32
        %dma_wait3A_64 = tpu.memref_slice %arg7[%add3A_44, %dma_wait3A_63] : memref<100000x8xf32, #tpu.memory_space<vmem_shared>> -> memref<112x8xf32, #tpu.memory_space<vmem_shared>>
        %dma_wait3A_65 = arith.constant 0 : i32
        %dma_wait3A_66 = arith.constant 0 : i32
        %dma_wait3A_67 = tpu.memref_slice %arg13[%dma_wait3A_65, %dma_wait3A_66] : memref<512x8xf32, #tpu.memory_space<vmem>> -> memref<112x8xf32, #tpu.memory_space<vmem>>
        tpu.wait_dma2 semaphore(%run_scoped3A : memref<!tpu.dma_semaphore, #tpu.memory_space<semaphore_mem>>) src(%dma_wait3A_67 : memref<112x8xf32, #tpu.memory_space<vmem>>) dst(%dma_wait3A_64 : memref<112x8xf32, #tpu.memory_space<vmem_shared>>)
        tpu.yield
      }) : () -> ()
      "tpu.region"() ({
        %run_scoped3A = tpu.sem_alloc : memref<!tpu.dma_semaphore, #tpu.memory_space<semaphore_mem>>
        %dma_start3A = arith.constant 0 : i32
        %dma_start3A_50 = arith.constant 0 : i32
        %dma_start3A_51 = tpu.memref_slice %arg14[%dma_start3A, %dma_start3A_50] : memref<512x8xf32, #tpu.memory_space<vmem>> -> memref<112x8xf32, #tpu.memory_space<vmem>>
        %dma_start3A_52 = arith.constant 0 : i32
        %dma_start3A_53 = tpu.memref_slice %arg8[%add3A_44, %dma_start3A_52] : memref<100000x8xf32, #tpu.memory_space<vmem_shared>> -> memref<112x8xf32, #tpu.memory_space<vmem_shared>>
        %dma_start3A_54 = arith.constant 0 : i32
        %dma_start3A_55 = tpu.memref_slice %arg8[%add3A_44, %dma_start3A_54] : memref<100000x8xf32, #tpu.memory_space<vmem_shared>> -> memref<112x8xf32, #tpu.memory_space<vmem_shared>>
        %dma_start3A_56 = arith.constant 0 : i32
        %dma_start3A_57 = arith.constant 0 : i32
        %dma_start3A_58 = tpu.memref_slice %arg14[%dma_start3A_56, %dma_start3A_57] : memref<512x8xf32, #tpu.memory_space<vmem>> -> memref<112x8xf32, #tpu.memory_space<vmem>>
        tpu.enqueue_dma source(%dma_start3A_58 : memref<112x8xf32, #tpu.memory_space<vmem>>) target(%dma_start3A_55 : memref<112x8xf32, #tpu.memory_space<vmem_shared>>) target_semaphore(%run_scoped3A : memref<!tpu.dma_semaphore, #tpu.memory_space<semaphore_mem>>)
        %dma_wait3A = arith.constant 0 : i32
        %dma_wait3A_59 = arith.constant 0 : i32
        %dma_wait3A_60 = tpu.memref_slice %arg14[%dma_wait3A, %dma_wait3A_59] : memref<512x8xf32, #tpu.memory_space<vmem>> -> memref<112x8xf32, #tpu.memory_space<vmem>>
        %dma_wait3A_61 = arith.constant 0 : i32
        %dma_wait3A_62 = tpu.memref_slice %arg8[%add3A_44, %dma_wait3A_61] : memref<100000x8xf32, #tpu.memory_space<vmem_shared>> -> memref<112x8xf32, #tpu.memory_space<vmem_shared>>
        %dma_wait3A_63 = arith.constant 0 : i32
        %dma_wait3A_64 = tpu.memref_slice %arg8[%add3A_44, %dma_wait3A_63] : memref<100000x8xf32, #tpu.memory_space<vmem_shared>> -> memref<112x8xf32, #tpu.memory_space<vmem_shared>>
        %dma_wait3A_65 = arith.constant 0 : i32
        %dma_wait3A_66 = arith.constant 0 : i32
        %dma_wait3A_67 = tpu.memref_slice %arg14[%dma_wait3A_65, %dma_wait3A_66] : memref<512x8xf32, #tpu.memory_space<vmem>> -> memref<112x8xf32, #tpu.memory_space<vmem>>
        tpu.wait_dma2 semaphore(%run_scoped3A : memref<!tpu.dma_semaphore, #tpu.memory_space<semaphore_mem>>) src(%dma_wait3A_67 : memref<112x8xf32, #tpu.memory_space<vmem>>) dst(%dma_wait3A_64 : memref<112x8xf32, #tpu.memory_space<vmem_shared>>)
        tpu.yield
      }) : () -> ()
    } else {
    }
    %eq3A = arith.constant 15 : i32
    %eq3A_18 = arith.cmpi eq, %arg1, %eq3A : i32
    %convert_element_type3A_19 = arith.extui %eq3A_18 : i1 to i32
    %cond3A_20 = arith.constant 0 : i32
    %cond3A_21 = arith.cmpi ne, %convert_element_type3A_19, %cond3A_20 : i32
    scf.if %cond3A_21 {
      %scan3A_38 = arith.constant 0 : i32
      %scan3A_39 = arith.constant 12 : i32
      %scan3A_40 = arith.addi %scan3A_38, %scan3A_39 : i32
      %scan3A_41 = arith.constant 1 : i32
      scf.for %scan3A_48 = %scan3A_38 to %scan3A_40 step %scan3A_41  : i32 {
        %mul3A_49 = arith.constant 1 : i32
        %mul3A_50 = arith.muli %scan3A_48, %mul3A_49 : i32
        %add3A_51 = arith.constant 0 : i32
        %add3A_52 = arith.addi %add3A_51, %mul3A_50 : i32
        %mul3A_53 = arith.constant 512 : i32
        %mul3A_54 = arith.muli %add3A_52, %mul3A_53 : i32
        %add3A_55 = arith.constant 93840 : i32
        %add3A_56 = arith.addi %add3A_55, %mul3A_54 : i32
        "tpu.region"() ({
          %run_scoped3A = tpu.sem_alloc : memref<!tpu.dma_semaphore, #tpu.memory_space<semaphore_mem>>
          %dma_start3A = arith.constant 0 : i32
          %dma_start3A_62 = arith.constant 0 : i32
          %dma_start3A_63 = tpu.memref_slice %arg9[%dma_start3A, %dma_start3A_62] : memref<512x4xf32, #tpu.memory_space<vmem>> -> memref<512x4xf32, #tpu.memory_space<vmem>>
          %dma_start3A_64 = arith.constant 0 : i32
          %dma_start3A_65 = tpu.memref_slice %arg2[%add3A_56, %dma_start3A_64] : memref<100000x4xf32, #tpu.memory_space<hbm>> -> memref<512x4xf32, #tpu.memory_space<hbm>>
          %dma_start3A_66 = arith.constant 0 : i32
          %dma_start3A_67 = arith.constant 0 : i32
          %dma_start3A_68 = tpu.memref_slice %arg9[%dma_start3A_66, %dma_start3A_67] : memref<512x4xf32, #tpu.memory_space<vmem>> -> memref<512x4xf32, #tpu.memory_space<vmem>>
          %dma_start3A_69 = arith.constant 0 : i32
          %dma_start3A_70 = tpu.memref_slice %arg2[%add3A_56, %dma_start3A_69] : memref<100000x4xf32, #tpu.memory_space<hbm>> -> memref<512x4xf32, #tpu.memory_space<hbm>>
          tpu.enqueue_dma source(%dma_start3A_70 : memref<512x4xf32, #tpu.memory_space<hbm>>) target(%dma_start3A_68 : memref<512x4xf32, #tpu.memory_space<vmem>>) target_semaphore(%run_scoped3A : memref<!tpu.dma_semaphore, #tpu.memory_space<semaphore_mem>>)
          %dma_wait3A = arith.constant 0 : i32
          %dma_wait3A_71 = arith.constant 0 : i32
          %dma_wait3A_72 = tpu.memref_slice %arg9[%dma_wait3A, %dma_wait3A_71] : memref<512x4xf32, #tpu.memory_space<vmem>> -> memref<512x4xf32, #tpu.memory_space<vmem>>
          %dma_wait3A_73 = arith.constant 0 : i32
          %dma_wait3A_74 = tpu.memref_slice %arg2[%add3A_56, %dma_wait3A_73] : memref<100000x4xf32, #tpu.memory_space<hbm>> -> memref<512x4xf32, #tpu.memory_space<hbm>>
          %dma_wait3A_75 = arith.constant 0 : i32
          %dma_wait3A_76 = arith.constant 0 : i32
          %dma_wait3A_77 = tpu.memref_slice %arg9[%dma_wait3A_75, %dma_wait3A_76] : memref<512x4xf32, #tpu.memory_space<vmem>> -> memref<512x4xf32, #tpu.memory_space<vmem>>
          %dma_wait3A_78 = arith.constant 0 : i32
          %dma_wait3A_79 = tpu.memref_slice %arg2[%add3A_56, %dma_wait3A_78] : memref<100000x4xf32, #tpu.memory_space<hbm>> -> memref<512x4xf32, #tpu.memory_space<hbm>>
          tpu.wait_dma2 semaphore(%run_scoped3A : memref<!tpu.dma_semaphore, #tpu.memory_space<semaphore_mem>>) src(%dma_wait3A_79 : memref<512x4xf32, #tpu.memory_space<hbm>>) dst(%dma_wait3A_77 : memref<512x4xf32, #tpu.memory_space<vmem>>)
          tpu.yield
        }) : () -> ()
        %scan3A_57 = arith.constant 0 : i32
        %scan3A_58 = arith.constant 128 : i32
        %scan3A_59 = arith.addi %scan3A_57, %scan3A_58 : i32
        %scan3A_60 = arith.constant 1 : i32
        scf.for %scan3A_62 = %scan3A_57 to %scan3A_59 step %scan3A_60  : i32 {
          %mul3A_63 = arith.constant 1 : i32
          %mul3A_64 = arith.muli %scan3A_62, %mul3A_63 : i32
          %add3A_65 = arith.constant 0 : i32
          %add3A_66 = arith.addi %add3A_65, %mul3A_64 : i32
          %mul3A_67 = arith.constant 4 : i32
          %mul3A_68 = arith.muli %add3A_66, %mul3A_67 : i32
          %add3A_69 = vector.broadcast %mul3A_68 : i32 to vector<16xi32>
          %add3A_70 = arith.addi %div3A, %add3A_69 : vector<16xi32>
          %gather3A = tpu.vector_load_idx %arg9[%add3A_70, %rem3A] : memref<512x4xf32, #tpu.memory_space<vmem>>[vector<16xi32>, vector<16xi32>], vector<16xf32>,
          tpu.vector_store_idx %arg13[%add3A_70, %rem3A], %gather3A : memref<512x8xf32, #tpu.memory_space<vmem>>[vector<16xi32>, vector<16xi32>], vector<16xf32>,
        }
        %scan3A_61 = arith.constant 128 : i32
        "tpu.region"() ({
          %run_scoped3A = tpu.sem_alloc : memref<!tpu.dma_semaphore, #tpu.memory_space<semaphore_mem>>
          %dma_start3A = arith.constant 0 : i32
          %dma_start3A_62 = arith.constant 0 : i32
          %dma_start3A_63 = tpu.memref_slice %arg13[%dma_start3A, %dma_start3A_62] : memref<512x8xf32, #tpu.memory_space<vmem>> -> memref<512x8xf32, #tpu.memory_space<vmem>>
          %dma_start3A_64 = arith.constant 0 : i32
          %dma_start3A_65 = tpu.memref_slice %arg7[%add3A_56, %dma_start3A_64] : memref<100000x8xf32, #tpu.memory_space<vmem_shared>> -> memref<512x8xf32, #tpu.memory_space<vmem_shared>>
          %dma_start3A_66 = arith.constant 0 : i32
          %dma_start3A_67 = tpu.memref_slice %arg7[%add3A_56, %dma_start3A_66] : memref<100000x8xf32, #tpu.memory_space<vmem_shared>> -> memref<512x8xf32, #tpu.memory_space<vmem_shared>>
          %dma_start3A_68 = arith.constant 0 : i32
          %dma_start3A_69 = arith.constant 0 : i32
          %dma_start3A_70 = tpu.memref_slice %arg13[%dma_start3A_68, %dma_start3A_69] : memref<512x8xf32, #tpu.memory_space<vmem>> -> memref<512x8xf32, #tpu.memory_space<vmem>>
          tpu.enqueue_dma source(%dma_start3A_70 : memref<512x8xf32, #tpu.memory_space<vmem>>) target(%dma_start3A_67 : memref<512x8xf32, #tpu.memory_space<vmem_shared>>) target_semaphore(%run_scoped3A : memref<!tpu.dma_semaphore, #tpu.memory_space<semaphore_mem>>)
          %dma_wait3A = arith.constant 0 : i32
          %dma_wait3A_71 = arith.constant 0 : i32
          %dma_wait3A_72 = tpu.memref_slice %arg13[%dma_wait3A, %dma_wait3A_71] : memref<512x8xf32, #tpu.memory_space<vmem>> -> memref<512x8xf32, #tpu.memory_space<vmem>>
          %dma_wait3A_73 = arith.constant 0 : i32
          %dma_wait3A_74 = tpu.memref_slice %arg7[%add3A_56, %dma_wait3A_73] : memref<100000x8xf32, #tpu.memory_space<vmem_shared>> -> memref<512x8xf32, #tpu.memory_space<vmem_shared>>
          %dma_wait3A_75 = arith.constant 0 : i32
          %dma_wait3A_76 = tpu.memref_slice %arg7[%add3A_56, %dma_wait3A_75] : memref<100000x8xf32, #tpu.memory_space<vmem_shared>> -> memref<512x8xf32, #tpu.memory_space<vmem_shared>>
          %dma_wait3A_77 = arith.constant 0 : i32
          %dma_wait3A_78 = arith.constant 0 : i32
          %dma_wait3A_79 = tpu.memref_slice %arg13[%dma_wait3A_77, %dma_wait3A_78] : memref<512x8xf32, #tpu.memory_space<vmem>> -> memref<512x8xf32, #tpu.memory_space<vmem>>
          tpu.wait_dma2 semaphore(%run_scoped3A : memref<!tpu.dma_semaphore, #tpu.memory_space<semaphore_mem>>) src(%dma_wait3A_79 : memref<512x8xf32, #tpu.memory_space<vmem>>) dst(%dma_wait3A_76 : memref<512x8xf32, #tpu.memory_space<vmem_shared>>)
          tpu.yield
        }) : () -> ()
        "tpu.region"() ({
          %run_scoped3A = tpu.sem_alloc : memref<!tpu.dma_semaphore, #tpu.memory_space<semaphore_mem>>
          %dma_start3A = arith.constant 0 : i32
          %dma_start3A_62 = arith.constant 0 : i32
          %dma_start3A_63 = tpu.memref_slice %arg14[%dma_start3A, %dma_start3A_62] : memref<512x8xf32, #tpu.memory_space<vmem>> -> memref<512x8xf32, #tpu.memory_space<vmem>>
          %dma_start3A_64 = arith.constant 0 : i32
          %dma_start3A_65 = tpu.memref_slice %arg8[%add3A_56, %dma_start3A_64] : memref<100000x8xf32, #tpu.memory_space<vmem_shared>> -> memref<512x8xf32, #tpu.memory_space<vmem_shared>>
          %dma_start3A_66 = arith.constant 0 : i32
          %dma_start3A_67 = tpu.memref_slice %arg8[%add3A_56, %dma_start3A_66] : memref<100000x8xf32, #tpu.memory_space<vmem_shared>> -> memref<512x8xf32, #tpu.memory_space<vmem_shared>>
          %dma_start3A_68 = arith.constant 0 : i32
          %dma_start3A_69 = arith.constant 0 : i32
          %dma_start3A_70 = tpu.memref_slice %arg14[%dma_start3A_68, %dma_start3A_69] : memref<512x8xf32, #tpu.memory_space<vmem>> -> memref<512x8xf32, #tpu.memory_space<vmem>>
          tpu.enqueue_dma source(%dma_start3A_70 : memref<512x8xf32, #tpu.memory_space<vmem>>) target(%dma_start3A_67 : memref<512x8xf32, #tpu.memory_space<vmem_shared>>) target_semaphore(%run_scoped3A : memref<!tpu.dma_semaphore, #tpu.memory_space<semaphore_mem>>)
          %dma_wait3A = arith.constant 0 : i32
          %dma_wait3A_71 = arith.constant 0 : i32
          %dma_wait3A_72 = tpu.memref_slice %arg14[%dma_wait3A, %dma_wait3A_71] : memref<512x8xf32, #tpu.memory_space<vmem>> -> memref<512x8xf32, #tpu.memory_space<vmem>>
          %dma_wait3A_73 = arith.constant 0 : i32
          %dma_wait3A_74 = tpu.memref_slice %arg8[%add3A_56, %dma_wait3A_73] : memref<100000x8xf32, #tpu.memory_space<vmem_shared>> -> memref<512x8xf32, #tpu.memory_space<vmem_shared>>
          %dma_wait3A_75 = arith.constant 0 : i32
          %dma_wait3A_76 = tpu.memref_slice %arg8[%add3A_56, %dma_wait3A_75] : memref<100000x8xf32, #tpu.memory_space<vmem_shared>> -> memref<512x8xf32, #tpu.memory_space<vmem_shared>>
          %dma_wait3A_77 = arith.constant 0 : i32
          %dma_wait3A_78 = arith.constant 0 : i32
          %dma_wait3A_79 = tpu.memref_slice %arg14[%dma_wait3A_77, %dma_wait3A_78] : memref<512x8xf32, #tpu.memory_space<vmem>> -> memref<512x8xf32, #tpu.memory_space<vmem>>
          tpu.wait_dma2 semaphore(%run_scoped3A : memref<!tpu.dma_semaphore, #tpu.memory_space<semaphore_mem>>) src(%dma_wait3A_79 : memref<512x8xf32, #tpu.memory_space<vmem>>) dst(%dma_wait3A_76 : memref<512x8xf32, #tpu.memory_space<vmem_shared>>)
          tpu.yield
        }) : () -> ()
      }
      %scan3A_42 = arith.constant 12 : i32
      "tpu.region"() ({
        %run_scoped3A = tpu.sem_alloc : memref<!tpu.dma_semaphore, #tpu.memory_space<semaphore_mem>>
        %dma_start3A = arith.constant 0 : i32
        %dma_start3A_48 = arith.constant 0 : i32
        %dma_start3A_49 = tpu.memref_slice %arg9[%dma_start3A, %dma_start3A_48] : memref<512x4xf32, #tpu.memory_space<vmem>> -> memref<16x4xf32, #tpu.memory_space<vmem>>
        %dma_start3A_50 = arith.constant 99984 : i32
        %dma_start3A_51 = arith.constant 0 : i32
        %dma_start3A_52 = tpu.memref_slice %arg2[%dma_start3A_50, %dma_start3A_51] : memref<100000x4xf32, #tpu.memory_space<hbm>> -> memref<16x4xf32, #tpu.memory_space<hbm>>
        %dma_start3A_53 = arith.constant 0 : i32
        %dma_start3A_54 = arith.constant 0 : i32
        %dma_start3A_55 = tpu.memref_slice %arg9[%dma_start3A_53, %dma_start3A_54] : memref<512x4xf32, #tpu.memory_space<vmem>> -> memref<16x4xf32, #tpu.memory_space<vmem>>
        %dma_start3A_56 = arith.constant 99984 : i32
        %dma_start3A_57 = arith.constant 0 : i32
        %dma_start3A_58 = tpu.memref_slice %arg2[%dma_start3A_56, %dma_start3A_57] : memref<100000x4xf32, #tpu.memory_space<hbm>> -> memref<16x4xf32, #tpu.memory_space<hbm>>
        tpu.enqueue_dma source(%dma_start3A_58 : memref<16x4xf32, #tpu.memory_space<hbm>>) target(%dma_start3A_55 : memref<16x4xf32, #tpu.memory_space<vmem>>) target_semaphore(%run_scoped3A : memref<!tpu.dma_semaphore, #tpu.memory_space<semaphore_mem>>)
        %dma_wait3A = arith.constant 0 : i32
        %dma_wait3A_59 = arith.constant 0 : i32
        %dma_wait3A_60 = tpu.memref_slice %arg9[%dma_wait3A, %dma_wait3A_59] : memref<512x4xf32, #tpu.memory_space<vmem>> -> memref<16x4xf32, #tpu.memory_space<vmem>>
        %dma_wait3A_61 = arith.constant 99984 : i32
        %dma_wait3A_62 = arith.constant 0 : i32
        %dma_wait3A_63 = tpu.memref_slice %arg2[%dma_wait3A_61, %dma_wait3A_62] : memref<100000x4xf32, #tpu.memory_space<hbm>> -> memref<16x4xf32, #tpu.memory_space<hbm>>
        %dma_wait3A_64 = arith.constant 0 : i32
        %dma_wait3A_65 = arith.constant 0 : i32
        %dma_wait3A_66 = tpu.memref_slice %arg9[%dma_wait3A_64, %dma_wait3A_65] : memref<512x4xf32, #tpu.memory_space<vmem>> -> memref<16x4xf32, #tpu.memory_space<vmem>>
        %dma_wait3A_67 = arith.constant 99984 : i32
        %dma_wait3A_68 = arith.constant 0 : i32
        %dma_wait3A_69 = tpu.memref_slice %arg2[%dma_wait3A_67, %dma_wait3A_68] : memref<100000x4xf32, #tpu.memory_space<hbm>> -> memref<16x4xf32, #tpu.memory_space<hbm>>
        tpu.wait_dma2 semaphore(%run_scoped3A : memref<!tpu.dma_semaphore, #tpu.memory_space<semaphore_mem>>) src(%dma_wait3A_69 : memref<16x4xf32, #tpu.memory_space<hbm>>) dst(%dma_wait3A_66 : memref<16x4xf32, #tpu.memory_space<vmem>>)
        tpu.yield
      }) : () -> ()
      %scan3A_43 = arith.constant 0 : i32
      %scan3A_44 = arith.constant 4 : i32
      %scan3A_45 = arith.addi %scan3A_43, %scan3A_44 : i32
      %scan3A_46 = arith.constant 1 : i32
      scf.for %scan3A_48 = %scan3A_43 to %scan3A_45 step %scan3A_46  : i32 {
        %mul3A_49 = arith.constant 1 : i32
        %mul3A_50 = arith.muli %scan3A_48, %mul3A_49 : i32
        %add3A_51 = arith.constant 0 : i32
        %add3A_52 = arith.addi %add3A_51, %mul3A_50 : i32
        %mul3A_53 = arith.constant 4 : i32
        %mul3A_54 = arith.muli %add3A_52, %mul3A_53 : i32
        %add3A_55 = vector.broadcast %mul3A_54 : i32 to vector<16xi32>
        %add3A_56 = arith.addi %div3A, %add3A_55 : vector<16xi32>
        %gather3A = tpu.vector_load_idx %arg9[%add3A_56, %rem3A] : memref<512x4xf32, #tpu.memory_space<vmem>>[vector<16xi32>, vector<16xi32>], vector<16xf32>,
        tpu.vector_store_idx %arg13[%add3A_56, %rem3A], %gather3A : memref<512x8xf32, #tpu.memory_space<vmem>>[vector<16xi32>, vector<16xi32>], vector<16xf32>,
      }
      %scan3A_47 = arith.constant 4 : i32
      "tpu.region"() ({
        %run_scoped3A = tpu.sem_alloc : memref<!tpu.dma_semaphore, #tpu.memory_space<semaphore_mem>>
        %dma_start3A = arith.constant 0 : i32
        %dma_start3A_48 = arith.constant 0 : i32
        %dma_start3A_49 = tpu.memref_slice %arg13[%dma_start3A, %dma_start3A_48] : memref<512x8xf32, #tpu.memory_space<vmem>> -> memref<16x8xf32, #tpu.memory_space<vmem>>
        %dma_start3A_50 = arith.constant 99984 : i32
        %dma_start3A_51 = arith.constant 0 : i32
        %dma_start3A_52 = tpu.memref_slice %arg7[%dma_start3A_50, %dma_start3A_51] : memref<100000x8xf32, #tpu.memory_space<vmem_shared>> -> memref<16x8xf32, #tpu.memory_space<vmem_shared>>
        %dma_start3A_53 = arith.constant 99984 : i32
        %dma_start3A_54 = arith.constant 0 : i32
        %dma_start3A_55 = tpu.memref_slice %arg7[%dma_start3A_53, %dma_start3A_54] : memref<100000x8xf32, #tpu.memory_space<vmem_shared>> -> memref<16x8xf32, #tpu.memory_space<vmem_shared>>
        %dma_start3A_56 = arith.constant 0 : i32
        %dma_start3A_57 = arith.constant 0 : i32
        %dma_start3A_58 = tpu.memref_slice %arg13[%dma_start3A_56, %dma_start3A_57] : memref<512x8xf32, #tpu.memory_space<vmem>> -> memref<16x8xf32, #tpu.memory_space<vmem>>
        tpu.enqueue_dma source(%dma_start3A_58 : memref<16x8xf32, #tpu.memory_space<vmem>>) target(%dma_start3A_55 : memref<16x8xf32, #tpu.memory_space<vmem_shared>>) target_semaphore(%run_scoped3A : memref<!tpu.dma_semaphore, #tpu.memory_space<semaphore_mem>>)
        %dma_wait3A = arith.constant 0 : i32
        %dma_wait3A_59 = arith.constant 0 : i32
        %dma_wait3A_60 = tpu.memref_slice %arg13[%dma_wait3A, %dma_wait3A_59] : memref<512x8xf32, #tpu.memory_space<vmem>> -> memref<16x8xf32, #tpu.memory_space<vmem>>
        %dma_wait3A_61 = arith.constant 99984 : i32
        %dma_wait3A_62 = arith.constant 0 : i32
        %dma_wait3A_63 = tpu.memref_slice %arg7[%dma_wait3A_61, %dma_wait3A_62] : memref<100000x8xf32, #tpu.memory_space<vmem_shared>> -> memref<16x8xf32, #tpu.memory_space<vmem_shared>>
        %dma_wait3A_64 = arith.constant 99984 : i32
        %dma_wait3A_65 = arith.constant 0 : i32
        %dma_wait3A_66 = tpu.memref_slice %arg7[%dma_wait3A_64, %dma_wait3A_65] : memref<100000x8xf32, #tpu.memory_space<vmem_shared>> -> memref<16x8xf32, #tpu.memory_space<vmem_shared>>
        %dma_wait3A_67 = arith.constant 0 : i32
        %dma_wait3A_68 = arith.constant 0 : i32
        %dma_wait3A_69 = tpu.memref_slice %arg13[%dma_wait3A_67, %dma_wait3A_68] : memref<512x8xf32, #tpu.memory_space<vmem>> -> memref<16x8xf32, #tpu.memory_space<vmem>>
        tpu.wait_dma2 semaphore(%run_scoped3A : memref<!tpu.dma_semaphore, #tpu.memory_space<semaphore_mem>>) src(%dma_wait3A_69 : memref<16x8xf32, #tpu.memory_space<vmem>>) dst(%dma_wait3A_66 : memref<16x8xf32, #tpu.memory_space<vmem_shared>>)
        tpu.yield
      }) : () -> ()
      "tpu.region"() ({
        %run_scoped3A = tpu.sem_alloc : memref<!tpu.dma_semaphore, #tpu.memory_space<semaphore_mem>>
        %dma_start3A = arith.constant 0 : i32
        %dma_start3A_48 = arith.constant 0 : i32
        %dma_start3A_49 = tpu.memref_slice %arg14[%dma_start3A, %dma_start3A_48] : memref<512x8xf32, #tpu.memory_space<vmem>> -> memref<16x8xf32, #tpu.memory_space<vmem>>
        %dma_start3A_50 = arith.constant 99984 : i32
        %dma_start3A_51 = arith.constant 0 : i32
        %dma_start3A_52 = tpu.memref_slice %arg8[%dma_start3A_50, %dma_start3A_51] : memref<100000x8xf32, #tpu.memory_space<vmem_shared>> -> memref<16x8xf32, #tpu.memory_space<vmem_shared>>
        %dma_start3A_53 = arith.constant 99984 : i32
        %dma_start3A_54 = arith.constant 0 : i32
        %dma_start3A_55 = tpu.memref_slice %arg8[%dma_start3A_53, %dma_start3A_54] : memref<100000x8xf32, #tpu.memory_space<vmem_shared>> -> memref<16x8xf32, #tpu.memory_space<vmem_shared>>
        %dma_start3A_56 = arith.constant 0 : i32
        %dma_start3A_57 = arith.constant 0 : i32
        %dma_start3A_58 = tpu.memref_slice %arg14[%dma_start3A_56, %dma_start3A_57] : memref<512x8xf32, #tpu.memory_space<vmem>> -> memref<16x8xf32, #tpu.memory_space<vmem>>
        tpu.enqueue_dma source(%dma_start3A_58 : memref<16x8xf32, #tpu.memory_space<vmem>>) target(%dma_start3A_55 : memref<16x8xf32, #tpu.memory_space<vmem_shared>>) target_semaphore(%run_scoped3A : memref<!tpu.dma_semaphore, #tpu.memory_space<semaphore_mem>>)
        %dma_wait3A = arith.constant 0 : i32
        %dma_wait3A_59 = arith.constant 0 : i32
        %dma_wait3A_60 = tpu.memref_slice %arg14[%dma_wait3A, %dma_wait3A_59] : memref<512x8xf32, #tpu.memory_space<vmem>> -> memref<16x8xf32, #tpu.memory_space<vmem>>
        %dma_wait3A_61 = arith.constant 99984 : i32
        %dma_wait3A_62 = arith.constant 0 : i32
        %dma_wait3A_63 = tpu.memref_slice %arg8[%dma_wait3A_61, %dma_wait3A_62] : memref<100000x8xf32, #tpu.memory_space<vmem_shared>> -> memref<16x8xf32, #tpu.memory_space<vmem_shared>>
        %dma_wait3A_64 = arith.constant 99984 : i32
        %dma_wait3A_65 = arith.constant 0 : i32
        %dma_wait3A_66 = tpu.memref_slice %arg8[%dma_wait3A_64, %dma_wait3A_65] : memref<100000x8xf32, #tpu.memory_space<vmem_shared>> -> memref<16x8xf32, #tpu.memory_space<vmem_shared>>
        %dma_wait3A_67 = arith.constant 0 : i32
        %dma_wait3A_68 = arith.constant 0 : i32
        %dma_wait3A_69 = tpu.memref_slice %arg14[%dma_wait3A_67, %dma_wait3A_68] : memref<512x8xf32, #tpu.memory_space<vmem>> -> memref<16x8xf32, #tpu.memory_space<vmem>>
        tpu.wait_dma2 semaphore(%run_scoped3A : memref<!tpu.dma_semaphore, #tpu.memory_space<semaphore_mem>>) src(%dma_wait3A_69 : memref<16x8xf32, #tpu.memory_space<vmem>>) dst(%dma_wait3A_66 : memref<16x8xf32, #tpu.memory_space<vmem_shared>>)
        tpu.yield
      }) : () -> ()
    } else {
    }
    %barrier3A = arith.constant 0 : index
    tpu.barrier barrier_id(%barrier3A)
    %scan3A_22 = arith.constant 0 : i32
    %scan3A_23 = arith.constant 196 : i32
    %scan3A_24 = arith.addi %scan3A_22, %scan3A_23 : i32
    %scan3A_25 = arith.constant 1 : i32
    scf.for %scan3A_38 = %scan3A_22 to %scan3A_24 step %scan3A_25  : i32 {
      %mul3A_39 = arith.constant 1 : i32
      %mul3A_40 = arith.muli %scan3A_38, %mul3A_39 : i32
      %add3A_41 = arith.constant 0 : i32
      %add3A_42 = arith.addi %add3A_41, %mul3A_40 : i32
      %mul3A_43 = arith.constant 32 : i32
      %mul3A_44 = arith.muli %add3A_42, %mul3A_43 : i32
      %add3A_45 = arith.addi %add3A, %mul3A_44 : i32
      %lt3A_46 = arith.constant 6250 : i32
      %lt3A_47 = arith.cmpi slt, %add3A_45, %lt3A_46 : i32
      %convert_element_type3A_48 = arith.extui %lt3A_47 : i1 to i32
      %cond3A_49 = arith.constant 0 : i32
      %cond3A_50 = arith.cmpi ne, %convert_element_type3A_48, %cond3A_49 : i32
      scf.if %cond3A_50 {
        %mul3A_51 = arith.constant 8 : i32
        %mul3A_52 = arith.muli %add3A_45, %mul3A_51 : i32
        %add3A_53 = arith.constant 0 : i32
        %add3A_54 = arith.addi %mul3A_52, %add3A_53 : i32
        %mul3A_55 = arith.constant 1024 : i32
        %mul3A_56 = arith.muli %add3A_45, %mul3A_55 : i32
        %add3A_57 = arith.constant 0 : i32
        %add3A_58 = arith.addi %mul3A_56, %add3A_57 : i32
        %dma_start3A = arith.constant 0 : i32
        %dma_start3A_59 = tpu.memref_slice %arg3[%add3A_54, %dma_start3A] : memref<50000x128xi32, #tpu.memory_space<hbm>> -> memref<4x128xi32, #tpu.memory_space<hbm>>
        %dma_start3A_60 = arith.constant 0 : i32
        %dma_start3A_61 = tpu.memref_slice %arg3[%add3A_54, %dma_start3A_60] : memref<50000x128xi32, #tpu.memory_space<hbm>> -> memref<4x128xi32, #tpu.memory_space<hbm>>
        tpu.enqueue_dma source(%dma_start3A_61 : memref<4x128xi32, #tpu.memory_space<hbm>>) target(%arg10 : memref<4x128xi32, #tpu.memory_space<vmem>>) target_semaphore(%arg15 : memref<!tpu.dma_semaphore, #tpu.memory_space<semaphore_mem>>)
        %dma_start3A_62 = arith.constant 0 : i32
        %dma_start3A_63 = tpu.memref_slice %arg4[%add3A_54, %dma_start3A_62] : memref<50000x128xi32, #tpu.memory_space<hbm>> -> memref<4x128xi32, #tpu.memory_space<hbm>>
        %dma_start3A_64 = arith.constant 0 : i32
        %dma_start3A_65 = tpu.memref_slice %arg4[%add3A_54, %dma_start3A_64] : memref<50000x128xi32, #tpu.memory_space<hbm>> -> memref<4x128xi32, #tpu.memory_space<hbm>>
        tpu.enqueue_dma source(%dma_start3A_65 : memref<4x128xi32, #tpu.memory_space<hbm>>) target(%arg11 : memref<4x128xi32, #tpu.memory_space<vmem>>) target_semaphore(%arg15 : memref<!tpu.dma_semaphore, #tpu.memory_space<semaphore_mem>>)
        %dma_start3A_66 = tpu.memref_slice %arg5[%add3A_58] : memref<6400000xf32, #tpu.memory_space<hbm>> -> memref<512xf32, #tpu.memory_space<hbm>>
        %dma_start3A_67 = tpu.memref_slice %arg5[%add3A_58] : memref<6400000xf32, #tpu.memory_space<hbm>> -> memref<512xf32, #tpu.memory_space<hbm>>
        tpu.enqueue_dma source(%dma_start3A_67 : memref<512xf32, #tpu.memory_space<hbm>>) target(%arg12 : memref<512xf32, #tpu.memory_space<vmem>>) target_semaphore(%arg15 : memref<!tpu.dma_semaphore, #tpu.memory_space<semaphore_mem>>)
        %mul3A_68 = arith.constant 8 : i32
        %mul3A_69 = arith.muli %add3A_45, %mul3A_68 : i32
        %add3A_70 = arith.constant 4 : i32
        %add3A_71 = arith.addi %mul3A_69, %add3A_70 : i32
        %mul3A_72 = arith.constant 1024 : i32
        %mul3A_73 = arith.muli %add3A_45, %mul3A_72 : i32
        %add3A_74 = arith.constant 512 : i32
        %add3A_75 = arith.addi %mul3A_73, %add3A_74 : i32
        %dma_start3A_76 = arith.constant 0 : i32
        %dma_start3A_77 = tpu.memref_slice %arg3[%add3A_71, %dma_start3A_76] : memref<50000x128xi32, #tpu.memory_space<hbm>> -> memref<4x128xi32, #tpu.memory_space<hbm>>
        %dma_start3A_78 = arith.constant 0 : i32
        %dma_start3A_79 = tpu.memref_slice %arg3[%add3A_71, %dma_start3A_78] : memref<50000x128xi32, #tpu.memory_space<hbm>> -> memref<4x128xi32, #tpu.memory_space<hbm>>
        tpu.enqueue_dma source(%dma_start3A_79 : memref<4x128xi32, #tpu.memory_space<hbm>>) target(%arg18 : memref<4x128xi32, #tpu.memory_space<vmem>>) target_semaphore(%arg23 : memref<!tpu.dma_semaphore, #tpu.memory_space<semaphore_mem>>)
        %dma_start3A_80 = arith.constant 0 : i32
        %dma_start3A_81 = tpu.memref_slice %arg4[%add3A_71, %dma_start3A_80] : memref<50000x128xi32, #tpu.memory_space<hbm>> -> memref<4x128xi32, #tpu.memory_space<hbm>>
        %dma_start3A_82 = arith.constant 0 : i32
        %dma_start3A_83 = tpu.memref_slice %arg4[%add3A_71, %dma_start3A_82] : memref<50000x128xi32, #tpu.memory_space<hbm>> -> memref<4x128xi32, #tpu.memory_space<hbm>>
        tpu.enqueue_dma source(%dma_start3A_83 : memref<4x128xi32, #tpu.memory_space<hbm>>) target(%arg19 : memref<4x128xi32, #tpu.memory_space<vmem>>) target_semaphore(%arg23 : memref<!tpu.dma_semaphore, #tpu.memory_space<semaphore_mem>>)
        %dma_start3A_84 = tpu.memref_slice %arg5[%add3A_75] : memref<6400000xf32, #tpu.memory_space<hbm>> -> memref<512xf32, #tpu.memory_space<hbm>>
        %dma_start3A_85 = tpu.memref_slice %arg5[%add3A_75] : memref<6400000xf32, #tpu.memory_space<hbm>> -> memref<512xf32, #tpu.memory_space<hbm>>
        tpu.enqueue_dma source(%dma_start3A_85 : memref<512xf32, #tpu.memory_space<hbm>>) target(%arg20 : memref<512xf32, #tpu.memory_space<vmem>>) target_semaphore(%arg23 : memref<!tpu.dma_semaphore, #tpu.memory_space<semaphore_mem>>)
        %dma_wait3A = arith.constant 0 : i32
        %dma_wait3A_86 = tpu.memref_slice %arg3[%add3A_54, %dma_wait3A] : memref<50000x128xi32, #tpu.memory_space<hbm>> -> memref<4x128xi32, #tpu.memory_space<hbm>>
        %dma_wait3A_87 = arith.constant 0 : i32
        %dma_wait3A_88 = tpu.memref_slice %arg3[%add3A_54, %dma_wait3A_87] : memref<50000x128xi32, #tpu.memory_space<hbm>> -> memref<4x128xi32, #tpu.memory_space<hbm>>
        tpu.wait_dma2 semaphore(%arg15 : memref<!tpu.dma_semaphore, #tpu.memory_space<semaphore_mem>>) src(%dma_wait3A_88 : memref<4x128xi32, #tpu.memory_space<hbm>>) dst(%arg10 : memref<4x128xi32, #tpu.memory_space<vmem>>)
        %dma_wait3A_89 = arith.constant 0 : i32
        %dma_wait3A_90 = tpu.memref_slice %arg4[%add3A_54, %dma_wait3A_89] : memref<50000x128xi32, #tpu.memory_space<hbm>> -> memref<4x128xi32, #tpu.memory_space<hbm>>
        %dma_wait3A_91 = arith.constant 0 : i32
        %dma_wait3A_92 = tpu.memref_slice %arg4[%add3A_54, %dma_wait3A_91] : memref<50000x128xi32, #tpu.memory_space<hbm>> -> memref<4x128xi32, #tpu.memory_space<hbm>>
        tpu.wait_dma2 semaphore(%arg15 : memref<!tpu.dma_semaphore, #tpu.memory_space<semaphore_mem>>) src(%dma_wait3A_92 : memref<4x128xi32, #tpu.memory_space<hbm>>) dst(%arg11 : memref<4x128xi32, #tpu.memory_space<vmem>>)
        %dma_wait3A_93 = tpu.memref_slice %arg5[%add3A_58] : memref<6400000xf32, #tpu.memory_space<hbm>> -> memref<512xf32, #tpu.memory_space<hbm>>
        %dma_wait3A_94 = tpu.memref_slice %arg5[%add3A_58] : memref<6400000xf32, #tpu.memory_space<hbm>> -> memref<512xf32, #tpu.memory_space<hbm>>
        tpu.wait_dma2 semaphore(%arg15 : memref<!tpu.dma_semaphore, #tpu.memory_space<semaphore_mem>>) src(%dma_wait3A_94 : memref<512xf32, #tpu.memory_space<hbm>>) dst(%arg12 : memref<512xf32, #tpu.memory_space<vmem>>)
        %dma_start3A_95 = arith.constant 0 : i32
        %dma_start3A_96 = arith.constant 0 : i32
        %dma_start3A_97 = arith.constant 0 : i32
        %dma_start3A_98 = tpu.memref_slice %arg13[%dma_start3A_96, %dma_start3A_97] : memref<512x8xf32, #tpu.memory_space<vmem>> -> memref<128x8xf32, #tpu.memory_space<vmem>>
        %dma_start3A_99 = arith.constant 0 : i32
        %dma_start3A_100 = tpu.memref_slice %arg11[%dma_start3A_95, %dma_start3A_99] : memref<4x128xi32, #tpu.memory_space<vmem>> -> memref<1x128xi32, #tpu.memory_space<vmem>>
        %dma_start3A_101 = tpu.memref_squeeze %dma_start3A_100 : memref<1x128xi32, #tpu.memory_space<vmem>> -> memref<128xi32, #tpu.memory_space<vmem>>
        %dma_start3A_102 = arith.constant 0 : i32
        %dma_start3A_103 = arith.constant 0 : i32
        %dma_start3A_104 = tpu.memref_slice %arg7[%dma_start3A_102, %dma_start3A_103] : memref<100000x8xf32, #tpu.memory_space<vmem_shared>> -> memref<100000x8xf32, #tpu.memory_space<vmem_shared>>
        tpu.enqueue_indirect_dma source(%dma_start3A_104 : memref<100000x8xf32, #tpu.memory_space<vmem_shared>>) target(%dma_start3A_98 : memref<128x8xf32, #tpu.memory_space<vmem>>) offsets(%dma_start3A_101 : memref<128xi32, #tpu.memory_space<vmem>>) semaphore(%arg16 : memref<!tpu.dma_semaphore, #tpu.memory_space<semaphore_mem>>)
        %dma_start3A_105 = arith.constant 0 : i32
        %dma_start3A_106 = arith.constant 0 : i32
        %dma_start3A_107 = arith.constant 0 : i32
        %dma_start3A_108 = tpu.memref_slice %arg14[%dma_start3A_106, %dma_start3A_107] : memref<512x8xf32, #tpu.memory_space<vmem>> -> memref<128x8xf32, #tpu.memory_space<vmem>>
        %dma_start3A_109 = arith.constant 0 : i32
        %dma_start3A_110 = tpu.memref_slice %arg10[%dma_start3A_105, %dma_start3A_109] : memref<4x128xi32, #tpu.memory_space<vmem>> -> memref<1x128xi32, #tpu.memory_space<vmem>>
        %dma_start3A_111 = tpu.memref_squeeze %dma_start3A_110 : memref<1x128xi32, #tpu.memory_space<vmem>> -> memref<128xi32, #tpu.memory_space<vmem>>
        %dma_start3A_112 = arith.constant 0 : i32
        %dma_start3A_113 = arith.constant 0 : i32
        %dma_start3A_114 = tpu.memref_slice %arg7[%dma_start3A_112, %dma_start3A_113] : memref<100000x8xf32, #tpu.memory_space<vmem_shared>> -> memref<100000x8xf32, #tpu.memory_space<vmem_shared>>
        tpu.enqueue_indirect_dma source(%dma_start3A_114 : memref<100000x8xf32, #tpu.memory_space<vmem_shared>>) target(%dma_start3A_108 : memref<128x8xf32, #tpu.memory_space<vmem>>) offsets(%dma_start3A_111 : memref<128xi32, #tpu.memory_space<vmem>>) semaphore(%arg16 : memref<!tpu.dma_semaphore, #tpu.memory_space<semaphore_mem>>)
        %dma_start3A_115 = arith.constant 1 : i32
        %dma_start3A_116 = arith.constant 128 : i32
        %dma_start3A_117 = arith.constant 0 : i32
        %dma_start3A_118 = tpu.memref_slice %arg13[%dma_start3A_116, %dma_start3A_117] : memref<512x8xf32, #tpu.memory_space<vmem>> -> memref<128x8xf32, #tpu.memory_space<vmem>>
        %dma_start3A_119 = arith.constant 0 : i32
        %dma_start3A_120 = tpu.memref_slice %arg11[%dma_start3A_115, %dma_start3A_119] : memref<4x128xi32, #tpu.memory_space<vmem>> -> memref<1x128xi32, #tpu.memory_space<vmem>>
        %dma_start3A_121 = tpu.memref_squeeze %dma_start3A_120 : memref<1x128xi32, #tpu.memory_space<vmem>> -> memref<128xi32, #tpu.memory_space<vmem>>
        %dma_start3A_122 = arith.constant 0 : i32
        %dma_start3A_123 = arith.constant 0 : i32
        %dma_start3A_124 = tpu.memref_slice %arg7[%dma_start3A_122, %dma_start3A_123] : memref<100000x8xf32, #tpu.memory_space<vmem_shared>> -> memref<100000x8xf32, #tpu.memory_space<vmem_shared>>
        tpu.enqueue_indirect_dma source(%dma_start3A_124 : memref<100000x8xf32, #tpu.memory_space<vmem_shared>>) target(%dma_start3A_118 : memref<128x8xf32, #tpu.memory_space<vmem>>) offsets(%dma_start3A_121 : memref<128xi32, #tpu.memory_space<vmem>>) semaphore(%arg16 : memref<!tpu.dma_semaphore, #tpu.memory_space<semaphore_mem>>)
        %dma_start3A_125 = arith.constant 1 : i32
        %dma_start3A_126 = arith.constant 128 : i32
        %dma_start3A_127 = arith.constant 0 : i32
        %dma_start3A_128 = tpu.memref_slice %arg14[%dma_start3A_126, %dma_start3A_127] : memref<512x8xf32, #tpu.memory_space<vmem>> -> memref<128x8xf32, #tpu.memory_space<vmem>>
        %dma_start3A_129 = arith.constant 0 : i32
        %dma_start3A_130 = tpu.memref_slice %arg10[%dma_start3A_125, %dma_start3A_129] : memref<4x128xi32, #tpu.memory_space<vmem>> -> memref<1x128xi32, #tpu.memory_space<vmem>>
        %dma_start3A_131 = tpu.memref_squeeze %dma_start3A_130 : memref<1x128xi32, #tpu.memory_space<vmem>> -> memref<128xi32, #tpu.memory_space<vmem>>
        %dma_start3A_132 = arith.constant 0 : i32
        %dma_start3A_133 = arith.constant 0 : i32
        %dma_start3A_134 = tpu.memref_slice %arg7[%dma_start3A_132, %dma_start3A_133] : memref<100000x8xf32, #tpu.memory_space<vmem_shared>> -> memref<100000x8xf32, #tpu.memory_space<vmem_shared>>
        tpu.enqueue_indirect_dma source(%dma_start3A_134 : memref<100000x8xf32, #tpu.memory_space<vmem_shared>>) target(%dma_start3A_128 : memref<128x8xf32, #tpu.memory_space<vmem>>) offsets(%dma_start3A_131 : memref<128xi32, #tpu.memory_space<vmem>>) semaphore(%arg16 : memref<!tpu.dma_semaphore, #tpu.memory_space<semaphore_mem>>)
        %dma_start3A_135 = arith.constant 2 : i32
        %dma_start3A_136 = arith.constant 256 : i32
        %dma_start3A_137 = arith.constant 0 : i32
        %dma_start3A_138 = tpu.memref_slice %arg13[%dma_start3A_136, %dma_start3A_137] : memref<512x8xf32, #tpu.memory_space<vmem>> -> memref<128x8xf32, #tpu.memory_space<vmem>>
        %dma_start3A_139 = arith.constant 0 : i32
        %dma_start3A_140 = tpu.memref_slice %arg11[%dma_start3A_135, %dma_start3A_139] : memref<4x128xi32, #tpu.memory_space<vmem>> -> memref<1x128xi32, #tpu.memory_space<vmem>>
        %dma_start3A_141 = tpu.memref_squeeze %dma_start3A_140 : memref<1x128xi32, #tpu.memory_space<vmem>> -> memref<128xi32, #tpu.memory_space<vmem>>
        %dma_start3A_142 = arith.constant 0 : i32
        %dma_start3A_143 = arith.constant 0 : i32
        %dma_start3A_144 = tpu.memref_slice %arg7[%dma_start3A_142, %dma_start3A_143] : memref<100000x8xf32, #tpu.memory_space<vmem_shared>> -> memref<100000x8xf32, #tpu.memory_space<vmem_shared>>
        tpu.enqueue_indirect_dma source(%dma_start3A_144 : memref<100000x8xf32, #tpu.memory_space<vmem_shared>>) target(%dma_start3A_138 : memref<128x8xf32, #tpu.memory_space<vmem>>) offsets(%dma_start3A_141 : memref<128xi32, #tpu.memory_space<vmem>>) semaphore(%arg16 : memref<!tpu.dma_semaphore, #tpu.memory_space<semaphore_mem>>)
        %dma_start3A_145 = arith.constant 2 : i32
        %dma_start3A_146 = arith.constant 256 : i32
        %dma_start3A_147 = arith.constant 0 : i32
        %dma_start3A_148 = tpu.memref_slice %arg14[%dma_start3A_146, %dma_start3A_147] : memref<512x8xf32, #tpu.memory_space<vmem>> -> memref<128x8xf32, #tpu.memory_space<vmem>>
        %dma_start3A_149 = arith.constant 0 : i32
        %dma_start3A_150 = tpu.memref_slice %arg10[%dma_start3A_145, %dma_start3A_149] : memref<4x128xi32, #tpu.memory_space<vmem>> -> memref<1x128xi32, #tpu.memory_space<vmem>>
        %dma_start3A_151 = tpu.memref_squeeze %dma_start3A_150 : memref<1x128xi32, #tpu.memory_space<vmem>> -> memref<128xi32, #tpu.memory_space<vmem>>
        %dma_start3A_152 = arith.constant 0 : i32
        %dma_start3A_153 = arith.constant 0 : i32
        %dma_start3A_154 = tpu.memref_slice %arg7[%dma_start3A_152, %dma_start3A_153] : memref<100000x8xf32, #tpu.memory_space<vmem_shared>> -> memref<100000x8xf32, #tpu.memory_space<vmem_shared>>
        tpu.enqueue_indirect_dma source(%dma_start3A_154 : memref<100000x8xf32, #tpu.memory_space<vmem_shared>>) target(%dma_start3A_148 : memref<128x8xf32, #tpu.memory_space<vmem>>) offsets(%dma_start3A_151 : memref<128xi32, #tpu.memory_space<vmem>>) semaphore(%arg16 : memref<!tpu.dma_semaphore, #tpu.memory_space<semaphore_mem>>)
        %dma_start3A_155 = arith.constant 3 : i32
        %dma_start3A_156 = arith.constant 384 : i32
        %dma_start3A_157 = arith.constant 0 : i32
        %dma_start3A_158 = tpu.memref_slice %arg13[%dma_start3A_156, %dma_start3A_157] : memref<512x8xf32, #tpu.memory_space<vmem>> -> memref<128x8xf32, #tpu.memory_space<vmem>>
        %dma_start3A_159 = arith.constant 0 : i32
        %dma_start3A_160 = tpu.memref_slice %arg11[%dma_start3A_155, %dma_start3A_159] : memref<4x128xi32, #tpu.memory_space<vmem>> -> memref<1x128xi32, #tpu.memory_space<vmem>>
        %dma_start3A_161 = tpu.memref_squeeze %dma_start3A_160 : memref<1x128xi32, #tpu.memory_space<vmem>> -> memref<128xi32, #tpu.memory_space<vmem>>
        %dma_start3A_162 = arith.constant 0 : i32
        %dma_start3A_163 = arith.constant 0 : i32
        %dma_start3A_164 = tpu.memref_slice %arg7[%dma_start3A_162, %dma_start3A_163] : memref<100000x8xf32, #tpu.memory_space<vmem_shared>> -> memref<100000x8xf32, #tpu.memory_space<vmem_shared>>
        tpu.enqueue_indirect_dma source(%dma_start3A_164 : memref<100000x8xf32, #tpu.memory_space<vmem_shared>>) target(%dma_start3A_158 : memref<128x8xf32, #tpu.memory_space<vmem>>) offsets(%dma_start3A_161 : memref<128xi32, #tpu.memory_space<vmem>>) semaphore(%arg16 : memref<!tpu.dma_semaphore, #tpu.memory_space<semaphore_mem>>)
        %dma_start3A_165 = arith.constant 3 : i32
        %dma_start3A_166 = arith.constant 384 : i32
        %dma_start3A_167 = arith.constant 0 : i32
        %dma_start3A_168 = tpu.memref_slice %arg14[%dma_start3A_166, %dma_start3A_167] : memref<512x8xf32, #tpu.memory_space<vmem>> -> memref<128x8xf32, #tpu.memory_space<vmem>>
        %dma_start3A_169 = arith.constant 0 : i32
        %dma_start3A_170 = tpu.memref_slice %arg10[%dma_start3A_165, %dma_start3A_169] : memref<4x128xi32, #tpu.memory_space<vmem>> -> memref<1x128xi32, #tpu.memory_space<vmem>>
        %dma_start3A_171 = tpu.memref_squeeze %dma_start3A_170 : memref<1x128xi32, #tpu.memory_space<vmem>> -> memref<128xi32, #tpu.memory_space<vmem>>
        %dma_start3A_172 = arith.constant 0 : i32
        %dma_start3A_173 = arith.constant 0 : i32
        %dma_start3A_174 = tpu.memref_slice %arg7[%dma_start3A_172, %dma_start3A_173] : memref<100000x8xf32, #tpu.memory_space<vmem_shared>> -> memref<100000x8xf32, #tpu.memory_space<vmem_shared>>
        tpu.enqueue_indirect_dma source(%dma_start3A_174 : memref<100000x8xf32, #tpu.memory_space<vmem_shared>>) target(%dma_start3A_168 : memref<128x8xf32, #tpu.memory_space<vmem>>) offsets(%dma_start3A_171 : memref<128xi32, #tpu.memory_space<vmem>>) semaphore(%arg16 : memref<!tpu.dma_semaphore, #tpu.memory_space<semaphore_mem>>)
        %scan3A_175 = arith.constant 0 : i32
        %scan3A_176 = arith.constant 32 : i32
        %scan3A_177 = arith.addi %scan3A_175, %scan3A_176 : i32
        %scan3A_178 = arith.constant 1 : i32
        scf.for %scan3A_760 = %scan3A_175 to %scan3A_177 step %scan3A_178  : i32 {
          %mul3A_761 = arith.constant 1 : i32
          %mul3A_762 = arith.muli %scan3A_760, %mul3A_761 : i32
          %add3A_763 = arith.constant 0 : i32
          %add3A_764 = arith.addi %add3A_763, %mul3A_762 : i32
          %mul3A_765 = arith.constant 16 : i32
          %mul3A_766 = arith.muli %add3A_764, %mul3A_765 : i32
          %get3A = arith.index_cast %mul3A_766 : i32 to index
          %get3A_767 = tpu.vector_load %arg12[%get3A] {strides = array<i32>} : memref<512xf32, #tpu.memory_space<vmem>>, vector<16xf32>,
          %div3A_768 = arith.constant 5.000000e-01 : f32
          %div3A_769 = vector.broadcast %div3A_768 : f32 to vector<16xf32>
          %div3A_770 = arith.divf %div3A_769, %get3A_767 : vector<16xf32>
          %swap3A = arith.index_cast %mul3A_766 : i32 to index
          %swap3A_771 = tpu.vector_load %arg12[%swap3A] {strides = array<i32>} : memref<512xf32, #tpu.memory_space<vmem>>, vector<16xf32>,
          tpu.vector_store %arg12[%swap3A], %div3A_770 {strides = array<i32>} : memref<512xf32, #tpu.memory_space<vmem>>, vector<16xf32>,
        }
        %scan3A_179 = arith.constant 32 : i32
        %dma_wait3A_180 = arith.constant 0 : i32
        %dma_wait3A_181 = tpu.memref_slice %arg3[%add3A_71, %dma_wait3A_180] : memref<50000x128xi32, #tpu.memory_space<hbm>> -> memref<4x128xi32, #tpu.memory_space<hbm>>
        %dma_wait3A_182 = arith.constant 0 : i32
        %dma_wait3A_183 = tpu.memref_slice %arg3[%add3A_71, %dma_wait3A_182] : memref<50000x128xi32, #tpu.memory_space<hbm>> -> memref<4x128xi32, #tpu.memory_space<hbm>>
        tpu.wait_dma2 semaphore(%arg23 : memref<!tpu.dma_semaphore, #tpu.memory_space<semaphore_mem>>) src(%dma_wait3A_183 : memref<4x128xi32, #tpu.memory_space<hbm>>) dst(%arg18 : memref<4x128xi32, #tpu.memory_space<vmem>>)
        %dma_wait3A_184 = arith.constant 0 : i32
        %dma_wait3A_185 = tpu.memref_slice %arg4[%add3A_71, %dma_wait3A_184] : memref<50000x128xi32, #tpu.memory_space<hbm>> -> memref<4x128xi32, #tpu.memory_space<hbm>>
        %dma_wait3A_186 = arith.constant 0 : i32
        %dma_wait3A_187 = tpu.memref_slice %arg4[%add3A_71, %dma_wait3A_186] : memref<50000x128xi32, #tpu.memory_space<hbm>> -> memref<4x128xi32, #tpu.memory_space<hbm>>
        tpu.wait_dma2 semaphore(%arg23 : memref<!tpu.dma_semaphore, #tpu.memory_space<semaphore_mem>>) src(%dma_wait3A_187 : memref<4x128xi32, #tpu.memory_space<hbm>>) dst(%arg19 : memref<4x128xi32, #tpu.memory_space<vmem>>)
        %dma_wait3A_188 = tpu.memref_slice %arg5[%add3A_75] : memref<6400000xf32, #tpu.memory_space<hbm>> -> memref<512xf32, #tpu.memory_space<hbm>>
        %dma_wait3A_189 = tpu.memref_slice %arg5[%add3A_75] : memref<6400000xf32, #tpu.memory_space<hbm>> -> memref<512xf32, #tpu.memory_space<hbm>>
        tpu.wait_dma2 semaphore(%arg23 : memref<!tpu.dma_semaphore, #tpu.memory_space<semaphore_mem>>) src(%dma_wait3A_189 : memref<512xf32, #tpu.memory_space<hbm>>) dst(%arg20 : memref<512xf32, #tpu.memory_space<vmem>>)
        %dma_start3A_190 = arith.constant 0 : i32
        %dma_start3A_191 = arith.constant 0 : i32
        %dma_start3A_192 = arith.constant 0 : i32
        %dma_start3A_193 = tpu.memref_slice %arg21[%dma_start3A_191, %dma_start3A_192] : memref<512x8xf32, #tpu.memory_space<vmem>> -> memref<128x8xf32, #tpu.memory_space<vmem>>
        %dma_start3A_194 = arith.constant 0 : i32
        %dma_start3A_195 = tpu.memref_slice %arg19[%dma_start3A_190, %dma_start3A_194] : memref<4x128xi32, #tpu.memory_space<vmem>> -> memref<1x128xi32, #tpu.memory_space<vmem>>
        %dma_start3A_196 = tpu.memref_squeeze %dma_start3A_195 : memref<1x128xi32, #tpu.memory_space<vmem>> -> memref<128xi32, #tpu.memory_space<vmem>>
        %dma_start3A_197 = arith.constant 0 : i32
        %dma_start3A_198 = arith.constant 0 : i32
        %dma_start3A_199 = tpu.memref_slice %arg7[%dma_start3A_197, %dma_start3A_198] : memref<100000x8xf32, #tpu.memory_space<vmem_shared>> -> memref<100000x8xf32, #tpu.memory_space<vmem_shared>>
        tpu.enqueue_indirect_dma source(%dma_start3A_199 : memref<100000x8xf32, #tpu.memory_space<vmem_shared>>) target(%dma_start3A_193 : memref<128x8xf32, #tpu.memory_space<vmem>>) offsets(%dma_start3A_196 : memref<128xi32, #tpu.memory_space<vmem>>) semaphore(%arg24 : memref<!tpu.dma_semaphore, #tpu.memory_space<semaphore_mem>>)
        %dma_start3A_200 = arith.constant 0 : i32
        %dma_start3A_201 = arith.constant 0 : i32
        %dma_start3A_202 = arith.constant 0 : i32
        %dma_start3A_203 = tpu.memref_slice %arg22[%dma_start3A_201, %dma_start3A_202] : memref<512x8xf32, #tpu.memory_space<vmem>> -> memref<128x8xf32, #tpu.memory_space<vmem>>
        %dma_start3A_204 = arith.constant 0 : i32
        %dma_start3A_205 = tpu.memref_slice %arg18[%dma_start3A_200, %dma_start3A_204] : memref<4x128xi32, #tpu.memory_space<vmem>> -> memref<1x128xi32, #tpu.memory_space<vmem>>
        %dma_start3A_206 = tpu.memref_squeeze %dma_start3A_205 : memref<1x128xi32, #tpu.memory_space<vmem>> -> memref<128xi32, #tpu.memory_space<vmem>>
        %dma_start3A_207 = arith.constant 0 : i32
        %dma_start3A_208 = arith.constant 0 : i32
        %dma_start3A_209 = tpu.memref_slice %arg7[%dma_start3A_207, %dma_start3A_208] : memref<100000x8xf32, #tpu.memory_space<vmem_shared>> -> memref<100000x8xf32, #tpu.memory_space<vmem_shared>>
        tpu.enqueue_indirect_dma source(%dma_start3A_209 : memref<100000x8xf32, #tpu.memory_space<vmem_shared>>) target(%dma_start3A_203 : memref<128x8xf32, #tpu.memory_space<vmem>>) offsets(%dma_start3A_206 : memref<128xi32, #tpu.memory_space<vmem>>) semaphore(%arg24 : memref<!tpu.dma_semaphore, #tpu.memory_space<semaphore_mem>>)
        %dma_start3A_210 = arith.constant 1 : i32
        %dma_start3A_211 = arith.constant 128 : i32
        %dma_start3A_212 = arith.constant 0 : i32
        %dma_start3A_213 = tpu.memref_slice %arg21[%dma_start3A_211, %dma_start3A_212] : memref<512x8xf32, #tpu.memory_space<vmem>> -> memref<128x8xf32, #tpu.memory_space<vmem>>
        %dma_start3A_214 = arith.constant 0 : i32
        %dma_start3A_215 = tpu.memref_slice %arg19[%dma_start3A_210, %dma_start3A_214] : memref<4x128xi32, #tpu.memory_space<vmem>> -> memref<1x128xi32, #tpu.memory_space<vmem>>
        %dma_start3A_216 = tpu.memref_squeeze %dma_start3A_215 : memref<1x128xi32, #tpu.memory_space<vmem>> -> memref<128xi32, #tpu.memory_space<vmem>>
        %dma_start3A_217 = arith.constant 0 : i32
        %dma_start3A_218 = arith.constant 0 : i32
        %dma_start3A_219 = tpu.memref_slice %arg7[%dma_start3A_217, %dma_start3A_218] : memref<100000x8xf32, #tpu.memory_space<vmem_shared>> -> memref<100000x8xf32, #tpu.memory_space<vmem_shared>>
        tpu.enqueue_indirect_dma source(%dma_start3A_219 : memref<100000x8xf32, #tpu.memory_space<vmem_shared>>) target(%dma_start3A_213 : memref<128x8xf32, #tpu.memory_space<vmem>>) offsets(%dma_start3A_216 : memref<128xi32, #tpu.memory_space<vmem>>) semaphore(%arg24 : memref<!tpu.dma_semaphore, #tpu.memory_space<semaphore_mem>>)
        %dma_start3A_220 = arith.constant 1 : i32
        %dma_start3A_221 = arith.constant 128 : i32
        %dma_start3A_222 = arith.constant 0 : i32
        %dma_start3A_223 = tpu.memref_slice %arg22[%dma_start3A_221, %dma_start3A_222] : memref<512x8xf32, #tpu.memory_space<vmem>> -> memref<128x8xf32, #tpu.memory_space<vmem>>
        %dma_start3A_224 = arith.constant 0 : i32
        %dma_start3A_225 = tpu.memref_slice %arg18[%dma_start3A_220, %dma_start3A_224] : memref<4x128xi32, #tpu.memory_space<vmem>> -> memref<1x128xi32, #tpu.memory_space<vmem>>
        %dma_start3A_226 = tpu.memref_squeeze %dma_start3A_225 : memref<1x128xi32, #tpu.memory_space<vmem>> -> memref<128xi32, #tpu.memory_space<vmem>>
        %dma_start3A_227 = arith.constant 0 : i32
        %dma_start3A_228 = arith.constant 0 : i32
        %dma_start3A_229 = tpu.memref_slice %arg7[%dma_start3A_227, %dma_start3A_228] : memref<100000x8xf32, #tpu.memory_space<vmem_shared>> -> memref<100000x8xf32, #tpu.memory_space<vmem_shared>>
        tpu.enqueue_indirect_dma source(%dma_start3A_229 : memref<100000x8xf32, #tpu.memory_space<vmem_shared>>) target(%dma_start3A_223 : memref<128x8xf32, #tpu.memory_space<vmem>>) offsets(%dma_start3A_226 : memref<128xi32, #tpu.memory_space<vmem>>) semaphore(%arg24 : memref<!tpu.dma_semaphore, #tpu.memory_space<semaphore_mem>>)
        %dma_start3A_230 = arith.constant 2 : i32
        %dma_start3A_231 = arith.constant 256 : i32
        %dma_start3A_232 = arith.constant 0 : i32
        %dma_start3A_233 = tpu.memref_slice %arg21[%dma_start3A_231, %dma_start3A_232] : memref<512x8xf32, #tpu.memory_space<vmem>> -> memref<128x8xf32, #tpu.memory_space<vmem>>
        %dma_start3A_234 = arith.constant 0 : i32
        %dma_start3A_235 = tpu.memref_slice %arg19[%dma_start3A_230, %dma_start3A_234] : memref<4x128xi32, #tpu.memory_space<vmem>> -> memref<1x128xi32, #tpu.memory_space<vmem>>
        %dma_start3A_236 = tpu.memref_squeeze %dma_start3A_235 : memref<1x128xi32, #tpu.memory_space<vmem>> -> memref<128xi32, #tpu.memory_space<vmem>>
        %dma_start3A_237 = arith.constant 0 : i32
        %dma_start3A_238 = arith.constant 0 : i32
        %dma_start3A_239 = tpu.memref_slice %arg7[%dma_start3A_237, %dma_start3A_238] : memref<100000x8xf32, #tpu.memory_space<vmem_shared>> -> memref<100000x8xf32, #tpu.memory_space<vmem_shared>>
        tpu.enqueue_indirect_dma source(%dma_start3A_239 : memref<100000x8xf32, #tpu.memory_space<vmem_shared>>) target(%dma_start3A_233 : memref<128x8xf32, #tpu.memory_space<vmem>>) offsets(%dma_start3A_236 : memref<128xi32, #tpu.memory_space<vmem>>) semaphore(%arg24 : memref<!tpu.dma_semaphore, #tpu.memory_space<semaphore_mem>>)
        %dma_start3A_240 = arith.constant 2 : i32
        %dma_start3A_241 = arith.constant 256 : i32
        %dma_start3A_242 = arith.constant 0 : i32
        %dma_start3A_243 = tpu.memref_slice %arg22[%dma_start3A_241, %dma_start3A_242] : memref<512x8xf32, #tpu.memory_space<vmem>> -> memref<128x8xf32, #tpu.memory_space<vmem>>
        %dma_start3A_244 = arith.constant 0 : i32
        %dma_start3A_245 = tpu.memref_slice %arg18[%dma_start3A_240, %dma_start3A_244] : memref<4x128xi32, #tpu.memory_space<vmem>> -> memref<1x128xi32, #tpu.memory_space<vmem>>
        %dma_start3A_246 = tpu.memref_squeeze %dma_start3A_245 : memref<1x128xi32, #tpu.memory_space<vmem>> -> memref<128xi32, #tpu.memory_space<vmem>>
        %dma_start3A_247 = arith.constant 0 : i32
        %dma_start3A_248 = arith.constant 0 : i32
        %dma_start3A_249 = tpu.memref_slice %arg7[%dma_start3A_247, %dma_start3A_248] : memref<100000x8xf32, #tpu.memory_space<vmem_shared>> -> memref<100000x8xf32, #tpu.memory_space<vmem_shared>>
        tpu.enqueue_indirect_dma source(%dma_start3A_249 : memref<100000x8xf32, #tpu.memory_space<vmem_shared>>) target(%dma_start3A_243 : memref<128x8xf32, #tpu.memory_space<vmem>>) offsets(%dma_start3A_246 : memref<128xi32, #tpu.memory_space<vmem>>) semaphore(%arg24 : memref<!tpu.dma_semaphore, #tpu.memory_space<semaphore_mem>>)
        %dma_start3A_250 = arith.constant 3 : i32
        %dma_start3A_251 = arith.constant 384 : i32
        %dma_start3A_252 = arith.constant 0 : i32
        %dma_start3A_253 = tpu.memref_slice %arg21[%dma_start3A_251, %dma_start3A_252] : memref<512x8xf32, #tpu.memory_space<vmem>> -> memref<128x8xf32, #tpu.memory_space<vmem>>
        %dma_start3A_254 = arith.constant 0 : i32
        %dma_start3A_255 = tpu.memref_slice %arg19[%dma_start3A_250, %dma_start3A_254] : memref<4x128xi32, #tpu.memory_space<vmem>> -> memref<1x128xi32, #tpu.memory_space<vmem>>
        %dma_start3A_256 = tpu.memref_squeeze %dma_start3A_255 : memref<1x128xi32, #tpu.memory_space<vmem>> -> memref<128xi32, #tpu.memory_space<vmem>>
        %dma_start3A_257 = arith.constant 0 : i32
        %dma_start3A_258 = arith.constant 0 : i32
        %dma_start3A_259 = tpu.memref_slice %arg7[%dma_start3A_257, %dma_start3A_258] : memref<100000x8xf32, #tpu.memory_space<vmem_shared>> -> memref<100000x8xf32, #tpu.memory_space<vmem_shared>>
        tpu.enqueue_indirect_dma source(%dma_start3A_259 : memref<100000x8xf32, #tpu.memory_space<vmem_shared>>) target(%dma_start3A_253 : memref<128x8xf32, #tpu.memory_space<vmem>>) offsets(%dma_start3A_256 : memref<128xi32, #tpu.memory_space<vmem>>) semaphore(%arg24 : memref<!tpu.dma_semaphore, #tpu.memory_space<semaphore_mem>>)
        %dma_start3A_260 = arith.constant 3 : i32
        %dma_start3A_261 = arith.constant 384 : i32
        %dma_start3A_262 = arith.constant 0 : i32
        %dma_start3A_263 = tpu.memref_slice %arg22[%dma_start3A_261, %dma_start3A_262] : memref<512x8xf32, #tpu.memory_space<vmem>> -> memref<128x8xf32, #tpu.memory_space<vmem>>
        %dma_start3A_264 = arith.constant 0 : i32
        %dma_start3A_265 = tpu.memref_slice %arg18[%dma_start3A_260, %dma_start3A_264] : memref<4x128xi32, #tpu.memory_space<vmem>> -> memref<1x128xi32, #tpu.memory_space<vmem>>
        %dma_start3A_266 = tpu.memref_squeeze %dma_start3A_265 : memref<1x128xi32, #tpu.memory_space<vmem>> -> memref<128xi32, #tpu.memory_space<vmem>>
        %dma_start3A_267 = arith.constant 0 : i32
        %dma_start3A_268 = arith.constant 0 : i32
        %dma_start3A_269 = tpu.memref_slice %arg7[%dma_start3A_267, %dma_start3A_268] : memref<100000x8xf32, #tpu.memory_space<vmem_shared>> -> memref<100000x8xf32, #tpu.memory_space<vmem_shared>>
        tpu.enqueue_indirect_dma source(%dma_start3A_269 : memref<100000x8xf32, #tpu.memory_space<vmem_shared>>) target(%dma_start3A_263 : memref<128x8xf32, #tpu.memory_space<vmem>>) offsets(%dma_start3A_266 : memref<128xi32, #tpu.memory_space<vmem>>) semaphore(%arg24 : memref<!tpu.dma_semaphore, #tpu.memory_space<semaphore_mem>>)
        %scan3A_270 = arith.constant 0 : i32
        %scan3A_271 = arith.constant 32 : i32
        %scan3A_272 = arith.addi %scan3A_270, %scan3A_271 : i32
        %scan3A_273 = arith.constant 1 : i32
        scf.for %scan3A_760 = %scan3A_270 to %scan3A_272 step %scan3A_273  : i32 {
          %mul3A_761 = arith.constant 1 : i32
          %mul3A_762 = arith.muli %scan3A_760, %mul3A_761 : i32
          %add3A_763 = arith.constant 0 : i32
          %add3A_764 = arith.addi %add3A_763, %mul3A_762 : i32
          %mul3A_765 = arith.constant 16 : i32
          %mul3A_766 = arith.muli %add3A_764, %mul3A_765 : i32
          %get3A = arith.index_cast %mul3A_766 : i32 to index
          %get3A_767 = tpu.vector_load %arg20[%get3A] {strides = array<i32>} : memref<512xf32, #tpu.memory_space<vmem>>, vector<16xf32>,
          %div3A_768 = arith.constant 5.000000e-01 : f32
          %div3A_769 = vector.broadcast %div3A_768 : f32 to vector<16xf32>
          %div3A_770 = arith.divf %div3A_769, %get3A_767 : vector<16xf32>
          %swap3A = arith.index_cast %mul3A_766 : i32 to index
          %swap3A_771 = tpu.vector_load %arg20[%swap3A] {strides = array<i32>} : memref<512xf32, #tpu.memory_space<vmem>>, vector<16xf32>,
          tpu.vector_store %arg20[%swap3A], %div3A_770 {strides = array<i32>} : memref<512xf32, #tpu.memory_space<vmem>>, vector<16xf32>,
        }
        %scan3A_274 = arith.constant 32 : i32
        %dma_wait3A_275 = arith.constant 0 : i32
        %dma_wait3A_276 = arith.constant 0 : i32
        %dma_wait3A_277 = arith.constant 0 : i32
        %dma_wait3A_278 = tpu.memref_slice %arg13[%dma_wait3A_276, %dma_wait3A_277] : memref<512x8xf32, #tpu.memory_space<vmem>> -> memref<128x8xf32, #tpu.memory_space<vmem>>
        %dma_wait3A_279 = arith.constant 0 : i32
        %dma_wait3A_280 = tpu.memref_slice %arg11[%dma_wait3A_275, %dma_wait3A_279] : memref<4x128xi32, #tpu.memory_space<vmem>> -> memref<1x128xi32, #tpu.memory_space<vmem>>
        %dma_wait3A_281 = tpu.memref_squeeze %dma_wait3A_280 : memref<1x128xi32, #tpu.memory_space<vmem>> -> memref<128xi32, #tpu.memory_space<vmem>>
        %dma_wait3A_282 = arith.constant 0 : i32
        %dma_wait3A_283 = arith.constant 0 : i32
        %dma_wait3A_284 = tpu.memref_slice %arg7[%dma_wait3A_282, %dma_wait3A_283] : memref<100000x8xf32, #tpu.memory_space<vmem_shared>> -> memref<100000x8xf32, #tpu.memory_space<vmem_shared>>
        tpu.wait_indirect_dma semaphore(%arg16 : memref<!tpu.dma_semaphore, #tpu.memory_space<semaphore_mem>>) src(%dma_wait3A_284 : memref<100000x8xf32, #tpu.memory_space<vmem_shared>>) dst(%dma_wait3A_278 : memref<128x8xf32, #tpu.memory_space<vmem>>)
        %dma_wait3A_285 = arith.constant 0 : i32
        %dma_wait3A_286 = arith.constant 0 : i32
        %dma_wait3A_287 = arith.constant 0 : i32
        %dma_wait3A_288 = tpu.memref_slice %arg14[%dma_wait3A_286, %dma_wait3A_287] : memref<512x8xf32, #tpu.memory_space<vmem>> -> memref<128x8xf32, #tpu.memory_space<vmem>>
        %dma_wait3A_289 = arith.constant 0 : i32
        %dma_wait3A_290 = tpu.memref_slice %arg10[%dma_wait3A_285, %dma_wait3A_289] : memref<4x128xi32, #tpu.memory_space<vmem>> -> memref<1x128xi32, #tpu.memory_space<vmem>>
        %dma_wait3A_291 = tpu.memref_squeeze %dma_wait3A_290 : memref<1x128xi32, #tpu.memory_space<vmem>> -> memref<128xi32, #tpu.memory_space<vmem>>
        %dma_wait3A_292 = arith.constant 0 : i32
        %dma_wait3A_293 = arith.constant 0 : i32
        %dma_wait3A_294 = tpu.memref_slice %arg7[%dma_wait3A_292, %dma_wait3A_293] : memref<100000x8xf32, #tpu.memory_space<vmem_shared>> -> memref<100000x8xf32, #tpu.memory_space<vmem_shared>>
        tpu.wait_indirect_dma semaphore(%arg16 : memref<!tpu.dma_semaphore, #tpu.memory_space<semaphore_mem>>) src(%dma_wait3A_294 : memref<100000x8xf32, #tpu.memory_space<vmem_shared>>) dst(%dma_wait3A_288 : memref<128x8xf32, #tpu.memory_space<vmem>>)
        %dma_wait3A_295 = arith.constant 1 : i32
        %dma_wait3A_296 = arith.constant 128 : i32
        %dma_wait3A_297 = arith.constant 0 : i32
        %dma_wait3A_298 = tpu.memref_slice %arg13[%dma_wait3A_296, %dma_wait3A_297] : memref<512x8xf32, #tpu.memory_space<vmem>> -> memref<128x8xf32, #tpu.memory_space<vmem>>
        %dma_wait3A_299 = arith.constant 0 : i32
        %dma_wait3A_300 = tpu.memref_slice %arg11[%dma_wait3A_295, %dma_wait3A_299] : memref<4x128xi32, #tpu.memory_space<vmem>> -> memref<1x128xi32, #tpu.memory_space<vmem>>
        %dma_wait3A_301 = tpu.memref_squeeze %dma_wait3A_300 : memref<1x128xi32, #tpu.memory_space<vmem>> -> memref<128xi32, #tpu.memory_space<vmem>>
        %dma_wait3A_302 = arith.constant 0 : i32
        %dma_wait3A_303 = arith.constant 0 : i32
        %dma_wait3A_304 = tpu.memref_slice %arg7[%dma_wait3A_302, %dma_wait3A_303] : memref<100000x8xf32, #tpu.memory_space<vmem_shared>> -> memref<100000x8xf32, #tpu.memory_space<vmem_shared>>
        tpu.wait_indirect_dma semaphore(%arg16 : memref<!tpu.dma_semaphore, #tpu.memory_space<semaphore_mem>>) src(%dma_wait3A_304 : memref<100000x8xf32, #tpu.memory_space<vmem_shared>>) dst(%dma_wait3A_298 : memref<128x8xf32, #tpu.memory_space<vmem>>)
        %dma_wait3A_305 = arith.constant 1 : i32
        %dma_wait3A_306 = arith.constant 128 : i32
        %dma_wait3A_307 = arith.constant 0 : i32
        %dma_wait3A_308 = tpu.memref_slice %arg14[%dma_wait3A_306, %dma_wait3A_307] : memref<512x8xf32, #tpu.memory_space<vmem>> -> memref<128x8xf32, #tpu.memory_space<vmem>>
        %dma_wait3A_309 = arith.constant 0 : i32
        %dma_wait3A_310 = tpu.memref_slice %arg10[%dma_wait3A_305, %dma_wait3A_309] : memref<4x128xi32, #tpu.memory_space<vmem>> -> memref<1x128xi32, #tpu.memory_space<vmem>>
        %dma_wait3A_311 = tpu.memref_squeeze %dma_wait3A_310 : memref<1x128xi32, #tpu.memory_space<vmem>> -> memref<128xi32, #tpu.memory_space<vmem>>
        %dma_wait3A_312 = arith.constant 0 : i32
        %dma_wait3A_313 = arith.constant 0 : i32
        %dma_wait3A_314 = tpu.memref_slice %arg7[%dma_wait3A_312, %dma_wait3A_313] : memref<100000x8xf32, #tpu.memory_space<vmem_shared>> -> memref<100000x8xf32, #tpu.memory_space<vmem_shared>>
        tpu.wait_indirect_dma semaphore(%arg16 : memref<!tpu.dma_semaphore, #tpu.memory_space<semaphore_mem>>) src(%dma_wait3A_314 : memref<100000x8xf32, #tpu.memory_space<vmem_shared>>) dst(%dma_wait3A_308 : memref<128x8xf32, #tpu.memory_space<vmem>>)
        %dma_wait3A_315 = arith.constant 2 : i32
        %dma_wait3A_316 = arith.constant 256 : i32
        %dma_wait3A_317 = arith.constant 0 : i32
        %dma_wait3A_318 = tpu.memref_slice %arg13[%dma_wait3A_316, %dma_wait3A_317] : memref<512x8xf32, #tpu.memory_space<vmem>> -> memref<128x8xf32, #tpu.memory_space<vmem>>
        %dma_wait3A_319 = arith.constant 0 : i32
        %dma_wait3A_320 = tpu.memref_slice %arg11[%dma_wait3A_315, %dma_wait3A_319] : memref<4x128xi32, #tpu.memory_space<vmem>> -> memref<1x128xi32, #tpu.memory_space<vmem>>
        %dma_wait3A_321 = tpu.memref_squeeze %dma_wait3A_320 : memref<1x128xi32, #tpu.memory_space<vmem>> -> memref<128xi32, #tpu.memory_space<vmem>>
        %dma_wait3A_322 = arith.constant 0 : i32
        %dma_wait3A_323 = arith.constant 0 : i32
        %dma_wait3A_324 = tpu.memref_slice %arg7[%dma_wait3A_322, %dma_wait3A_323] : memref<100000x8xf32, #tpu.memory_space<vmem_shared>> -> memref<100000x8xf32, #tpu.memory_space<vmem_shared>>
        tpu.wait_indirect_dma semaphore(%arg16 : memref<!tpu.dma_semaphore, #tpu.memory_space<semaphore_mem>>) src(%dma_wait3A_324 : memref<100000x8xf32, #tpu.memory_space<vmem_shared>>) dst(%dma_wait3A_318 : memref<128x8xf32, #tpu.memory_space<vmem>>)
        %dma_wait3A_325 = arith.constant 2 : i32
        %dma_wait3A_326 = arith.constant 256 : i32
        %dma_wait3A_327 = arith.constant 0 : i32
        %dma_wait3A_328 = tpu.memref_slice %arg14[%dma_wait3A_326, %dma_wait3A_327] : memref<512x8xf32, #tpu.memory_space<vmem>> -> memref<128x8xf32, #tpu.memory_space<vmem>>
        %dma_wait3A_329 = arith.constant 0 : i32
        %dma_wait3A_330 = tpu.memref_slice %arg10[%dma_wait3A_325, %dma_wait3A_329] : memref<4x128xi32, #tpu.memory_space<vmem>> -> memref<1x128xi32, #tpu.memory_space<vmem>>
        %dma_wait3A_331 = tpu.memref_squeeze %dma_wait3A_330 : memref<1x128xi32, #tpu.memory_space<vmem>> -> memref<128xi32, #tpu.memory_space<vmem>>
        %dma_wait3A_332 = arith.constant 0 : i32
        %dma_wait3A_333 = arith.constant 0 : i32
        %dma_wait3A_334 = tpu.memref_slice %arg7[%dma_wait3A_332, %dma_wait3A_333] : memref<100000x8xf32, #tpu.memory_space<vmem_shared>> -> memref<100000x8xf32, #tpu.memory_space<vmem_shared>>
        tpu.wait_indirect_dma semaphore(%arg16 : memref<!tpu.dma_semaphore, #tpu.memory_space<semaphore_mem>>) src(%dma_wait3A_334 : memref<100000x8xf32, #tpu.memory_space<vmem_shared>>) dst(%dma_wait3A_328 : memref<128x8xf32, #tpu.memory_space<vmem>>)
        %dma_wait3A_335 = arith.constant 3 : i32
        %dma_wait3A_336 = arith.constant 384 : i32
        %dma_wait3A_337 = arith.constant 0 : i32
        %dma_wait3A_338 = tpu.memref_slice %arg13[%dma_wait3A_336, %dma_wait3A_337] : memref<512x8xf32, #tpu.memory_space<vmem>> -> memref<128x8xf32, #tpu.memory_space<vmem>>
        %dma_wait3A_339 = arith.constant 0 : i32
        %dma_wait3A_340 = tpu.memref_slice %arg11[%dma_wait3A_335, %dma_wait3A_339] : memref<4x128xi32, #tpu.memory_space<vmem>> -> memref<1x128xi32, #tpu.memory_space<vmem>>
        %dma_wait3A_341 = tpu.memref_squeeze %dma_wait3A_340 : memref<1x128xi32, #tpu.memory_space<vmem>> -> memref<128xi32, #tpu.memory_space<vmem>>
        %dma_wait3A_342 = arith.constant 0 : i32
        %dma_wait3A_343 = arith.constant 0 : i32
        %dma_wait3A_344 = tpu.memref_slice %arg7[%dma_wait3A_342, %dma_wait3A_343] : memref<100000x8xf32, #tpu.memory_space<vmem_shared>> -> memref<100000x8xf32, #tpu.memory_space<vmem_shared>>
        tpu.wait_indirect_dma semaphore(%arg16 : memref<!tpu.dma_semaphore, #tpu.memory_space<semaphore_mem>>) src(%dma_wait3A_344 : memref<100000x8xf32, #tpu.memory_space<vmem_shared>>) dst(%dma_wait3A_338 : memref<128x8xf32, #tpu.memory_space<vmem>>)
        %dma_wait3A_345 = arith.constant 3 : i32
        %dma_wait3A_346 = arith.constant 384 : i32
        %dma_wait3A_347 = arith.constant 0 : i32
        %dma_wait3A_348 = tpu.memref_slice %arg14[%dma_wait3A_346, %dma_wait3A_347] : memref<512x8xf32, #tpu.memory_space<vmem>> -> memref<128x8xf32, #tpu.memory_space<vmem>>
        %dma_wait3A_349 = arith.constant 0 : i32
        %dma_wait3A_350 = tpu.memref_slice %arg10[%dma_wait3A_345, %dma_wait3A_349] : memref<4x128xi32, #tpu.memory_space<vmem>> -> memref<1x128xi32, #tpu.memory_space<vmem>>
        %dma_wait3A_351 = tpu.memref_squeeze %dma_wait3A_350 : memref<1x128xi32, #tpu.memory_space<vmem>> -> memref<128xi32, #tpu.memory_space<vmem>>
        %dma_wait3A_352 = arith.constant 0 : i32
        %dma_wait3A_353 = arith.constant 0 : i32
        %dma_wait3A_354 = tpu.memref_slice %arg7[%dma_wait3A_352, %dma_wait3A_353] : memref<100000x8xf32, #tpu.memory_space<vmem_shared>> -> memref<100000x8xf32, #tpu.memory_space<vmem_shared>>
        tpu.wait_indirect_dma semaphore(%arg16 : memref<!tpu.dma_semaphore, #tpu.memory_space<semaphore_mem>>) src(%dma_wait3A_354 : memref<100000x8xf32, #tpu.memory_space<vmem_shared>>) dst(%dma_wait3A_348 : memref<128x8xf32, #tpu.memory_space<vmem>>)
        %parallel_loop3A = arith.constant 0 : i32
        %parallel_loop3A_355 = arith.constant 128 : i32
        %parallel_loop3A_356 = arith.constant 1 : i32
        scf.for %parallel_loop3A_760 = %parallel_loop3A to %parallel_loop3A_355 step %parallel_loop3A_356  : i32 {
          %parallel_loop3A_761 = arith.constant 4 : i32
          %parallel_loop3A_762 = arith.muli %parallel_loop3A_760, %parallel_loop3A_761 : i32
          %parallel_loop3A_763 = vector.broadcast %parallel_loop3A_762 : i32 to vector<16xi32>
          %parallel_loop3A_764 = arith.addi %div3A, %parallel_loop3A_763 : vector<16xi32>
          %parallel_loop3A_765 = tpu.vector_load_idx %arg12[%parallel_loop3A_764] : memref<512xf32, #tpu.memory_space<vmem>>[vector<16xi32>], vector<16xf32>,
          %parallel_loop3A_766 = tpu.vector_load_idx %arg13[%parallel_loop3A_764, %rem3A] : memref<512x8xf32, #tpu.memory_space<vmem>>[vector<16xi32>, vector<16xi32>], vector<16xf32>,
          %parallel_loop3A_767 = arith.mulf %parallel_loop3A_766, %parallel_loop3A_765 : vector<16xf32>
          tpu.vector_store_idx %arg13[%parallel_loop3A_764, %rem3A], %parallel_loop3A_767 : memref<512x8xf32, #tpu.memory_space<vmem>>[vector<16xi32>, vector<16xi32>], vector<16xf32>,
          %parallel_loop3A_768 = tpu.vector_load_idx %arg14[%parallel_loop3A_764, %rem3A] : memref<512x8xf32, #tpu.memory_space<vmem>>[vector<16xi32>, vector<16xi32>], vector<16xf32>,
          %parallel_loop3A_769 = arith.mulf %parallel_loop3A_768, %parallel_loop3A_765 : vector<16xf32>
          tpu.vector_store_idx %arg14[%parallel_loop3A_764, %rem3A], %parallel_loop3A_769 : memref<512x8xf32, #tpu.memory_space<vmem>>[vector<16xi32>, vector<16xi32>], vector<16xf32>,
        } {sc.loop_unroll_factor = 4 : i64, sc.parallel_access}
        %dma_start3A_357 = arith.constant 0 : i32
        %dma_start3A_358 = arith.constant 0 : i32
        %dma_start3A_359 = arith.constant 0 : i32
        %dma_start3A_360 = tpu.memref_slice %arg13[%dma_start3A_358, %dma_start3A_359] : memref<512x8xf32, #tpu.memory_space<vmem>> -> memref<128x8xf32, #tpu.memory_space<vmem>>
        %dma_start3A_361 = arith.constant 0 : i32
        %dma_start3A_362 = tpu.memref_slice %arg10[%dma_start3A_357, %dma_start3A_361] : memref<4x128xi32, #tpu.memory_space<vmem>> -> memref<1x128xi32, #tpu.memory_space<vmem>>
        %dma_start3A_363 = tpu.memref_squeeze %dma_start3A_362 : memref<1x128xi32, #tpu.memory_space<vmem>> -> memref<128xi32, #tpu.memory_space<vmem>>
        %dma_start3A_364 = arith.constant 0 : i32
        %dma_start3A_365 = arith.constant 0 : i32
        %dma_start3A_366 = tpu.memref_slice %arg8[%dma_start3A_364, %dma_start3A_365] : memref<100000x8xf32, #tpu.memory_space<vmem_shared>> -> memref<100000x8xf32, #tpu.memory_space<vmem_shared>>
        tpu.enqueue_indirect_dma source(%dma_start3A_360 : memref<128x8xf32, #tpu.memory_space<vmem>>) target(%dma_start3A_366 : memref<100000x8xf32, #tpu.memory_space<vmem_shared>>) offsets(%dma_start3A_363 : memref<128xi32, #tpu.memory_space<vmem>>) semaphore(%arg17 : memref<!tpu.dma_semaphore, #tpu.memory_space<semaphore_mem>>) {add = true}
        %dma_start3A_367 = arith.constant 0 : i32
        %dma_start3A_368 = arith.constant 0 : i32
        %dma_start3A_369 = arith.constant 0 : i32
        %dma_start3A_370 = tpu.memref_slice %arg14[%dma_start3A_368, %dma_start3A_369] : memref<512x8xf32, #tpu.memory_space<vmem>> -> memref<128x8xf32, #tpu.memory_space<vmem>>
        %dma_start3A_371 = arith.constant 0 : i32
        %dma_start3A_372 = tpu.memref_slice %arg11[%dma_start3A_367, %dma_start3A_371] : memref<4x128xi32, #tpu.memory_space<vmem>> -> memref<1x128xi32, #tpu.memory_space<vmem>>
        %dma_start3A_373 = tpu.memref_squeeze %dma_start3A_372 : memref<1x128xi32, #tpu.memory_space<vmem>> -> memref<128xi32, #tpu.memory_space<vmem>>
        %dma_start3A_374 = arith.constant 0 : i32
        %dma_start3A_375 = arith.constant 0 : i32
        %dma_start3A_376 = tpu.memref_slice %arg8[%dma_start3A_374, %dma_start3A_375] : memref<100000x8xf32, #tpu.memory_space<vmem_shared>> -> memref<100000x8xf32, #tpu.memory_space<vmem_shared>>
        tpu.enqueue_indirect_dma source(%dma_start3A_370 : memref<128x8xf32, #tpu.memory_space<vmem>>) target(%dma_start3A_376 : memref<100000x8xf32, #tpu.memory_space<vmem_shared>>) offsets(%dma_start3A_373 : memref<128xi32, #tpu.memory_space<vmem>>) semaphore(%arg17 : memref<!tpu.dma_semaphore, #tpu.memory_space<semaphore_mem>>) {add = true}
        %dma_start3A_377 = arith.constant 1 : i32
        %dma_start3A_378 = arith.constant 128 : i32
        %dma_start3A_379 = arith.constant 0 : i32
        %dma_start3A_380 = tpu.memref_slice %arg13[%dma_start3A_378, %dma_start3A_379] : memref<512x8xf32, #tpu.memory_space<vmem>> -> memref<128x8xf32, #tpu.memory_space<vmem>>
        %dma_start3A_381 = arith.constant 0 : i32
        %dma_start3A_382 = tpu.memref_slice %arg10[%dma_start3A_377, %dma_start3A_381] : memref<4x128xi32, #tpu.memory_space<vmem>> -> memref<1x128xi32, #tpu.memory_space<vmem>>
        %dma_start3A_383 = tpu.memref_squeeze %dma_start3A_382 : memref<1x128xi32, #tpu.memory_space<vmem>> -> memref<128xi32, #tpu.memory_space<vmem>>
        %dma_start3A_384 = arith.constant 0 : i32
        %dma_start3A_385 = arith.constant 0 : i32
        %dma_start3A_386 = tpu.memref_slice %arg8[%dma_start3A_384, %dma_start3A_385] : memref<100000x8xf32, #tpu.memory_space<vmem_shared>> -> memref<100000x8xf32, #tpu.memory_space<vmem_shared>>
        tpu.enqueue_indirect_dma source(%dma_start3A_380 : memref<128x8xf32, #tpu.memory_space<vmem>>) target(%dma_start3A_386 : memref<100000x8xf32, #tpu.memory_space<vmem_shared>>) offsets(%dma_start3A_383 : memref<128xi32, #tpu.memory_space<vmem>>) semaphore(%arg17 : memref<!tpu.dma_semaphore, #tpu.memory_space<semaphore_mem>>) {add = true}
        %dma_start3A_387 = arith.constant 1 : i32
        %dma_start3A_388 = arith.constant 128 : i32
        %dma_start3A_389 = arith.constant 0 : i32
        %dma_start3A_390 = tpu.memref_slice %arg14[%dma_start3A_388, %dma_start3A_389] : memref<512x8xf32, #tpu.memory_space<vmem>> -> memref<128x8xf32, #tpu.memory_space<vmem>>
        %dma_start3A_391 = arith.constant 0 : i32
        %dma_start3A_392 = tpu.memref_slice %arg11[%dma_start3A_387, %dma_start3A_391] : memref<4x128xi32, #tpu.memory_space<vmem>> -> memref<1x128xi32, #tpu.memory_space<vmem>>
        %dma_start3A_393 = tpu.memref_squeeze %dma_start3A_392 : memref<1x128xi32, #tpu.memory_space<vmem>> -> memref<128xi32, #tpu.memory_space<vmem>>
        %dma_start3A_394 = arith.constant 0 : i32
        %dma_start3A_395 = arith.constant 0 : i32
        %dma_start3A_396 = tpu.memref_slice %arg8[%dma_start3A_394, %dma_start3A_395] : memref<100000x8xf32, #tpu.memory_space<vmem_shared>> -> memref<100000x8xf32, #tpu.memory_space<vmem_shared>>
        tpu.enqueue_indirect_dma source(%dma_start3A_390 : memref<128x8xf32, #tpu.memory_space<vmem>>) target(%dma_start3A_396 : memref<100000x8xf32, #tpu.memory_space<vmem_shared>>) offsets(%dma_start3A_393 : memref<128xi32, #tpu.memory_space<vmem>>) semaphore(%arg17 : memref<!tpu.dma_semaphore, #tpu.memory_space<semaphore_mem>>) {add = true}
        %dma_start3A_397 = arith.constant 2 : i32
        %dma_start3A_398 = arith.constant 256 : i32
        %dma_start3A_399 = arith.constant 0 : i32
        %dma_start3A_400 = tpu.memref_slice %arg13[%dma_start3A_398, %dma_start3A_399] : memref<512x8xf32, #tpu.memory_space<vmem>> -> memref<128x8xf32, #tpu.memory_space<vmem>>
        %dma_start3A_401 = arith.constant 0 : i32
        %dma_start3A_402 = tpu.memref_slice %arg10[%dma_start3A_397, %dma_start3A_401] : memref<4x128xi32, #tpu.memory_space<vmem>> -> memref<1x128xi32, #tpu.memory_space<vmem>>
        %dma_start3A_403 = tpu.memref_squeeze %dma_start3A_402 : memref<1x128xi32, #tpu.memory_space<vmem>> -> memref<128xi32, #tpu.memory_space<vmem>>
        %dma_start3A_404 = arith.constant 0 : i32
        %dma_start3A_405 = arith.constant 0 : i32
        %dma_start3A_406 = tpu.memref_slice %arg8[%dma_start3A_404, %dma_start3A_405] : memref<100000x8xf32, #tpu.memory_space<vmem_shared>> -> memref<100000x8xf32, #tpu.memory_space<vmem_shared>>
        tpu.enqueue_indirect_dma source(%dma_start3A_400 : memref<128x8xf32, #tpu.memory_space<vmem>>) target(%dma_start3A_406 : memref<100000x8xf32, #tpu.memory_space<vmem_shared>>) offsets(%dma_start3A_403 : memref<128xi32, #tpu.memory_space<vmem>>) semaphore(%arg17 : memref<!tpu.dma_semaphore, #tpu.memory_space<semaphore_mem>>) {add = true}
        %dma_start3A_407 = arith.constant 2 : i32
        %dma_start3A_408 = arith.constant 256 : i32
        %dma_start3A_409 = arith.constant 0 : i32
        %dma_start3A_410 = tpu.memref_slice %arg14[%dma_start3A_408, %dma_start3A_409] : memref<512x8xf32, #tpu.memory_space<vmem>> -> memref<128x8xf32, #tpu.memory_space<vmem>>
        %dma_start3A_411 = arith.constant 0 : i32
        %dma_start3A_412 = tpu.memref_slice %arg11[%dma_start3A_407, %dma_start3A_411] : memref<4x128xi32, #tpu.memory_space<vmem>> -> memref<1x128xi32, #tpu.memory_space<vmem>>
        %dma_start3A_413 = tpu.memref_squeeze %dma_start3A_412 : memref<1x128xi32, #tpu.memory_space<vmem>> -> memref<128xi32, #tpu.memory_space<vmem>>
        %dma_start3A_414 = arith.constant 0 : i32
        %dma_start3A_415 = arith.constant 0 : i32
        %dma_start3A_416 = tpu.memref_slice %arg8[%dma_start3A_414, %dma_start3A_415] : memref<100000x8xf32, #tpu.memory_space<vmem_shared>> -> memref<100000x8xf32, #tpu.memory_space<vmem_shared>>
        tpu.enqueue_indirect_dma source(%dma_start3A_410 : memref<128x8xf32, #tpu.memory_space<vmem>>) target(%dma_start3A_416 : memref<100000x8xf32, #tpu.memory_space<vmem_shared>>) offsets(%dma_start3A_413 : memref<128xi32, #tpu.memory_space<vmem>>) semaphore(%arg17 : memref<!tpu.dma_semaphore, #tpu.memory_space<semaphore_mem>>) {add = true}
        %dma_start3A_417 = arith.constant 3 : i32
        %dma_start3A_418 = arith.constant 384 : i32
        %dma_start3A_419 = arith.constant 0 : i32
        %dma_start3A_420 = tpu.memref_slice %arg13[%dma_start3A_418, %dma_start3A_419] : memref<512x8xf32, #tpu.memory_space<vmem>> -> memref<128x8xf32, #tpu.memory_space<vmem>>
        %dma_start3A_421 = arith.constant 0 : i32
        %dma_start3A_422 = tpu.memref_slice %arg10[%dma_start3A_417, %dma_start3A_421] : memref<4x128xi32, #tpu.memory_space<vmem>> -> memref<1x128xi32, #tpu.memory_space<vmem>>
        %dma_start3A_423 = tpu.memref_squeeze %dma_start3A_422 : memref<1x128xi32, #tpu.memory_space<vmem>> -> memref<128xi32, #tpu.memory_space<vmem>>
        %dma_start3A_424 = arith.constant 0 : i32
        %dma_start3A_425 = arith.constant 0 : i32
        %dma_start3A_426 = tpu.memref_slice %arg8[%dma_start3A_424, %dma_start3A_425] : memref<100000x8xf32, #tpu.memory_space<vmem_shared>> -> memref<100000x8xf32, #tpu.memory_space<vmem_shared>>
        tpu.enqueue_indirect_dma source(%dma_start3A_420 : memref<128x8xf32, #tpu.memory_space<vmem>>) target(%dma_start3A_426 : memref<100000x8xf32, #tpu.memory_space<vmem_shared>>) offsets(%dma_start3A_423 : memref<128xi32, #tpu.memory_space<vmem>>) semaphore(%arg17 : memref<!tpu.dma_semaphore, #tpu.memory_space<semaphore_mem>>) {add = true}
        %dma_start3A_427 = arith.constant 3 : i32
        %dma_start3A_428 = arith.constant 384 : i32
        %dma_start3A_429 = arith.constant 0 : i32
        %dma_start3A_430 = tpu.memref_slice %arg14[%dma_start3A_428, %dma_start3A_429] : memref<512x8xf32, #tpu.memory_space<vmem>> -> memref<128x8xf32, #tpu.memory_space<vmem>>
        %dma_start3A_431 = arith.constant 0 : i32
        %dma_start3A_432 = tpu.memref_slice %arg11[%dma_start3A_427, %dma_start3A_431] : memref<4x128xi32, #tpu.memory_space<vmem>> -> memref<1x128xi32, #tpu.memory_space<vmem>>
        %dma_start3A_433 = tpu.memref_squeeze %dma_start3A_432 : memref<1x128xi32, #tpu.memory_space<vmem>> -> memref<128xi32, #tpu.memory_space<vmem>>
        %dma_start3A_434 = arith.constant 0 : i32
        %dma_start3A_435 = arith.constant 0 : i32
        %dma_start3A_436 = tpu.memref_slice %arg8[%dma_start3A_434, %dma_start3A_435] : memref<100000x8xf32, #tpu.memory_space<vmem_shared>> -> memref<100000x8xf32, #tpu.memory_space<vmem_shared>>
        tpu.enqueue_indirect_dma source(%dma_start3A_430 : memref<128x8xf32, #tpu.memory_space<vmem>>) target(%dma_start3A_436 : memref<100000x8xf32, #tpu.memory_space<vmem_shared>>) offsets(%dma_start3A_433 : memref<128xi32, #tpu.memory_space<vmem>>) semaphore(%arg17 : memref<!tpu.dma_semaphore, #tpu.memory_space<semaphore_mem>>) {add = true}
        %dma_wait3A_437 = arith.constant 0 : i32
        %dma_wait3A_438 = arith.constant 0 : i32
        %dma_wait3A_439 = arith.constant 0 : i32
        %dma_wait3A_440 = tpu.memref_slice %arg21[%dma_wait3A_438, %dma_wait3A_439] : memref<512x8xf32, #tpu.memory_space<vmem>> -> memref<128x8xf32, #tpu.memory_space<vmem>>
        %dma_wait3A_441 = arith.constant 0 : i32
        %dma_wait3A_442 = tpu.memref_slice %arg19[%dma_wait3A_437, %dma_wait3A_441] : memref<4x128xi32, #tpu.memory_space<vmem>> -> memref<1x128xi32, #tpu.memory_space<vmem>>
        %dma_wait3A_443 = tpu.memref_squeeze %dma_wait3A_442 : memref<1x128xi32, #tpu.memory_space<vmem>> -> memref<128xi32, #tpu.memory_space<vmem>>
        %dma_wait3A_444 = arith.constant 0 : i32
        %dma_wait3A_445 = arith.constant 0 : i32
        %dma_wait3A_446 = tpu.memref_slice %arg7[%dma_wait3A_444, %dma_wait3A_445] : memref<100000x8xf32, #tpu.memory_space<vmem_shared>> -> memref<100000x8xf32, #tpu.memory_space<vmem_shared>>
        tpu.wait_indirect_dma semaphore(%arg24 : memref<!tpu.dma_semaphore, #tpu.memory_space<semaphore_mem>>) src(%dma_wait3A_446 : memref<100000x8xf32, #tpu.memory_space<vmem_shared>>) dst(%dma_wait3A_440 : memref<128x8xf32, #tpu.memory_space<vmem>>)
        %dma_wait3A_447 = arith.constant 0 : i32
        %dma_wait3A_448 = arith.constant 0 : i32
        %dma_wait3A_449 = arith.constant 0 : i32
        %dma_wait3A_450 = tpu.memref_slice %arg22[%dma_wait3A_448, %dma_wait3A_449] : memref<512x8xf32, #tpu.memory_space<vmem>> -> memref<128x8xf32, #tpu.memory_space<vmem>>
        %dma_wait3A_451 = arith.constant 0 : i32
        %dma_wait3A_452 = tpu.memref_slice %arg18[%dma_wait3A_447, %dma_wait3A_451] : memref<4x128xi32, #tpu.memory_space<vmem>> -> memref<1x128xi32, #tpu.memory_space<vmem>>
        %dma_wait3A_453 = tpu.memref_squeeze %dma_wait3A_452 : memref<1x128xi32, #tpu.memory_space<vmem>> -> memref<128xi32, #tpu.memory_space<vmem>>
        %dma_wait3A_454 = arith.constant 0 : i32
        %dma_wait3A_455 = arith.constant 0 : i32
        %dma_wait3A_456 = tpu.memref_slice %arg7[%dma_wait3A_454, %dma_wait3A_455] : memref<100000x8xf32, #tpu.memory_space<vmem_shared>> -> memref<100000x8xf32, #tpu.memory_space<vmem_shared>>
        tpu.wait_indirect_dma semaphore(%arg24 : memref<!tpu.dma_semaphore, #tpu.memory_space<semaphore_mem>>) src(%dma_wait3A_456 : memref<100000x8xf32, #tpu.memory_space<vmem_shared>>) dst(%dma_wait3A_450 : memref<128x8xf32, #tpu.memory_space<vmem>>)
        %dma_wait3A_457 = arith.constant 1 : i32
        %dma_wait3A_458 = arith.constant 128 : i32
        %dma_wait3A_459 = arith.constant 0 : i32
        %dma_wait3A_460 = tpu.memref_slice %arg21[%dma_wait3A_458, %dma_wait3A_459] : memref<512x8xf32, #tpu.memory_space<vmem>> -> memref<128x8xf32, #tpu.memory_space<vmem>>
        %dma_wait3A_461 = arith.constant 0 : i32
        %dma_wait3A_462 = tpu.memref_slice %arg19[%dma_wait3A_457, %dma_wait3A_461] : memref<4x128xi32, #tpu.memory_space<vmem>> -> memref<1x128xi32, #tpu.memory_space<vmem>>
        %dma_wait3A_463 = tpu.memref_squeeze %dma_wait3A_462 : memref<1x128xi32, #tpu.memory_space<vmem>> -> memref<128xi32, #tpu.memory_space<vmem>>
        %dma_wait3A_464 = arith.constant 0 : i32
        %dma_wait3A_465 = arith.constant 0 : i32
        %dma_wait3A_466 = tpu.memref_slice %arg7[%dma_wait3A_464, %dma_wait3A_465] : memref<100000x8xf32, #tpu.memory_space<vmem_shared>> -> memref<100000x8xf32, #tpu.memory_space<vmem_shared>>
        tpu.wait_indirect_dma semaphore(%arg24 : memref<!tpu.dma_semaphore, #tpu.memory_space<semaphore_mem>>) src(%dma_wait3A_466 : memref<100000x8xf32, #tpu.memory_space<vmem_shared>>) dst(%dma_wait3A_460 : memref<128x8xf32, #tpu.memory_space<vmem>>)
        %dma_wait3A_467 = arith.constant 1 : i32
        %dma_wait3A_468 = arith.constant 128 : i32
        %dma_wait3A_469 = arith.constant 0 : i32
        %dma_wait3A_470 = tpu.memref_slice %arg22[%dma_wait3A_468, %dma_wait3A_469] : memref<512x8xf32, #tpu.memory_space<vmem>> -> memref<128x8xf32, #tpu.memory_space<vmem>>
        %dma_wait3A_471 = arith.constant 0 : i32
        %dma_wait3A_472 = tpu.memref_slice %arg18[%dma_wait3A_467, %dma_wait3A_471] : memref<4x128xi32, #tpu.memory_space<vmem>> -> memref<1x128xi32, #tpu.memory_space<vmem>>
        %dma_wait3A_473 = tpu.memref_squeeze %dma_wait3A_472 : memref<1x128xi32, #tpu.memory_space<vmem>> -> memref<128xi32, #tpu.memory_space<vmem>>
        %dma_wait3A_474 = arith.constant 0 : i32
        %dma_wait3A_475 = arith.constant 0 : i32
        %dma_wait3A_476 = tpu.memref_slice %arg7[%dma_wait3A_474, %dma_wait3A_475] : memref<100000x8xf32, #tpu.memory_space<vmem_shared>> -> memref<100000x8xf32, #tpu.memory_space<vmem_shared>>
        tpu.wait_indirect_dma semaphore(%arg24 : memref<!tpu.dma_semaphore, #tpu.memory_space<semaphore_mem>>) src(%dma_wait3A_476 : memref<100000x8xf32, #tpu.memory_space<vmem_shared>>) dst(%dma_wait3A_470 : memref<128x8xf32, #tpu.memory_space<vmem>>)
        %dma_wait3A_477 = arith.constant 2 : i32
        %dma_wait3A_478 = arith.constant 256 : i32
        %dma_wait3A_479 = arith.constant 0 : i32
        %dma_wait3A_480 = tpu.memref_slice %arg21[%dma_wait3A_478, %dma_wait3A_479] : memref<512x8xf32, #tpu.memory_space<vmem>> -> memref<128x8xf32, #tpu.memory_space<vmem>>
        %dma_wait3A_481 = arith.constant 0 : i32
        %dma_wait3A_482 = tpu.memref_slice %arg19[%dma_wait3A_477, %dma_wait3A_481] : memref<4x128xi32, #tpu.memory_space<vmem>> -> memref<1x128xi32, #tpu.memory_space<vmem>>
        %dma_wait3A_483 = tpu.memref_squeeze %dma_wait3A_482 : memref<1x128xi32, #tpu.memory_space<vmem>> -> memref<128xi32, #tpu.memory_space<vmem>>
        %dma_wait3A_484 = arith.constant 0 : i32
        %dma_wait3A_485 = arith.constant 0 : i32
        %dma_wait3A_486 = tpu.memref_slice %arg7[%dma_wait3A_484, %dma_wait3A_485] : memref<100000x8xf32, #tpu.memory_space<vmem_shared>> -> memref<100000x8xf32, #tpu.memory_space<vmem_shared>>
        tpu.wait_indirect_dma semaphore(%arg24 : memref<!tpu.dma_semaphore, #tpu.memory_space<semaphore_mem>>) src(%dma_wait3A_486 : memref<100000x8xf32, #tpu.memory_space<vmem_shared>>) dst(%dma_wait3A_480 : memref<128x8xf32, #tpu.memory_space<vmem>>)
        %dma_wait3A_487 = arith.constant 2 : i32
        %dma_wait3A_488 = arith.constant 256 : i32
        %dma_wait3A_489 = arith.constant 0 : i32
        %dma_wait3A_490 = tpu.memref_slice %arg22[%dma_wait3A_488, %dma_wait3A_489] : memref<512x8xf32, #tpu.memory_space<vmem>> -> memref<128x8xf32, #tpu.memory_space<vmem>>
        %dma_wait3A_491 = arith.constant 0 : i32
        %dma_wait3A_492 = tpu.memref_slice %arg18[%dma_wait3A_487, %dma_wait3A_491] : memref<4x128xi32, #tpu.memory_space<vmem>> -> memref<1x128xi32, #tpu.memory_space<vmem>>
        %dma_wait3A_493 = tpu.memref_squeeze %dma_wait3A_492 : memref<1x128xi32, #tpu.memory_space<vmem>> -> memref<128xi32, #tpu.memory_space<vmem>>
        %dma_wait3A_494 = arith.constant 0 : i32
        %dma_wait3A_495 = arith.constant 0 : i32
        %dma_wait3A_496 = tpu.memref_slice %arg7[%dma_wait3A_494, %dma_wait3A_495] : memref<100000x8xf32, #tpu.memory_space<vmem_shared>> -> memref<100000x8xf32, #tpu.memory_space<vmem_shared>>
        tpu.wait_indirect_dma semaphore(%arg24 : memref<!tpu.dma_semaphore, #tpu.memory_space<semaphore_mem>>) src(%dma_wait3A_496 : memref<100000x8xf32, #tpu.memory_space<vmem_shared>>) dst(%dma_wait3A_490 : memref<128x8xf32, #tpu.memory_space<vmem>>)
        %dma_wait3A_497 = arith.constant 3 : i32
        %dma_wait3A_498 = arith.constant 384 : i32
        %dma_wait3A_499 = arith.constant 0 : i32
        %dma_wait3A_500 = tpu.memref_slice %arg21[%dma_wait3A_498, %dma_wait3A_499] : memref<512x8xf32, #tpu.memory_space<vmem>> -> memref<128x8xf32, #tpu.memory_space<vmem>>
        %dma_wait3A_501 = arith.constant 0 : i32
        %dma_wait3A_502 = tpu.memref_slice %arg19[%dma_wait3A_497, %dma_wait3A_501] : memref<4x128xi32, #tpu.memory_space<vmem>> -> memref<1x128xi32, #tpu.memory_space<vmem>>
        %dma_wait3A_503 = tpu.memref_squeeze %dma_wait3A_502 : memref<1x128xi32, #tpu.memory_space<vmem>> -> memref<128xi32, #tpu.memory_space<vmem>>
        %dma_wait3A_504 = arith.constant 0 : i32
        %dma_wait3A_505 = arith.constant 0 : i32
        %dma_wait3A_506 = tpu.memref_slice %arg7[%dma_wait3A_504, %dma_wait3A_505] : memref<100000x8xf32, #tpu.memory_space<vmem_shared>> -> memref<100000x8xf32, #tpu.memory_space<vmem_shared>>
        tpu.wait_indirect_dma semaphore(%arg24 : memref<!tpu.dma_semaphore, #tpu.memory_space<semaphore_mem>>) src(%dma_wait3A_506 : memref<100000x8xf32, #tpu.memory_space<vmem_shared>>) dst(%dma_wait3A_500 : memref<128x8xf32, #tpu.memory_space<vmem>>)
        %dma_wait3A_507 = arith.constant 3 : i32
        %dma_wait3A_508 = arith.constant 384 : i32
        %dma_wait3A_509 = arith.constant 0 : i32
        %dma_wait3A_510 = tpu.memref_slice %arg22[%dma_wait3A_508, %dma_wait3A_509] : memref<512x8xf32, #tpu.memory_space<vmem>> -> memref<128x8xf32, #tpu.memory_space<vmem>>
        %dma_wait3A_511 = arith.constant 0 : i32
        %dma_wait3A_512 = tpu.memref_slice %arg18[%dma_wait3A_507, %dma_wait3A_511] : memref<4x128xi32, #tpu.memory_space<vmem>> -> memref<1x128xi32, #tpu.memory_space<vmem>>
        %dma_wait3A_513 = tpu.memref_squeeze %dma_wait3A_512 : memref<1x128xi32, #tpu.memory_space<vmem>> -> memref<128xi32, #tpu.memory_space<vmem>>
        %dma_wait3A_514 = arith.constant 0 : i32
        %dma_wait3A_515 = arith.constant 0 : i32
        %dma_wait3A_516 = tpu.memref_slice %arg7[%dma_wait3A_514, %dma_wait3A_515] : memref<100000x8xf32, #tpu.memory_space<vmem_shared>> -> memref<100000x8xf32, #tpu.memory_space<vmem_shared>>
        tpu.wait_indirect_dma semaphore(%arg24 : memref<!tpu.dma_semaphore, #tpu.memory_space<semaphore_mem>>) src(%dma_wait3A_516 : memref<100000x8xf32, #tpu.memory_space<vmem_shared>>) dst(%dma_wait3A_510 : memref<128x8xf32, #tpu.memory_space<vmem>>)
        %parallel_loop3A_517 = arith.constant 0 : i32
        %parallel_loop3A_518 = arith.constant 128 : i32
        %parallel_loop3A_519 = arith.constant 1 : i32
        scf.for %parallel_loop3A_760 = %parallel_loop3A_517 to %parallel_loop3A_518 step %parallel_loop3A_519  : i32 {
          %parallel_loop3A_761 = arith.constant 4 : i32
          %parallel_loop3A_762 = arith.muli %parallel_loop3A_760, %parallel_loop3A_761 : i32
          %parallel_loop3A_763 = vector.broadcast %parallel_loop3A_762 : i32 to vector<16xi32>
          %parallel_loop3A_764 = arith.addi %div3A, %parallel_loop3A_763 : vector<16xi32>
          %parallel_loop3A_765 = tpu.vector_load_idx %arg20[%parallel_loop3A_764] : memref<512xf32, #tpu.memory_space<vmem>>[vector<16xi32>], vector<16xf32>,
          %parallel_loop3A_766 = tpu.vector_load_idx %arg21[%parallel_loop3A_764, %rem3A] : memref<512x8xf32, #tpu.memory_space<vmem>>[vector<16xi32>, vector<16xi32>], vector<16xf32>,
          %parallel_loop3A_767 = arith.mulf %parallel_loop3A_766, %parallel_loop3A_765 : vector<16xf32>
          tpu.vector_store_idx %arg21[%parallel_loop3A_764, %rem3A], %parallel_loop3A_767 : memref<512x8xf32, #tpu.memory_space<vmem>>[vector<16xi32>, vector<16xi32>], vector<16xf32>,
          %parallel_loop3A_768 = tpu.vector_load_idx %arg22[%parallel_loop3A_764, %rem3A] : memref<512x8xf32, #tpu.memory_space<vmem>>[vector<16xi32>, vector<16xi32>], vector<16xf32>,
          %parallel_loop3A_769 = arith.mulf %parallel_loop3A_768, %parallel_loop3A_765 : vector<16xf32>
          tpu.vector_store_idx %arg22[%parallel_loop3A_764, %rem3A], %parallel_loop3A_769 : memref<512x8xf32, #tpu.memory_space<vmem>>[vector<16xi32>, vector<16xi32>], vector<16xf32>,
        } {sc.loop_unroll_factor = 4 : i64, sc.parallel_access}
        %dma_start3A_520 = arith.constant 0 : i32
        %dma_start3A_521 = arith.constant 0 : i32
        %dma_start3A_522 = arith.constant 0 : i32
        %dma_start3A_523 = tpu.memref_slice %arg21[%dma_start3A_521, %dma_start3A_522] : memref<512x8xf32, #tpu.memory_space<vmem>> -> memref<128x8xf32, #tpu.memory_space<vmem>>
        %dma_start3A_524 = arith.constant 0 : i32
        %dma_start3A_525 = tpu.memref_slice %arg18[%dma_start3A_520, %dma_start3A_524] : memref<4x128xi32, #tpu.memory_space<vmem>> -> memref<1x128xi32, #tpu.memory_space<vmem>>
        %dma_start3A_526 = tpu.memref_squeeze %dma_start3A_525 : memref<1x128xi32, #tpu.memory_space<vmem>> -> memref<128xi32, #tpu.memory_space<vmem>>
        %dma_start3A_527 = arith.constant 0 : i32
        %dma_start3A_528 = arith.constant 0 : i32
        %dma_start3A_529 = tpu.memref_slice %arg8[%dma_start3A_527, %dma_start3A_528] : memref<100000x8xf32, #tpu.memory_space<vmem_shared>> -> memref<100000x8xf32, #tpu.memory_space<vmem_shared>>
        tpu.enqueue_indirect_dma source(%dma_start3A_523 : memref<128x8xf32, #tpu.memory_space<vmem>>) target(%dma_start3A_529 : memref<100000x8xf32, #tpu.memory_space<vmem_shared>>) offsets(%dma_start3A_526 : memref<128xi32, #tpu.memory_space<vmem>>) semaphore(%arg25 : memref<!tpu.dma_semaphore, #tpu.memory_space<semaphore_mem>>) {add = true}
        %dma_start3A_530 = arith.constant 0 : i32
        %dma_start3A_531 = arith.constant 0 : i32
        %dma_start3A_532 = arith.constant 0 : i32
        %dma_start3A_533 = tpu.memref_slice %arg22[%dma_start3A_531, %dma_start3A_532] : memref<512x8xf32, #tpu.memory_space<vmem>> -> memref<128x8xf32, #tpu.memory_space<vmem>>
        %dma_start3A_534 = arith.constant 0 : i32
        %dma_start3A_535 = tpu.memref_slice %arg19[%dma_start3A_530, %dma_start3A_534] : memref<4x128xi32, #tpu.memory_space<vmem>> -> memref<1x128xi32, #tpu.memory_space<vmem>>
        %dma_start3A_536 = tpu.memref_squeeze %dma_start3A_535 : memref<1x128xi32, #tpu.memory_space<vmem>> -> memref<128xi32, #tpu.memory_space<vmem>>
        %dma_start3A_537 = arith.constant 0 : i32
        %dma_start3A_538 = arith.constant 0 : i32
        %dma_start3A_539 = tpu.memref_slice %arg8[%dma_start3A_537, %dma_start3A_538] : memref<100000x8xf32, #tpu.memory_space<vmem_shared>> -> memref<100000x8xf32, #tpu.memory_space<vmem_shared>>
        tpu.enqueue_indirect_dma source(%dma_start3A_533 : memref<128x8xf32, #tpu.memory_space<vmem>>) target(%dma_start3A_539 : memref<100000x8xf32, #tpu.memory_space<vmem_shared>>) offsets(%dma_start3A_536 : memref<128xi32, #tpu.memory_space<vmem>>) semaphore(%arg25 : memref<!tpu.dma_semaphore, #tpu.memory_space<semaphore_mem>>) {add = true}
        %dma_start3A_540 = arith.constant 1 : i32
        %dma_start3A_541 = arith.constant 128 : i32
        %dma_start3A_542 = arith.constant 0 : i32
        %dma_start3A_543 = tpu.memref_slice %arg21[%dma_start3A_541, %dma_start3A_542] : memref<512x8xf32, #tpu.memory_space<vmem>> -> memref<128x8xf32, #tpu.memory_space<vmem>>
        %dma_start3A_544 = arith.constant 0 : i32
        %dma_start3A_545 = tpu.memref_slice %arg18[%dma_start3A_540, %dma_start3A_544] : memref<4x128xi32, #tpu.memory_space<vmem>> -> memref<1x128xi32, #tpu.memory_space<vmem>>
        %dma_start3A_546 = tpu.memref_squeeze %dma_start3A_545 : memref<1x128xi32, #tpu.memory_space<vmem>> -> memref<128xi32, #tpu.memory_space<vmem>>
        %dma_start3A_547 = arith.constant 0 : i32
        %dma_start3A_548 = arith.constant 0 : i32
        %dma_start3A_549 = tpu.memref_slice %arg8[%dma_start3A_547, %dma_start3A_548] : memref<100000x8xf32, #tpu.memory_space<vmem_shared>> -> memref<100000x8xf32, #tpu.memory_space<vmem_shared>>
        tpu.enqueue_indirect_dma source(%dma_start3A_543 : memref<128x8xf32, #tpu.memory_space<vmem>>) target(%dma_start3A_549 : memref<100000x8xf32, #tpu.memory_space<vmem_shared>>) offsets(%dma_start3A_546 : memref<128xi32, #tpu.memory_space<vmem>>) semaphore(%arg25 : memref<!tpu.dma_semaphore, #tpu.memory_space<semaphore_mem>>) {add = true}
        %dma_start3A_550 = arith.constant 1 : i32
        %dma_start3A_551 = arith.constant 128 : i32
        %dma_start3A_552 = arith.constant 0 : i32
        %dma_start3A_553 = tpu.memref_slice %arg22[%dma_start3A_551, %dma_start3A_552] : memref<512x8xf32, #tpu.memory_space<vmem>> -> memref<128x8xf32, #tpu.memory_space<vmem>>
        %dma_start3A_554 = arith.constant 0 : i32
        %dma_start3A_555 = tpu.memref_slice %arg19[%dma_start3A_550, %dma_start3A_554] : memref<4x128xi32, #tpu.memory_space<vmem>> -> memref<1x128xi32, #tpu.memory_space<vmem>>
        %dma_start3A_556 = tpu.memref_squeeze %dma_start3A_555 : memref<1x128xi32, #tpu.memory_space<vmem>> -> memref<128xi32, #tpu.memory_space<vmem>>
        %dma_start3A_557 = arith.constant 0 : i32
        %dma_start3A_558 = arith.constant 0 : i32
        %dma_start3A_559 = tpu.memref_slice %arg8[%dma_start3A_557, %dma_start3A_558] : memref<100000x8xf32, #tpu.memory_space<vmem_shared>> -> memref<100000x8xf32, #tpu.memory_space<vmem_shared>>
        tpu.enqueue_indirect_dma source(%dma_start3A_553 : memref<128x8xf32, #tpu.memory_space<vmem>>) target(%dma_start3A_559 : memref<100000x8xf32, #tpu.memory_space<vmem_shared>>) offsets(%dma_start3A_556 : memref<128xi32, #tpu.memory_space<vmem>>) semaphore(%arg25 : memref<!tpu.dma_semaphore, #tpu.memory_space<semaphore_mem>>) {add = true}
        %dma_start3A_560 = arith.constant 2 : i32
        %dma_start3A_561 = arith.constant 256 : i32
        %dma_start3A_562 = arith.constant 0 : i32
        %dma_start3A_563 = tpu.memref_slice %arg21[%dma_start3A_561, %dma_start3A_562] : memref<512x8xf32, #tpu.memory_space<vmem>> -> memref<128x8xf32, #tpu.memory_space<vmem>>
        %dma_start3A_564 = arith.constant 0 : i32
        %dma_start3A_565 = tpu.memref_slice %arg18[%dma_start3A_560, %dma_start3A_564] : memref<4x128xi32, #tpu.memory_space<vmem>> -> memref<1x128xi32, #tpu.memory_space<vmem>>
        %dma_start3A_566 = tpu.memref_squeeze %dma_start3A_565 : memref<1x128xi32, #tpu.memory_space<vmem>> -> memref<128xi32, #tpu.memory_space<vmem>>
        %dma_start3A_567 = arith.constant 0 : i32
        %dma_start3A_568 = arith.constant 0 : i32
        %dma_start3A_569 = tpu.memref_slice %arg8[%dma_start3A_567, %dma_start3A_568] : memref<100000x8xf32, #tpu.memory_space<vmem_shared>> -> memref<100000x8xf32, #tpu.memory_space<vmem_shared>>
        tpu.enqueue_indirect_dma source(%dma_start3A_563 : memref<128x8xf32, #tpu.memory_space<vmem>>) target(%dma_start3A_569 : memref<100000x8xf32, #tpu.memory_space<vmem_shared>>) offsets(%dma_start3A_566 : memref<128xi32, #tpu.memory_space<vmem>>) semaphore(%arg25 : memref<!tpu.dma_semaphore, #tpu.memory_space<semaphore_mem>>) {add = true}
        %dma_start3A_570 = arith.constant 2 : i32
        %dma_start3A_571 = arith.constant 256 : i32
        %dma_start3A_572 = arith.constant 0 : i32
        %dma_start3A_573 = tpu.memref_slice %arg22[%dma_start3A_571, %dma_start3A_572] : memref<512x8xf32, #tpu.memory_space<vmem>> -> memref<128x8xf32, #tpu.memory_space<vmem>>
        %dma_start3A_574 = arith.constant 0 : i32
        %dma_start3A_575 = tpu.memref_slice %arg19[%dma_start3A_570, %dma_start3A_574] : memref<4x128xi32, #tpu.memory_space<vmem>> -> memref<1x128xi32, #tpu.memory_space<vmem>>
        %dma_start3A_576 = tpu.memref_squeeze %dma_start3A_575 : memref<1x128xi32, #tpu.memory_space<vmem>> -> memref<128xi32, #tpu.memory_space<vmem>>
        %dma_start3A_577 = arith.constant 0 : i32
        %dma_start3A_578 = arith.constant 0 : i32
        %dma_start3A_579 = tpu.memref_slice %arg8[%dma_start3A_577, %dma_start3A_578] : memref<100000x8xf32, #tpu.memory_space<vmem_shared>> -> memref<100000x8xf32, #tpu.memory_space<vmem_shared>>
        tpu.enqueue_indirect_dma source(%dma_start3A_573 : memref<128x8xf32, #tpu.memory_space<vmem>>) target(%dma_start3A_579 : memref<100000x8xf32, #tpu.memory_space<vmem_shared>>) offsets(%dma_start3A_576 : memref<128xi32, #tpu.memory_space<vmem>>) semaphore(%arg25 : memref<!tpu.dma_semaphore, #tpu.memory_space<semaphore_mem>>) {add = true}
        %dma_start3A_580 = arith.constant 3 : i32
        %dma_start3A_581 = arith.constant 384 : i32
        %dma_start3A_582 = arith.constant 0 : i32
        %dma_start3A_583 = tpu.memref_slice %arg21[%dma_start3A_581, %dma_start3A_582] : memref<512x8xf32, #tpu.memory_space<vmem>> -> memref<128x8xf32, #tpu.memory_space<vmem>>
        %dma_start3A_584 = arith.constant 0 : i32
        %dma_start3A_585 = tpu.memref_slice %arg18[%dma_start3A_580, %dma_start3A_584] : memref<4x128xi32, #tpu.memory_space<vmem>> -> memref<1x128xi32, #tpu.memory_space<vmem>>
        %dma_start3A_586 = tpu.memref_squeeze %dma_start3A_585 : memref<1x128xi32, #tpu.memory_space<vmem>> -> memref<128xi32, #tpu.memory_space<vmem>>
        %dma_start3A_587 = arith.constant 0 : i32
        %dma_start3A_588 = arith.constant 0 : i32
        %dma_start3A_589 = tpu.memref_slice %arg8[%dma_start3A_587, %dma_start3A_588] : memref<100000x8xf32, #tpu.memory_space<vmem_shared>> -> memref<100000x8xf32, #tpu.memory_space<vmem_shared>>
        tpu.enqueue_indirect_dma source(%dma_start3A_583 : memref<128x8xf32, #tpu.memory_space<vmem>>) target(%dma_start3A_589 : memref<100000x8xf32, #tpu.memory_space<vmem_shared>>) offsets(%dma_start3A_586 : memref<128xi32, #tpu.memory_space<vmem>>) semaphore(%arg25 : memref<!tpu.dma_semaphore, #tpu.memory_space<semaphore_mem>>) {add = true}
        %dma_start3A_590 = arith.constant 3 : i32
        %dma_start3A_591 = arith.constant 384 : i32
        %dma_start3A_592 = arith.constant 0 : i32
        %dma_start3A_593 = tpu.memref_slice %arg22[%dma_start3A_591, %dma_start3A_592] : memref<512x8xf32, #tpu.memory_space<vmem>> -> memref<128x8xf32, #tpu.memory_space<vmem>>
        %dma_start3A_594 = arith.constant 0 : i32
        %dma_start3A_595 = tpu.memref_slice %arg19[%dma_start3A_590, %dma_start3A_594] : memref<4x128xi32, #tpu.memory_space<vmem>> -> memref<1x128xi32, #tpu.memory_space<vmem>>
        %dma_start3A_596 = tpu.memref_squeeze %dma_start3A_595 : memref<1x128xi32, #tpu.memory_space<vmem>> -> memref<128xi32, #tpu.memory_space<vmem>>
        %dma_start3A_597 = arith.constant 0 : i32
        %dma_start3A_598 = arith.constant 0 : i32
        %dma_start3A_599 = tpu.memref_slice %arg8[%dma_start3A_597, %dma_start3A_598] : memref<100000x8xf32, #tpu.memory_space<vmem_shared>> -> memref<100000x8xf32, #tpu.memory_space<vmem_shared>>
        tpu.enqueue_indirect_dma source(%dma_start3A_593 : memref<128x8xf32, #tpu.memory_space<vmem>>) target(%dma_start3A_599 : memref<100000x8xf32, #tpu.memory_space<vmem_shared>>) offsets(%dma_start3A_596 : memref<128xi32, #tpu.memory_space<vmem>>) semaphore(%arg25 : memref<!tpu.dma_semaphore, #tpu.memory_space<semaphore_mem>>) {add = true}
        %dma_wait3A_600 = arith.constant 0 : i32
        %dma_wait3A_601 = arith.constant 0 : i32
        %dma_wait3A_602 = arith.constant 0 : i32
        %dma_wait3A_603 = tpu.memref_slice %arg13[%dma_wait3A_601, %dma_wait3A_602] : memref<512x8xf32, #tpu.memory_space<vmem>> -> memref<128x8xf32, #tpu.memory_space<vmem>>
        %dma_wait3A_604 = arith.constant 0 : i32
        %dma_wait3A_605 = tpu.memref_slice %arg10[%dma_wait3A_600, %dma_wait3A_604] : memref<4x128xi32, #tpu.memory_space<vmem>> -> memref<1x128xi32, #tpu.memory_space<vmem>>
        %dma_wait3A_606 = tpu.memref_squeeze %dma_wait3A_605 : memref<1x128xi32, #tpu.memory_space<vmem>> -> memref<128xi32, #tpu.memory_space<vmem>>
        %dma_wait3A_607 = arith.constant 0 : i32
        %dma_wait3A_608 = arith.constant 0 : i32
        %dma_wait3A_609 = tpu.memref_slice %arg8[%dma_wait3A_607, %dma_wait3A_608] : memref<100000x8xf32, #tpu.memory_space<vmem_shared>> -> memref<100000x8xf32, #tpu.memory_space<vmem_shared>>
        tpu.wait_indirect_dma semaphore(%arg17 : memref<!tpu.dma_semaphore, #tpu.memory_space<semaphore_mem>>) src(%dma_wait3A_603 : memref<128x8xf32, #tpu.memory_space<vmem>>) dst(%dma_wait3A_609 : memref<100000x8xf32, #tpu.memory_space<vmem_shared>>)
        %dma_wait3A_610 = arith.constant 0 : i32
        %dma_wait3A_611 = arith.constant 0 : i32
        %dma_wait3A_612 = arith.constant 0 : i32
        %dma_wait3A_613 = tpu.memref_slice %arg14[%dma_wait3A_611, %dma_wait3A_612] : memref<512x8xf32, #tpu.memory_space<vmem>> -> memref<128x8xf32, #tpu.memory_space<vmem>>
        %dma_wait3A_614 = arith.constant 0 : i32
        %dma_wait3A_615 = tpu.memref_slice %arg11[%dma_wait3A_610, %dma_wait3A_614] : memref<4x128xi32, #tpu.memory_space<vmem>> -> memref<1x128xi32, #tpu.memory_space<vmem>>
        %dma_wait3A_616 = tpu.memref_squeeze %dma_wait3A_615 : memref<1x128xi32, #tpu.memory_space<vmem>> -> memref<128xi32, #tpu.memory_space<vmem>>
        %dma_wait3A_617 = arith.constant 0 : i32
        %dma_wait3A_618 = arith.constant 0 : i32
        %dma_wait3A_619 = tpu.memref_slice %arg8[%dma_wait3A_617, %dma_wait3A_618] : memref<100000x8xf32, #tpu.memory_space<vmem_shared>> -> memref<100000x8xf32, #tpu.memory_space<vmem_shared>>
        tpu.wait_indirect_dma semaphore(%arg17 : memref<!tpu.dma_semaphore, #tpu.memory_space<semaphore_mem>>) src(%dma_wait3A_613 : memref<128x8xf32, #tpu.memory_space<vmem>>) dst(%dma_wait3A_619 : memref<100000x8xf32, #tpu.memory_space<vmem_shared>>)
        %dma_wait3A_620 = arith.constant 1 : i32
        %dma_wait3A_621 = arith.constant 128 : i32
        %dma_wait3A_622 = arith.constant 0 : i32
        %dma_wait3A_623 = tpu.memref_slice %arg13[%dma_wait3A_621, %dma_wait3A_622] : memref<512x8xf32, #tpu.memory_space<vmem>> -> memref<128x8xf32, #tpu.memory_space<vmem>>
        %dma_wait3A_624 = arith.constant 0 : i32
        %dma_wait3A_625 = tpu.memref_slice %arg10[%dma_wait3A_620, %dma_wait3A_624] : memref<4x128xi32, #tpu.memory_space<vmem>> -> memref<1x128xi32, #tpu.memory_space<vmem>>
        %dma_wait3A_626 = tpu.memref_squeeze %dma_wait3A_625 : memref<1x128xi32, #tpu.memory_space<vmem>> -> memref<128xi32, #tpu.memory_space<vmem>>
        %dma_wait3A_627 = arith.constant 0 : i32
        %dma_wait3A_628 = arith.constant 0 : i32
        %dma_wait3A_629 = tpu.memref_slice %arg8[%dma_wait3A_627, %dma_wait3A_628] : memref<100000x8xf32, #tpu.memory_space<vmem_shared>> -> memref<100000x8xf32, #tpu.memory_space<vmem_shared>>
        tpu.wait_indirect_dma semaphore(%arg17 : memref<!tpu.dma_semaphore, #tpu.memory_space<semaphore_mem>>) src(%dma_wait3A_623 : memref<128x8xf32, #tpu.memory_space<vmem>>) dst(%dma_wait3A_629 : memref<100000x8xf32, #tpu.memory_space<vmem_shared>>)
        %dma_wait3A_630 = arith.constant 1 : i32
        %dma_wait3A_631 = arith.constant 128 : i32
        %dma_wait3A_632 = arith.constant 0 : i32
        %dma_wait3A_633 = tpu.memref_slice %arg14[%dma_wait3A_631, %dma_wait3A_632] : memref<512x8xf32, #tpu.memory_space<vmem>> -> memref<128x8xf32, #tpu.memory_space<vmem>>
        %dma_wait3A_634 = arith.constant 0 : i32
        %dma_wait3A_635 = tpu.memref_slice %arg11[%dma_wait3A_630, %dma_wait3A_634] : memref<4x128xi32, #tpu.memory_space<vmem>> -> memref<1x128xi32, #tpu.memory_space<vmem>>
        %dma_wait3A_636 = tpu.memref_squeeze %dma_wait3A_635 : memref<1x128xi32, #tpu.memory_space<vmem>> -> memref<128xi32, #tpu.memory_space<vmem>>
        %dma_wait3A_637 = arith.constant 0 : i32
        %dma_wait3A_638 = arith.constant 0 : i32
        %dma_wait3A_639 = tpu.memref_slice %arg8[%dma_wait3A_637, %dma_wait3A_638] : memref<100000x8xf32, #tpu.memory_space<vmem_shared>> -> memref<100000x8xf32, #tpu.memory_space<vmem_shared>>
        tpu.wait_indirect_dma semaphore(%arg17 : memref<!tpu.dma_semaphore, #tpu.memory_space<semaphore_mem>>) src(%dma_wait3A_633 : memref<128x8xf32, #tpu.memory_space<vmem>>) dst(%dma_wait3A_639 : memref<100000x8xf32, #tpu.memory_space<vmem_shared>>)
        %dma_wait3A_640 = arith.constant 2 : i32
        %dma_wait3A_641 = arith.constant 256 : i32
        %dma_wait3A_642 = arith.constant 0 : i32
        %dma_wait3A_643 = tpu.memref_slice %arg13[%dma_wait3A_641, %dma_wait3A_642] : memref<512x8xf32, #tpu.memory_space<vmem>> -> memref<128x8xf32, #tpu.memory_space<vmem>>
        %dma_wait3A_644 = arith.constant 0 : i32
        %dma_wait3A_645 = tpu.memref_slice %arg10[%dma_wait3A_640, %dma_wait3A_644] : memref<4x128xi32, #tpu.memory_space<vmem>> -> memref<1x128xi32, #tpu.memory_space<vmem>>
        %dma_wait3A_646 = tpu.memref_squeeze %dma_wait3A_645 : memref<1x128xi32, #tpu.memory_space<vmem>> -> memref<128xi32, #tpu.memory_space<vmem>>
        %dma_wait3A_647 = arith.constant 0 : i32
        %dma_wait3A_648 = arith.constant 0 : i32
        %dma_wait3A_649 = tpu.memref_slice %arg8[%dma_wait3A_647, %dma_wait3A_648] : memref<100000x8xf32, #tpu.memory_space<vmem_shared>> -> memref<100000x8xf32, #tpu.memory_space<vmem_shared>>
        tpu.wait_indirect_dma semaphore(%arg17 : memref<!tpu.dma_semaphore, #tpu.memory_space<semaphore_mem>>) src(%dma_wait3A_643 : memref<128x8xf32, #tpu.memory_space<vmem>>) dst(%dma_wait3A_649 : memref<100000x8xf32, #tpu.memory_space<vmem_shared>>)
        %dma_wait3A_650 = arith.constant 2 : i32
        %dma_wait3A_651 = arith.constant 256 : i32
        %dma_wait3A_652 = arith.constant 0 : i32
        %dma_wait3A_653 = tpu.memref_slice %arg14[%dma_wait3A_651, %dma_wait3A_652] : memref<512x8xf32, #tpu.memory_space<vmem>> -> memref<128x8xf32, #tpu.memory_space<vmem>>
        %dma_wait3A_654 = arith.constant 0 : i32
        %dma_wait3A_655 = tpu.memref_slice %arg11[%dma_wait3A_650, %dma_wait3A_654] : memref<4x128xi32, #tpu.memory_space<vmem>> -> memref<1x128xi32, #tpu.memory_space<vmem>>
        %dma_wait3A_656 = tpu.memref_squeeze %dma_wait3A_655 : memref<1x128xi32, #tpu.memory_space<vmem>> -> memref<128xi32, #tpu.memory_space<vmem>>
        %dma_wait3A_657 = arith.constant 0 : i32
        %dma_wait3A_658 = arith.constant 0 : i32
        %dma_wait3A_659 = tpu.memref_slice %arg8[%dma_wait3A_657, %dma_wait3A_658] : memref<100000x8xf32, #tpu.memory_space<vmem_shared>> -> memref<100000x8xf32, #tpu.memory_space<vmem_shared>>
        tpu.wait_indirect_dma semaphore(%arg17 : memref<!tpu.dma_semaphore, #tpu.memory_space<semaphore_mem>>) src(%dma_wait3A_653 : memref<128x8xf32, #tpu.memory_space<vmem>>) dst(%dma_wait3A_659 : memref<100000x8xf32, #tpu.memory_space<vmem_shared>>)
        %dma_wait3A_660 = arith.constant 3 : i32
        %dma_wait3A_661 = arith.constant 384 : i32
        %dma_wait3A_662 = arith.constant 0 : i32
        %dma_wait3A_663 = tpu.memref_slice %arg13[%dma_wait3A_661, %dma_wait3A_662] : memref<512x8xf32, #tpu.memory_space<vmem>> -> memref<128x8xf32, #tpu.memory_space<vmem>>
        %dma_wait3A_664 = arith.constant 0 : i32
        %dma_wait3A_665 = tpu.memref_slice %arg10[%dma_wait3A_660, %dma_wait3A_664] : memref<4x128xi32, #tpu.memory_space<vmem>> -> memref<1x128xi32, #tpu.memory_space<vmem>>
        %dma_wait3A_666 = tpu.memref_squeeze %dma_wait3A_665 : memref<1x128xi32, #tpu.memory_space<vmem>> -> memref<128xi32, #tpu.memory_space<vmem>>
        %dma_wait3A_667 = arith.constant 0 : i32
        %dma_wait3A_668 = arith.constant 0 : i32
        %dma_wait3A_669 = tpu.memref_slice %arg8[%dma_wait3A_667, %dma_wait3A_668] : memref<100000x8xf32, #tpu.memory_space<vmem_shared>> -> memref<100000x8xf32, #tpu.memory_space<vmem_shared>>
        tpu.wait_indirect_dma semaphore(%arg17 : memref<!tpu.dma_semaphore, #tpu.memory_space<semaphore_mem>>) src(%dma_wait3A_663 : memref<128x8xf32, #tpu.memory_space<vmem>>) dst(%dma_wait3A_669 : memref<100000x8xf32, #tpu.memory_space<vmem_shared>>)
        %dma_wait3A_670 = arith.constant 3 : i32
        %dma_wait3A_671 = arith.constant 384 : i32
        %dma_wait3A_672 = arith.constant 0 : i32
        %dma_wait3A_673 = tpu.memref_slice %arg14[%dma_wait3A_671, %dma_wait3A_672] : memref<512x8xf32, #tpu.memory_space<vmem>> -> memref<128x8xf32, #tpu.memory_space<vmem>>
        %dma_wait3A_674 = arith.constant 0 : i32
        %dma_wait3A_675 = tpu.memref_slice %arg11[%dma_wait3A_670, %dma_wait3A_674] : memref<4x128xi32, #tpu.memory_space<vmem>> -> memref<1x128xi32, #tpu.memory_space<vmem>>
        %dma_wait3A_676 = tpu.memref_squeeze %dma_wait3A_675 : memref<1x128xi32, #tpu.memory_space<vmem>> -> memref<128xi32, #tpu.memory_space<vmem>>
        %dma_wait3A_677 = arith.constant 0 : i32
        %dma_wait3A_678 = arith.constant 0 : i32
        %dma_wait3A_679 = tpu.memref_slice %arg8[%dma_wait3A_677, %dma_wait3A_678] : memref<100000x8xf32, #tpu.memory_space<vmem_shared>> -> memref<100000x8xf32, #tpu.memory_space<vmem_shared>>
        tpu.wait_indirect_dma semaphore(%arg17 : memref<!tpu.dma_semaphore, #tpu.memory_space<semaphore_mem>>) src(%dma_wait3A_673 : memref<128x8xf32, #tpu.memory_space<vmem>>) dst(%dma_wait3A_679 : memref<100000x8xf32, #tpu.memory_space<vmem_shared>>)
        %dma_wait3A_680 = arith.constant 0 : i32
        %dma_wait3A_681 = arith.constant 0 : i32
        %dma_wait3A_682 = arith.constant 0 : i32
        %dma_wait3A_683 = tpu.memref_slice %arg21[%dma_wait3A_681, %dma_wait3A_682] : memref<512x8xf32, #tpu.memory_space<vmem>> -> memref<128x8xf32, #tpu.memory_space<vmem>>
        %dma_wait3A_684 = arith.constant 0 : i32
        %dma_wait3A_685 = tpu.memref_slice %arg18[%dma_wait3A_680, %dma_wait3A_684] : memref<4x128xi32, #tpu.memory_space<vmem>> -> memref<1x128xi32, #tpu.memory_space<vmem>>
        %dma_wait3A_686 = tpu.memref_squeeze %dma_wait3A_685 : memref<1x128xi32, #tpu.memory_space<vmem>> -> memref<128xi32, #tpu.memory_space<vmem>>
        %dma_wait3A_687 = arith.constant 0 : i32
        %dma_wait3A_688 = arith.constant 0 : i32
        %dma_wait3A_689 = tpu.memref_slice %arg8[%dma_wait3A_687, %dma_wait3A_688] : memref<100000x8xf32, #tpu.memory_space<vmem_shared>> -> memref<100000x8xf32, #tpu.memory_space<vmem_shared>>
        tpu.wait_indirect_dma semaphore(%arg25 : memref<!tpu.dma_semaphore, #tpu.memory_space<semaphore_mem>>) src(%dma_wait3A_683 : memref<128x8xf32, #tpu.memory_space<vmem>>) dst(%dma_wait3A_689 : memref<100000x8xf32, #tpu.memory_space<vmem_shared>>)
        %dma_wait3A_690 = arith.constant 0 : i32
        %dma_wait3A_691 = arith.constant 0 : i32
        %dma_wait3A_692 = arith.constant 0 : i32
        %dma_wait3A_693 = tpu.memref_slice %arg22[%dma_wait3A_691, %dma_wait3A_692] : memref<512x8xf32, #tpu.memory_space<vmem>> -> memref<128x8xf32, #tpu.memory_space<vmem>>
        %dma_wait3A_694 = arith.constant 0 : i32
        %dma_wait3A_695 = tpu.memref_slice %arg19[%dma_wait3A_690, %dma_wait3A_694] : memref<4x128xi32, #tpu.memory_space<vmem>> -> memref<1x128xi32, #tpu.memory_space<vmem>>
        %dma_wait3A_696 = tpu.memref_squeeze %dma_wait3A_695 : memref<1x128xi32, #tpu.memory_space<vmem>> -> memref<128xi32, #tpu.memory_space<vmem>>
        %dma_wait3A_697 = arith.constant 0 : i32
        %dma_wait3A_698 = arith.constant 0 : i32
        %dma_wait3A_699 = tpu.memref_slice %arg8[%dma_wait3A_697, %dma_wait3A_698] : memref<100000x8xf32, #tpu.memory_space<vmem_shared>> -> memref<100000x8xf32, #tpu.memory_space<vmem_shared>>
        tpu.wait_indirect_dma semaphore(%arg25 : memref<!tpu.dma_semaphore, #tpu.memory_space<semaphore_mem>>) src(%dma_wait3A_693 : memref<128x8xf32, #tpu.memory_space<vmem>>) dst(%dma_wait3A_699 : memref<100000x8xf32, #tpu.memory_space<vmem_shared>>)
        %dma_wait3A_700 = arith.constant 1 : i32
        %dma_wait3A_701 = arith.constant 128 : i32
        %dma_wait3A_702 = arith.constant 0 : i32
        %dma_wait3A_703 = tpu.memref_slice %arg21[%dma_wait3A_701, %dma_wait3A_702] : memref<512x8xf32, #tpu.memory_space<vmem>> -> memref<128x8xf32, #tpu.memory_space<vmem>>
        %dma_wait3A_704 = arith.constant 0 : i32
        %dma_wait3A_705 = tpu.memref_slice %arg18[%dma_wait3A_700, %dma_wait3A_704] : memref<4x128xi32, #tpu.memory_space<vmem>> -> memref<1x128xi32, #tpu.memory_space<vmem>>
        %dma_wait3A_706 = tpu.memref_squeeze %dma_wait3A_705 : memref<1x128xi32, #tpu.memory_space<vmem>> -> memref<128xi32, #tpu.memory_space<vmem>>
        %dma_wait3A_707 = arith.constant 0 : i32
        %dma_wait3A_708 = arith.constant 0 : i32
        %dma_wait3A_709 = tpu.memref_slice %arg8[%dma_wait3A_707, %dma_wait3A_708] : memref<100000x8xf32, #tpu.memory_space<vmem_shared>> -> memref<100000x8xf32, #tpu.memory_space<vmem_shared>>
        tpu.wait_indirect_dma semaphore(%arg25 : memref<!tpu.dma_semaphore, #tpu.memory_space<semaphore_mem>>) src(%dma_wait3A_703 : memref<128x8xf32, #tpu.memory_space<vmem>>) dst(%dma_wait3A_709 : memref<100000x8xf32, #tpu.memory_space<vmem_shared>>)
        %dma_wait3A_710 = arith.constant 1 : i32
        %dma_wait3A_711 = arith.constant 128 : i32
        %dma_wait3A_712 = arith.constant 0 : i32
        %dma_wait3A_713 = tpu.memref_slice %arg22[%dma_wait3A_711, %dma_wait3A_712] : memref<512x8xf32, #tpu.memory_space<vmem>> -> memref<128x8xf32, #tpu.memory_space<vmem>>
        %dma_wait3A_714 = arith.constant 0 : i32
        %dma_wait3A_715 = tpu.memref_slice %arg19[%dma_wait3A_710, %dma_wait3A_714] : memref<4x128xi32, #tpu.memory_space<vmem>> -> memref<1x128xi32, #tpu.memory_space<vmem>>
        %dma_wait3A_716 = tpu.memref_squeeze %dma_wait3A_715 : memref<1x128xi32, #tpu.memory_space<vmem>> -> memref<128xi32, #tpu.memory_space<vmem>>
        %dma_wait3A_717 = arith.constant 0 : i32
        %dma_wait3A_718 = arith.constant 0 : i32
        %dma_wait3A_719 = tpu.memref_slice %arg8[%dma_wait3A_717, %dma_wait3A_718] : memref<100000x8xf32, #tpu.memory_space<vmem_shared>> -> memref<100000x8xf32, #tpu.memory_space<vmem_shared>>
        tpu.wait_indirect_dma semaphore(%arg25 : memref<!tpu.dma_semaphore, #tpu.memory_space<semaphore_mem>>) src(%dma_wait3A_713 : memref<128x8xf32, #tpu.memory_space<vmem>>) dst(%dma_wait3A_719 : memref<100000x8xf32, #tpu.memory_space<vmem_shared>>)
        %dma_wait3A_720 = arith.constant 2 : i32
        %dma_wait3A_721 = arith.constant 256 : i32
        %dma_wait3A_722 = arith.constant 0 : i32
        %dma_wait3A_723 = tpu.memref_slice %arg21[%dma_wait3A_721, %dma_wait3A_722] : memref<512x8xf32, #tpu.memory_space<vmem>> -> memref<128x8xf32, #tpu.memory_space<vmem>>
        %dma_wait3A_724 = arith.constant 0 : i32
        %dma_wait3A_725 = tpu.memref_slice %arg18[%dma_wait3A_720, %dma_wait3A_724] : memref<4x128xi32, #tpu.memory_space<vmem>> -> memref<1x128xi32, #tpu.memory_space<vmem>>
        %dma_wait3A_726 = tpu.memref_squeeze %dma_wait3A_725 : memref<1x128xi32, #tpu.memory_space<vmem>> -> memref<128xi32, #tpu.memory_space<vmem>>
        %dma_wait3A_727 = arith.constant 0 : i32
        %dma_wait3A_728 = arith.constant 0 : i32
        %dma_wait3A_729 = tpu.memref_slice %arg8[%dma_wait3A_727, %dma_wait3A_728] : memref<100000x8xf32, #tpu.memory_space<vmem_shared>> -> memref<100000x8xf32, #tpu.memory_space<vmem_shared>>
        tpu.wait_indirect_dma semaphore(%arg25 : memref<!tpu.dma_semaphore, #tpu.memory_space<semaphore_mem>>) src(%dma_wait3A_723 : memref<128x8xf32, #tpu.memory_space<vmem>>) dst(%dma_wait3A_729 : memref<100000x8xf32, #tpu.memory_space<vmem_shared>>)
        %dma_wait3A_730 = arith.constant 2 : i32
        %dma_wait3A_731 = arith.constant 256 : i32
        %dma_wait3A_732 = arith.constant 0 : i32
        %dma_wait3A_733 = tpu.memref_slice %arg22[%dma_wait3A_731, %dma_wait3A_732] : memref<512x8xf32, #tpu.memory_space<vmem>> -> memref<128x8xf32, #tpu.memory_space<vmem>>
        %dma_wait3A_734 = arith.constant 0 : i32
        %dma_wait3A_735 = tpu.memref_slice %arg19[%dma_wait3A_730, %dma_wait3A_734] : memref<4x128xi32, #tpu.memory_space<vmem>> -> memref<1x128xi32, #tpu.memory_space<vmem>>
        %dma_wait3A_736 = tpu.memref_squeeze %dma_wait3A_735 : memref<1x128xi32, #tpu.memory_space<vmem>> -> memref<128xi32, #tpu.memory_space<vmem>>
        %dma_wait3A_737 = arith.constant 0 : i32
        %dma_wait3A_738 = arith.constant 0 : i32
        %dma_wait3A_739 = tpu.memref_slice %arg8[%dma_wait3A_737, %dma_wait3A_738] : memref<100000x8xf32, #tpu.memory_space<vmem_shared>> -> memref<100000x8xf32, #tpu.memory_space<vmem_shared>>
        tpu.wait_indirect_dma semaphore(%arg25 : memref<!tpu.dma_semaphore, #tpu.memory_space<semaphore_mem>>) src(%dma_wait3A_733 : memref<128x8xf32, #tpu.memory_space<vmem>>) dst(%dma_wait3A_739 : memref<100000x8xf32, #tpu.memory_space<vmem_shared>>)
        %dma_wait3A_740 = arith.constant 3 : i32
        %dma_wait3A_741 = arith.constant 384 : i32
        %dma_wait3A_742 = arith.constant 0 : i32
        %dma_wait3A_743 = tpu.memref_slice %arg21[%dma_wait3A_741, %dma_wait3A_742] : memref<512x8xf32, #tpu.memory_space<vmem>> -> memref<128x8xf32, #tpu.memory_space<vmem>>
        %dma_wait3A_744 = arith.constant 0 : i32
        %dma_wait3A_745 = tpu.memref_slice %arg18[%dma_wait3A_740, %dma_wait3A_744] : memref<4x128xi32, #tpu.memory_space<vmem>> -> memref<1x128xi32, #tpu.memory_space<vmem>>
        %dma_wait3A_746 = tpu.memref_squeeze %dma_wait3A_745 : memref<1x128xi32, #tpu.memory_space<vmem>> -> memref<128xi32, #tpu.memory_space<vmem>>
        %dma_wait3A_747 = arith.constant 0 : i32
        %dma_wait3A_748 = arith.constant 0 : i32
        %dma_wait3A_749 = tpu.memref_slice %arg8[%dma_wait3A_747, %dma_wait3A_748] : memref<100000x8xf32, #tpu.memory_space<vmem_shared>> -> memref<100000x8xf32, #tpu.memory_space<vmem_shared>>
        tpu.wait_indirect_dma semaphore(%arg25 : memref<!tpu.dma_semaphore, #tpu.memory_space<semaphore_mem>>) src(%dma_wait3A_743 : memref<128x8xf32, #tpu.memory_space<vmem>>) dst(%dma_wait3A_749 : memref<100000x8xf32, #tpu.memory_space<vmem_shared>>)
        %dma_wait3A_750 = arith.constant 3 : i32
        %dma_wait3A_751 = arith.constant 384 : i32
        %dma_wait3A_752 = arith.constant 0 : i32
        %dma_wait3A_753 = tpu.memref_slice %arg22[%dma_wait3A_751, %dma_wait3A_752] : memref<512x8xf32, #tpu.memory_space<vmem>> -> memref<128x8xf32, #tpu.memory_space<vmem>>
        %dma_wait3A_754 = arith.constant 0 : i32
        %dma_wait3A_755 = tpu.memref_slice %arg19[%dma_wait3A_750, %dma_wait3A_754] : memref<4x128xi32, #tpu.memory_space<vmem>> -> memref<1x128xi32, #tpu.memory_space<vmem>>
        %dma_wait3A_756 = tpu.memref_squeeze %dma_wait3A_755 : memref<1x128xi32, #tpu.memory_space<vmem>> -> memref<128xi32, #tpu.memory_space<vmem>>
        %dma_wait3A_757 = arith.constant 0 : i32
        %dma_wait3A_758 = arith.constant 0 : i32
        %dma_wait3A_759 = tpu.memref_slice %arg8[%dma_wait3A_757, %dma_wait3A_758] : memref<100000x8xf32, #tpu.memory_space<vmem_shared>> -> memref<100000x8xf32, #tpu.memory_space<vmem_shared>>
        tpu.wait_indirect_dma semaphore(%arg25 : memref<!tpu.dma_semaphore, #tpu.memory_space<semaphore_mem>>) src(%dma_wait3A_753 : memref<128x8xf32, #tpu.memory_space<vmem>>) dst(%dma_wait3A_759 : memref<100000x8xf32, #tpu.memory_space<vmem_shared>>)
      } else {
      }
    }
    %scan3A_26 = arith.constant 196 : i32
    %barrier3A_27 = arith.constant 0 : index
    tpu.barrier barrier_id(%barrier3A_27)
    %lt3A_28 = arith.constant 15 : i32
    %lt3A_29 = arith.cmpi slt, %arg1, %lt3A_28 : i32
    %convert_element_type3A_30 = arith.extui %lt3A_29 : i1 to i32
    %cond3A_31 = arith.constant 0 : i32
    %cond3A_32 = arith.cmpi ne, %convert_element_type3A_30, %cond3A_31 : i32
    scf.if %cond3A_32 {
      "tpu.region"() ({
        %run_scoped3A = tpu.sem_alloc : memref<!tpu.dma_semaphore, #tpu.memory_space<semaphore_mem>>
        %dma_start3A = arith.constant 0 : i32
        %dma_start3A_38 = arith.constant 0 : i32
        %dma_start3A_39 = tpu.memref_slice %arg6[%arg0, %dma_start3A, %dma_start3A_38] : memref<2x100000x8xf32, #tpu.memory_space<hbm>> -> memref<1x100000x8xf32, #tpu.memory_space<hbm>>
        %dma_start3A_40 = tpu.memref_squeeze %dma_start3A_39 : memref<1x100000x8xf32, #tpu.memory_space<hbm>> -> memref<100000x8xf32, #tpu.memory_space<hbm>>
        %dma_start3A_41 = arith.constant 0 : i32
        %dma_start3A_42 = tpu.memref_slice %dma_start3A_40[%multiple_of3A, %dma_start3A_41] : memref<100000x8xf32, #tpu.memory_space<hbm>> -> memref<6256x8xf32, #tpu.memory_space<hbm>>
        %dma_start3A_43 = arith.constant 0 : i32
        %dma_start3A_44 = tpu.memref_slice %arg8[%multiple_of3A, %dma_start3A_43] : memref<100000x8xf32, #tpu.memory_space<vmem_shared>> -> memref<6256x8xf32, #tpu.memory_space<vmem_shared>>
        tpu.enqueue_dma source(%dma_start3A_44 : memref<6256x8xf32, #tpu.memory_space<vmem_shared>>) target(%dma_start3A_42 : memref<6256x8xf32, #tpu.memory_space<hbm>>) target_semaphore(%run_scoped3A : memref<!tpu.dma_semaphore, #tpu.memory_space<semaphore_mem>>)
        %dma_wait3A = arith.constant 0 : i32
        %dma_wait3A_45 = arith.constant 0 : i32
        %dma_wait3A_46 = tpu.memref_slice %arg6[%arg0, %dma_wait3A, %dma_wait3A_45] : memref<2x100000x8xf32, #tpu.memory_space<hbm>> -> memref<1x100000x8xf32, #tpu.memory_space<hbm>>
        %dma_wait3A_47 = tpu.memref_squeeze %dma_wait3A_46 : memref<1x100000x8xf32, #tpu.memory_space<hbm>> -> memref<100000x8xf32, #tpu.memory_space<hbm>>
        %dma_wait3A_48 = arith.constant 0 : i32
        %dma_wait3A_49 = tpu.memref_slice %dma_wait3A_47[%multiple_of3A, %dma_wait3A_48] : memref<100000x8xf32, #tpu.memory_space<hbm>> -> memref<6256x8xf32, #tpu.memory_space<hbm>>
        %dma_wait3A_50 = arith.constant 0 : i32
        %dma_wait3A_51 = tpu.memref_slice %arg8[%multiple_of3A, %dma_wait3A_50] : memref<100000x8xf32, #tpu.memory_space<vmem_shared>> -> memref<6256x8xf32, #tpu.memory_space<vmem_shared>>
        tpu.wait_dma2 semaphore(%run_scoped3A : memref<!tpu.dma_semaphore, #tpu.memory_space<semaphore_mem>>) src(%dma_wait3A_51 : memref<6256x8xf32, #tpu.memory_space<vmem_shared>>) dst(%dma_wait3A_49 : memref<6256x8xf32, #tpu.memory_space<hbm>>)
        tpu.yield
      }) : () -> ()
    } else {
    }
    %eq3A_33 = arith.constant 15 : i32
    %eq3A_34 = arith.cmpi eq, %arg1, %eq3A_33 : i32
    %convert_element_type3A_35 = arith.extui %eq3A_34 : i1 to i32
    %cond3A_36 = arith.constant 0 : i32
    %cond3A_37 = arith.cmpi ne, %convert_element_type3A_35, %cond3A_36 : i32
    scf.if %cond3A_37 {
      "tpu.region"() ({
        %run_scoped3A = tpu.sem_alloc : memref<!tpu.dma_semaphore, #tpu.memory_space<semaphore_mem>>
        %dma_start3A = arith.constant 0 : i32
        %dma_start3A_38 = arith.constant 0 : i32
        %dma_start3A_39 = tpu.memref_slice %arg6[%arg0, %dma_start3A, %dma_start3A_38] : memref<2x100000x8xf32, #tpu.memory_space<hbm>> -> memref<1x100000x8xf32, #tpu.memory_space<hbm>>
        %dma_start3A_40 = tpu.memref_squeeze %dma_start3A_39 : memref<1x100000x8xf32, #tpu.memory_space<hbm>> -> memref<100000x8xf32, #tpu.memory_space<hbm>>
        %dma_start3A_41 = arith.constant 93840 : i32
        %dma_start3A_42 = arith.constant 0 : i32
        %dma_start3A_43 = tpu.memref_slice %dma_start3A_40[%dma_start3A_41, %dma_start3A_42] : memref<100000x8xf32, #tpu.memory_space<hbm>> -> memref<6160x8xf32, #tpu.memory_space<hbm>>
        %dma_start3A_44 = arith.constant 93840 : i32
        %dma_start3A_45 = arith.constant 0 : i32
        %dma_start3A_46 = tpu.memref_slice %arg8[%dma_start3A_44, %dma_start3A_45] : memref<100000x8xf32, #tpu.memory_space<vmem_shared>> -> memref<6160x8xf32, #tpu.memory_space<vmem_shared>>
        tpu.enqueue_dma source(%dma_start3A_46 : memref<6160x8xf32, #tpu.memory_space<vmem_shared>>) target(%dma_start3A_43 : memref<6160x8xf32, #tpu.memory_space<hbm>>) target_semaphore(%run_scoped3A : memref<!tpu.dma_semaphore, #tpu.memory_space<semaphore_mem>>)
        %dma_wait3A = arith.constant 0 : i32
        %dma_wait3A_47 = arith.constant 0 : i32
        %dma_wait3A_48 = tpu.memref_slice %arg6[%arg0, %dma_wait3A, %dma_wait3A_47] : memref<2x100000x8xf32, #tpu.memory_space<hbm>> -> memref<1x100000x8xf32, #tpu.memory_space<hbm>>
        %dma_wait3A_49 = tpu.memref_squeeze %dma_wait3A_48 : memref<1x100000x8xf32, #tpu.memory_space<hbm>> -> memref<100000x8xf32, #tpu.memory_space<hbm>>
        %dma_wait3A_50 = arith.constant 93840 : i32
        %dma_wait3A_51 = arith.constant 0 : i32
        %dma_wait3A_52 = tpu.memref_slice %dma_wait3A_49[%dma_wait3A_50, %dma_wait3A_51] : memref<100000x8xf32, #tpu.memory_space<hbm>> -> memref<6160x8xf32, #tpu.memory_space<hbm>>
        %dma_wait3A_53 = arith.constant 93840 : i32
        %dma_wait3A_54 = arith.constant 0 : i32
        %dma_wait3A_55 = tpu.memref_slice %arg8[%dma_wait3A_53, %dma_wait3A_54] : memref<100000x8xf32, #tpu.memory_space<vmem_shared>> -> memref<6160x8xf32, #tpu.memory_space<vmem_shared>>
        tpu.wait_dma2 semaphore(%run_scoped3A : memref<!tpu.dma_semaphore, #tpu.memory_space<semaphore_mem>>) src(%dma_wait3A_55 : memref<6160x8xf32, #tpu.memory_space<vmem_shared>>) dst(%dma_wait3A_52 : memref<6160x8xf32, #tpu.memory_space<hbm>>)
        tpu.yield
      }) : () -> ()
    } else {
    }
    return
  }
}

module attributes {stable_mosaic.version = 14 : i64} {
  func.func @body(%arg0: memref<2x6250x128xf32, #tpu.memory_space<vmem>>, %arg1: memref<6250x128xf32, #tpu.memory_space<vmem>>) attributes {dimension_semantics = [], scalar_prefetch = 0 : i64, scratch_operands = 0 : i64, tpu.core_type = #tpu.core_type<tc>} {
    %get3A = arith.constant 0 : index
    %get3A_0 = arith.constant 0 : index
    %get3A_1 = arith.constant 0 : index
    %get3A_2 = vector.load %arg0[%get3A, %get3A_0, %get3A_1] : memref<2x6250x128xf32, #tpu.memory_space<vmem>>, vector<1x6250x128xf32>
    %get3A_3 = vector.shape_cast %get3A_2 : vector<1x6250x128xf32> to vector<6250x128xf32>
    %get3A_4 = arith.constant 1 : index
    %get3A_5 = arith.constant 0 : index
    %get3A_6 = arith.constant 0 : index
    %get3A_7 = vector.load %arg0[%get3A_4, %get3A_5, %get3A_6] : memref<2x6250x128xf32, #tpu.memory_space<vmem>>, vector<1x6250x128xf32>
    %get3A_8 = vector.shape_cast %get3A_7 : vector<1x6250x128xf32> to vector<6250x128xf32>
    %add3A = arith.addf %get3A_3, %get3A_8 : vector<6250x128xf32>
    %swap3A = arith.constant 0 : index
    %swap3A_9 = arith.constant 0 : index
    %swap3A_10 = vector.load %arg1[%swap3A, %swap3A_9] : memref<6250x128xf32, #tpu.memory_space<vmem>>, vector<6250x128xf32>
    tpu.vector_store %arg1[%swap3A, %swap3A_9], %add3A {strides = array<i32>} : memref<6250x128xf32, #tpu.memory_space<vmem>>, vector<6250x128xf32>,
    return
  }
}

</mosaic_0001>

<sc_bundles>
// kernel: kernel.4.cloned.1.call-start
scs
__scs_entry_jumppad:
0x0: {  	(pc) =	sbr.rel $0x88, $3  }
0x1: {  	(tag) =	ssettag $0x0;
	lr =	simm.s32 $0x1  }
0x2: {  	[smem:$0x3F9E] =	sst lr;
	_ =	strace $0xD0000000  }
0x3: {  	_ = 	snop  }
0x4: {  	_ = 	snop  }
0x5: {  	_ = 	snop  }
0x6: {  	_ = 	snop  }
0x7: {  	_ = 	snop  }
__scs_overlays_trampoline_lowered:
0x8: {  	[smem:$0x3FAD] =	sst s0  }
0x9: {  	[smem:$0x3FAE] =	sst s1  }
0xa: {  	[smem:$0x3FAF] =	sst s2  }
0xb: {  	[smem:$0x3FB0] =	sst s3  }
0xc: {  	[smem:$0x3FB1] =	sst s4  }
0xd: {  	[smem:$0x3FB2] =	sst s5  }
0xe: {  	[smem:$0x3FB3] =	sst s6  }
0xf: {  	[smem:$0x3FB4] =	sst s7  }
0x10: {  	[smem:$0x3FB5] =	sst s8  }
0x11: {  	[smem:$0x3FB6] =	sst s9;
	s0 =	simm.s32 @!p0 $0x0  }
0x12: {  	s1 =	sld [smem:$0x3F9C];
	s0 =	simm.s32 @p0 $0x1  }
0x13: {  	[smem:$0x3FB7] =	sst s0;
	s0 =	simm.s32 @!p1 $0x0  }
0x14: {  	s2 =	sld [smem:$0x3F9B];
	s0 =	simm.s32 @p1 $0x1  }
0x15: {  	[smem:$0x3FB8] =	sst s0;
	s0 =	simm.s32 @!p2 $0x0  }
0x16: {  	s3 =	sld [smem:$0x3FDB];
	s0 =	simm.s32 @p2 $0x1  }
0x17: {  	s4 =	simm.s32 $0x1BF5;
	[smem:$0x3FBA] =	sst s0  }
0x18: {  	s0 =	sld [smem:$0x3F9D];
	_ =	swait.ge [sflag:s4], $0x0  }
0x19: {  	s7 =	sld [smem:$0x3F9E]  }
0x1a: {  	s8 =	sadd.s32 $0xFFFFE003, lr  }
0x1b: {  	s9 =	sadd.s32 $0xFFFFFEF7, lr;
	s5 =	simm.s32 $0xFFFFFFFF;
	p2 =	slt.u32 s8, $0xFFFFF086  }
0x1c: {  	p1 =	slt.u32 s9, $0xF7A;
	s5 =	simm.s32 @!p2 $0x0  }
0x1d: {  	s5 =	simm.s32 @p1 $0x1;
	p0 =	seq.s32 s7, s2  }
0x1e: {  	s7 =	smul.u32 @!p0 $0xF7A, s2;
	p2 =	seq.s32 @!p0 s5, $0x0  }
0x1f: {  	s9 =	smul.u32 $0xF7A, s1;
	s8 =	simm.s32 @!p0 $0x1BF5;
	p2 =	por !p2, p0  }
0x20: {  	[sflag:s8] =	ssyncset.s32 @!p0 $0xFFFFF086;
	s6 =	sadd.s32 @!p0 s3, s7;
	s7 =	simm.s32 @!p0 $0x108  }
0x21: {  	s3 =	sadd.s32 s3, s9;
	s6 =	sadd.s32 @!p0 $0x88, s6;
	s7 =	simm.s32 @p2 $0x1082  }
0x22: {  	[simem:s7], [sflag:s8] =	dma.local @!p0 [hbm:s6], $0xF7A  }
0x23: {  	s9 =	sor.u32 $0xD0000000, s2;
	s6 =	simm.s32 $0x108;
	_ =	swait.ge @!p0 [sflag:s8], $0x0  }
0x24: {  	s3 =	sadd.s32 $0x88, s3;
	s6 =	simm.s32 @!p1 $0x1082;
	[sflag:s4] =	ssyncset.s32 $0xFFFFF086  }
0x25: {  	[simem:s6], [sflag:s4] =	dma.local [hbm:s3], $0xF7A  }
0x26: {  	[smem:$0x3F9E] =	sst s1;
	(tag) =	ssettag s2;
	_ =	strace s9  }
0x27: {  	s1 =	sld [smem:$0x3FAE]  }
0x28: {  	s2 =	sld [smem:$0x3FAF]  }
0x29: {  	s4 =	sld [smem:$0x3FB1]  }
0x2a: {  	p0 =	seq.s32 s5, $0x0;
	s5 =	sld [smem:$0x3FB2]  }
0x2b: {  	s6 =	sld [smem:$0x3FB3]  }
0x2c: {  	s7 =	sld [smem:$0x3FB4]  }
0x2d: {  	s3 =	simm.s32 $0x108;
	s8 =	sld [smem:$0x3FB5]  }
0x2e: {  	s3 =	simm.s32 @!p0 $0x1082;
	s9 =	sld [smem:$0x3FB6]  }
0x2f: {  	lr =	sadd.s32 s0, s3;
	s0 =	sld [smem:$0x3FAD]  }
0x30: {  	s3 =	sld [smem:$0x3FB0]  }
0x31: {  	[smem:$0x3FB9] =	sst s10  }
0x32: {  	s10 =	sld [smem:$0x3FB7];
	_ =	sdelay $0x3  }
0x33: {  	p0 =	seq.s32 s10, $0x1;
	s10 =	sld [smem:$0x3FB9];
	_ =	sdelay $0x3  }
0x34: {  	[smem:$0x3FB9] =	sst s10  }
0x35: {  	s10 =	sld [smem:$0x3FB8];
	_ =	sdelay $0x3  }
0x36: {  	p1 =	seq.s32 s10, $0x1;
	s10 =	sld [smem:$0x3FB9];
	_ =	sdelay $0x3  }
0x37: {  	[smem:$0x3FB9] =	sst s10  }
0x38: {  	s10 =	sld [smem:$0x3FBA]  }
0x39: {  	_ = 	snop;
	(pc) =	sbr.ind lr, $3  }
0x3a: {  	_ = 	snop  }
0x3b: {  	_ = 	snop  }
0x3c: {  	p2 =	seq.s32 s10, $0x1;
	s10 =	sld [smem:$0x3FB9]  }
0x3d: {  	_ =	shalt  }
0x3e: {  	_ =	shalt  }
0x3f: {  	_ =	shalt  }
0x40: {  	_ =	shalt  }
0x41: {  	_ =	shalt  }
0x42: {  	_ =	shalt  }
0x43: {  	_ =	shalt  }
0x44: {  	_ =	shalt  }
0x45: {  	_ =	shalt  }
0x46: {  	_ =	shalt  }
0x47: {  	_ =	shalt  }
0x48: {  	_ =	shalt  }
0x49: {  	_ =	shalt  }
0x4a: {  	_ =	shalt  }
0x4b: {  	_ =	shalt  }
0x4c: {  	_ =	shalt  }
0x4d: {  	_ =	shalt  }
0x4e: {  	_ =	shalt  }
0x4f: {  	_ =	shalt  }
0x50: {  	_ =	shalt  }
0x51: {  	_ =	shalt  }
0x52: {  	_ =	shalt  }
0x53: {  	_ =	shalt  }
0x54: {  	_ =	shalt  }
0x55: {  	_ =	shalt  }
0x56: {  	_ =	shalt  }
0x57: {  	_ =	shalt  }
0x58: {  	_ =	shalt  }
0x59: {  	_ =	shalt  }
0x5a: {  	_ =	shalt  }
0x5b: {  	_ =	shalt  }
0x5c: {  	_ =	shalt  }
0x5d: {  	_ =	shalt  }
0x5e: {  	_ =	shalt  }
0x5f: {  	_ =	shalt  }
0x60: {  	_ =	shalt  }
0x61: {  	_ =	shalt  }
0x62: {  	_ =	shalt  }
0x63: {  	_ =	shalt  }
0x64: {  	_ =	shalt  }
0x65: {  	_ =	shalt  }
0x66: {  	_ =	shalt  }
0x67: {  	_ =	shalt  }
0x68: {  	_ =	shalt  }
0x69: {  	_ =	shalt  }
0x6a: {  	_ =	shalt  }
0x6b: {  	_ =	shalt  }
0x6c: {  	_ =	shalt  }
0x6d: {  	_ =	shalt  }
0x6e: {  	_ =	shalt  }
0x6f: {  	_ =	shalt  }
0x70: {  	_ =	shalt  }
0x71: {  	_ =	shalt  }
0x72: {  	_ =	shalt  }
0x73: {  	_ =	shalt  }
0x74: {  	_ =	shalt  }
0x75: {  	_ =	shalt  }
0x76: {  	_ =	shalt  }
0x77: {  	_ =	shalt  }
0x78: {  	_ =	shalt  }
0x79: {  	_ =	shalt  }
0x7a: {  	_ =	shalt  }
0x7b: {  	_ =	shalt  }
0x7c: {  	_ =	shalt  }
0x7d: {  	_ =	shalt  }
0x7e: {  	_ =	shalt  }
0x7f: {  	_ =	shalt  }
0x80: {  	_ =	shalt  }
0x81: {  	_ =	shalt  }
0x82: {  	_ =	shalt  }
0x83: {  	_ =	shalt  }
0x84: {  	_ =	shalt  }
0x85: {  	_ =	shalt  }
0x86: {  	_ =	shalt  }
0x87: {  	_ =	shalt  }
.Lfunc_end0:
.L_simem_size_0:
called_computation_lowered:
.L_overlay_start_0:
0x88: {  	s2 =	sld [smem:$0x3FD9]  }
0x89: {  	s3 =	sld [smem:$0x3FFE];
	_ =	sdelay $0x1  }
0x8a: {  	s1 =	srdreg.scid  }
0x8b: {  	s0 =	sand.u32 $0x1, s1  }
0x8c: {  	s17 =	sshll.u32 s0, $0xA;
	s2 =	sadd.s32 s3, s2  }
0x8d: {  	s2 =	sadd.s32 s2, s17  }
0x8e: {  	[smem:$0x3FC5] =	sst s2  }
0x8f: {  	_ = 	snop  }
0x90: {  	s2 =	sld [smem:$0x3FC7];
	(tm) =	ssettm $0x1  }
0x91: {  	s18 =	sld [smem:$0x3FFB];
	_ =	sdelay $0x3  }
0x92: {  	_ =	strace s18  }
0x93: {  	s3 =	sld [smem:$0x3FFC];
	_ =	sdelay $0x3  }
0x94: {  	_ =	strace s3  }
0x95: {  	s3 =	sld [smem:$0x3FFD];
	_ =	sdelay $0x3  }
0x96: {  	_ =	strace s3  }
0x97: {  	_ =	strace $0x8FFFFFFF  }
0x98: {  	s19 =	sld [smem:$0x3FDB];
	_ =	sdelay $0x1  }
0x99: {  	s4 =	simm.s32 $_scs_section_size  }
0x9a: {  	s5 =	simm.s32 $_size__tile_overlayer_lowered;
	s6 =	simm.s32 $_tile_overlayer_lowered  }
0x9b: {  	s22 =	simm.s32 $0x1BFF;
	s21 =	sshll.u32 s6, $0x1;
	s3 =	sadd.s32 s4, s19  }
0x9c: {  	s7 =	simm.s32 $0x0;
	s20 =	sshll.u32 s5, $0x1;
	s5 =	sadd.s32 s21, s3  }
0x9d: {  	[timem:s7], [sflag:s22] =	dma.local [hbm:s5], s20  }
0x9e: {  	_ =	swait.ge [sflag:s22], s20  }
0x9f: {  	s4 =	ssub.s32 $0x0, s20;
	[sflag:s22] =	ssyncset.done $0x0  }
0xa0: {  	[sflag:s22] =	ssyncadd.s32 s4;
	_ =	sdelay $0x1  }
0xa1: {  	s23 =	simm.s32 $0x1B8B  }
0xa2: {  	_ =	swait.ge [sflag:s23], $0x1  }
0xa3: {  	[sflag:s23] =	ssyncset.done $0x0  }
0xa4: {  	s25 =	simm.s32 $0x1B8E;
	s24 =	sld [smem:$0x3FFE];
	[sflag:s23] =	ssyncadd.s32 $0xFFFFFFFF  }
0xa5: {  	s26 =	simm.s32 $execute0_lowered;
	[smem:$0x3FD2] =	sst s25  }
0xa6: {  	s5 =	sshll.u32 s26, $0x1;
	_ =	strace $0x80000046;
	[dreg:$0x1] =	wrdreg $0xFFFFFFFF  }
0xa7: {  	s28 =	simm.s32 $_size_execute0_lowered;
	s3 =	sadd.s32 s3, s5;
	[dreg:$0x0] =	wrdreg $0x0  }
0xa8: {  	s5 =	sshll.u32 s28, $0x1;
	[dreg:$0x2] =	wrdreg s3  }
0xa9: {  	[dreg:$0x3] =	wrdreg s5  }
0xaa: {  	[dreg:$0x4] =	wrdreg $0xC0  }
0xab: {  	_ =	task [dreg:s7], $0x5FFFF  }
0xac: {  	[dreg:$0x1] =	wrdreg $0xFFFFFFFF  }
0xad: {  	[dreg:$0x0] =	wrdreg $0x60  }
0xae: {  	[dreg:$0x2] =	wrdreg s24  }
0xaf: {  	[dreg:$0x3] =	wrdreg s2  }
0xb0: {  	[dreg:$0x4] =	wrdreg $0x0  }
0xb1: {  	[dreg:$0x5] =	wrdreg $0xC3500  }
0xb2: {  	[dreg:$0x6] =	wrdreg $0x9  }
0xb3: {  	_ =	task.clear_ibuf [dreg:s7], $0x7FFFF;
	_ =	strace $0x90000046  }
0xb4: {  	s29 =	simm.s32 $0x9;
	_ =	strace $0x80000048  }
0xb5: {  	_ =	swait.ge [sflag:s29], $0x1  }
0xb6: {  	[sflag:s29] =	ssyncadd.s32 $0xFFFFFFFF  }
0xb7: {  	_ =	strace $0x90000048  }
0xb8: {  	_ =	sfence  }
0xb9: {  	s30 =	sld [smem:$0x0];
	_ =	sdelay $0x2  }
0xba: {  	s31 =	sshll.u32 s1, $0xD;
	s1 =	sshrl.u32 s1, $0x2  }
0xbb: {  	s3 =	sand.u32 $0x4000, s31;
	s1 =	sadd.s32 s1, s30  }
0xbc: {  	s0 =	sor.u32 s3, s0;
	s1 =	sshll.u32 s1, $0x11  }
0xbd: {  	s0 =	sor.u32 s1, s0  }
0xbe: {  	s0 =	sadd.s32 $0x8F2B, s0  }
0xbf: {  	[sflag:s0] =	ssyncadd.remote.s32 $0x1  }
0xc0: {  	_ =	sfence.sel $0xFFFF  }
0xc1: {  	[dreg:$0x0] =	wrdreg $0xFFFFFFFF;
	(pc) =	sbr.abs _section_cstart, $3  }
0xc2: {  	[dreg:$0x1] =	wrdreg $0xFFFFFFFF  }
0xc3: {  	_ =	task.clear_ibuf [dreg:s7], $0x2FFFF;
	_ =	strace $0x9FFFFFFF  }
0xc4: {  	(tm) =	ssettm $0x7FFFFFFF  }
0xc5: {  	_ =	shalt  }
tec
execute0_lowered:
.L_overlay_start_1:
0x0: {  	(tag) =	ssettag $0x1  }
0x1: {  	s0 =	rddreg [dreg:$0x0]  }
0x2: {  	s2 =	rddreg [dreg:$0x2]  }
0x3: {  	s3 =	rddreg [dreg:$0x3]  }
0x4: {  	s1 =	simm.s32 $0x0;
	s20 =	srdreg.scid;
	s15 =	stileid.u32  }
0x5: {  	s18 =	simm.s32 $0x1ACA0;
	s28 =	simm.s32 $0x198A0;
	s29 =	simm.s32 $0x19AA0  }
0x6: {  	s30 =	simm.s32 $0x1BCA0;
	s31 =	simm.s32 $0x1BEA0;
	s13 =	simm.s32 $0x1C2A0  }
0x7: {  	v1 =	vimm.s32 $0x13121110;
	v2 =	vimm.s32 $0x1B1A1918;
	s14 =	simm.s32 $0x1D2A0;
	s19 =	simm.s32 $0x5;
	s16 =	simm.s32 $0x0  }
0x8: {  	v3 =	vimm.s32 $0xBA983210;
	v4 =	vimm.s32 $0x33323130;
	[smem:$0x7FF] =	sst s1;
	s6 =	sadd.s32 $0x600, s0;
	s1 =	sand.u32 $0x1, s20  }
0x9: {  	v5 =	vimm.s32 $0x3B3A3938;
	s12 =	smul.u32 $0xC380, s15;
	s8 =	sadd.s32 $0xDC400, s0;
	s9 =	sadd.s32 $0x18E00, s0  }
0xa: {  	v6 =	vimm.s32 $0x23222120;
	v8 =	vimm.s32 $0x2B2A2928;
	s25 =	sadd.s32 $0xC3480, s2;
	s26 =	sadd.s32 $0xC3480, s3;
	p0 =	seq.s32 s15, $0xF  }
0xb: {  	v7 =	vlaneseq.u32;
	vm0 =	vcmask $0x1F10;
	v11 =	vimm.s32 $0x6B6A6968;
	s20 =	simm.s32 $0x186A0;
	_ =	strace $0x80000047;
	s4 =	smul.u32 $0x186A0, s1  }
0xc: {  	v0 =	vshrl.u32 v7, $0x3;
	v1 =	vunpack.c.0.s8.s32 v1;
	v2 =	vunpack.c.0.s8.s32 v2;
	s5 =	ssub.s32 $0x2, s1;
	s10 =	sshll.u32 s1, $0x4;
	[dreg:$0xa] =	wrdreg s25  }
0xd: {  	v3 =	vunpack.c.l.s4.s8 v3;
	v4 =	vunpack.c.0.s8.s32 v4;
	v5 =	vunpack.c.0.s8.s32 v5;
	[dreg:$0xb] =	wrdreg s26;
	s26 =	simm.s32 $0x196A0;
	s7 =	sshrl.u32 s5, $0x1  }
0xe: {  	v6 =	vunpack.c.0.s8.s32 v6;
	v8 =	vunpack.c.0.s8.s32 v8;
	v11 =	vunpack.c.0.s8.s32 v11;
	s11 =	sadd.s32 $0xC000, s12;
	[dreg:$0x5] =	wrdreg s12;
	s1 =	sadd.s32 s12, s3  }
0xf: {  	v0 =	vmul.u32 $0x8, v0;
	v3 =	vunpack.c.0.s8.s32 v3;
	v1 =	vsel vm0, v2, v1;
	s4 =	sadd.s32 s4, s0;
	s5 =	ssub.s32 s5, s7;
	s23 =	sadd.s32 s11, s2  }
0x10: {  	v4 =	vsel vm0, v5, v4;
	v5 =	vsel vm0, v8, v6;
	v6 =	vimm.s32 $0x5B5A5958;
	s21 =	sshrl.u32 s11, $0x3;
	s24 =	sadd.s32 s11, s3;
	[dreg:$0x7] =	wrdreg s23  }
0x11: {  	v8 =	vimm.s32 $0x43424140;
	s0 =	sadd.s32 $0x18C90, s0;
	s11 =	simm.s32 $0x1;
	[dreg:$0x8] =	wrdreg s24;
	v2 =	vand.u32 $0xF, v3;
	v3 =	vimm.s32 $0x53525150  }
0x12: {  	v6 =	vunpack.c.0.s8.s32 v6;
	s22 =	sadd.s32 s6, s21;
	[dreg:$0x9] =	wrdreg s0;
	s7 =	sadd.s32 $0x19FA00, s4;
	v3 =	vunpack.c.0.s8.s32 v3;
	v1 =	vcombine.low v2, v1  }
0x13: {  	s0 =	sshrl.u32 s12, $0x3;
	s4 =	sadd.s32 $0xB7480, s3;
	s5 =	smax.u32 s5, $0x1;
	v2 =	vcombine.low v5, v4;
	v4 =	vimm.s32 $0x4B4A4948;
	v5 =	vimm.s32 $0x7B7A7978  }
0x14: {  	s21 =	simm.s32 $0x7;
	s12 =	simm.s32 $0x80;
	[dreg:$0x6] =	wrdreg s22;
	v4 =	vunpack.c.0.s8.s32 v4;
	v5 =	vunpack.c.0.s8.s32 v5;
	v9 =	vsel vm0, v6, v3  }
.Ltmp0:
0x15: {  	s23 =	simm.s32 $0x3;
	[dreg:$0xd] =	wrdreg s5;
	v3 =	vimm.s32 $0x73727170;
	v6 =	vunpack.c.0.s8.s32 v8;
	v8 =	vimm.s32 $0x63626160;
	(pc) =	sbr.rel .LBB2_1-.Ltmp0, $4  }
0x16: {  	s24 =	simm.s32 $0x6;
	s4 =	sshrl.u32 @p0 s4, $0x3;
	[dreg:$0xc] =	wrdreg s7;
	v10 =	vunpack.c.0.s8.s32 v3;
	v3 =	vand.u32 $0x7, v7;
	v8 =	vunpack.c.0.s8.s32 v8  }
0x17: {  	s22 =	simm.s32 $0x19CA0;
	s0 =	sadd.s32 @!p0 s0, s7;
	[dreg:$0xe] =	wrdreg s4;
	v12 =	vsel vm0, v4, v6;
	v4 =	vshrl.u32 v7, $0x2;
	v7 =	vand.u32 $0x3, v7  }
0x18: {  	s5 =	simm.s32 $0x2;
	[dreg:$0xf] =	wrdreg s0;
	s0 =	sshrl.u32 @!p0 s1, $0x3;
	v10 =	vsel vm0, v5, v10;
	v5 =	vimm.f32 $0.0e+00;
	v11 =	vsel vm0, v11, v8  }
0x19: {  	s4 =	simm.s32 $0x4;
	[dreg:$0x10] =	wrdreg s0;
	s0 =	simm.s32 $0x1C0A0;
	v6 =	vmul.u32 $0x8, v4;
	v8 =	vcombine.low v12, v9;
	v9 =	vcombine.low v11, v10  }
.LBB2_26:
0x1a: {  	[bflag:$0x0] =	sbarrier.arrive $0xFFFF  }
0x1b: {  	s1 =	rddreg [dreg:$0xc]  }
0x1c: {  	s7 =	simm.s32 @p0 $0x1FC7;
	s16 =	rddreg [dreg:$0xe];
	s1 =	sadd.s32 @p0 $0x16E90, s1  }
0x1d: {  	[hbm:s1], [sflag:s7] =	dma.local @p0 [spmem:s16], $0x1810  }
0x1e: {  	s1 =	simm.s32 @p0 $0x7  }
0x1f: {  	_ =	swait.ge @p0 [sflag:s1], $0x1810  }
0x20: {  	s7 =	sshll.u32 @!p0 s15, $0x6;
	[sflag:s1] =	ssyncset.done @p0 $0x0;
	s16 =	rddreg [dreg:$0x10]  }
0x21: {  	[sflag:s1] =	ssyncadd.s32 @p0 $0xFFFFE7F0;
	s1 =	sor.u32 @!p0 $0x1C07, s7;
	s7 =	rddreg [dreg:$0xf]  }
0x22: {  	[hbm:s7], [sflag:s1] =	dma.local @!p0 [spmem:s16], $0x1870  }
0x23: {  	s1 =	simm.s32 @!p0 $0x7  }
0x24: {  	_ =	swait.ge @!p0 [sflag:s1], $0x1870  }
0x25: {  	s17 =	rddreg [dreg:$0x11]  }
0x26: {  	s25 =	rddreg [dreg:$0xd];
	s16 =	sadd.s32 $0x1, s17  }
0x27: {  	p1 =	sne.s32 s16, s25  }
.Ltmp1:
0x28: {  	_ = 	snop;
	(pc) =	sbr.rel @!p1 .LBB2_27-.Ltmp1, $3  }
0x29: {  	_ =	sdelay $0x1  }
0x2a: {  	[sflag:s1] =	ssyncset.done @!p0 $0x0  }
0x2b: {  	[sflag:s1] =	ssyncadd.s32 @!p0 $0xFFFFE790  }
.LBB2_1:
0x2c: {  	s1 =	simm.s32 $0x0  }
0x2d: {  	v10 =	vmov s1  }
0x2e: {  	v10 =	vshll.u32 v10, $0x3  }
0x2f: {  	v10 =	vor.u32 v0, v10  }
0x30: {  	[dreg:$0x11] =	wrdreg s16;
	s1 =	simm.s32 $0x2;
	v10 =	vor.u32 v3, v10  }
.LBB2_2:
0x31: {  	p1 =	sne.s32 s1, $0x1FE  }
.Ltmp2:
0x32: {  	_ = 	snop;
	(pc) =	sbr.rel @p1 .LBB2_2-.Ltmp2, $4  }
0x33: {  	v11 =	vmov s1  }
0x34: {  	v11 =	vshll.u32 v11, $0x3  }
0x35: {  	v11 =	vor.u32 v0, v11  }
0x36: {  	s1 =	sadd.s32 $0x2, s1;
	[tilespmem:v10+s18+$0x0] =	vst.idx.msk $0xffff, v5;
	v10 =	vor.u32 v3, v11  }
.Ltmp3:
0x37: {  	_ = 	snop;
	(pc) =	sbr.rel @!p0 .LBB2_4-.Ltmp3, $2  }
0x38: {  	_ =	sdelay $0x2  }
0x39: {  	[tilespmem:v10+s18+$0x0] =	vst.idx.msk $0xffff, v5;
	s25 =	simm.s32 $0x0;
	s1 =	simm.s32 $0x0;
	s17 =	simm.s32 $0x0  }
.LBB2_10:
0x3a: {  	s1 =	sshll.u32 s17, $0xC;
	v10 =	vmov s25  }
0x3b: {  	s1 =	sadd.s32 $0xB7480, s1;
	v10 =	vshll.u32 v10, $0x3  }
0x3c: {  	s7 =	sshrl.u32 s1, $0x3;
	v10 =	vor.u32 v6, v10  }
0x3d: {  	s7 =	sadd.s32 s6, s7;
	v11 =	vor.u32 v7, v10  }
0x3e: {  	[tilespmem:s20], [sflag:$0x7] =	stream.linear.gather [hbm4b:s7+s25], $0x1000, $0x38;
	[tilespmem:$0x1E2A0] =	vst v63  }
0x3f: {  	_ =	swait.ge [sflag:s21], $0x1000  }
0x40: {  	s16 =	simm.s32 $0x4;
	[sflag:s21] =	ssyncset.done $0x0  }
0x41: {  	v12 =	vmov s16;
	s7 =	simm.s32 $0x8;
	v10 =	vmov v11;
	[sflag:s21] =	ssyncadd.s32 $0xFFFFF000  }
.LBB2_11:
0x42: {  	p1 =	sne.s32 s7, $0x1FC;
	v12 =	vshll.u32 v12, $0x3;
	v13 =	vld.idx.msk [tilespmem:v11+s20+$0x0], $0xffff  }
0x43: {  	v11 =	vor.u32 v6, v12  }
.Ltmp4:
0x44: {  	v11 =	vor.u32 v7, v11;
	(pc) =	sbr.rel @p1 .LBB2_11-.Ltmp4, $2  }
0x45: {  	_ =	sdelay $0x2  }
0x46: {  	v12 =	vmov s7;
	s7 =	sadd.s32 $0x4, s7;
	[tilespmem:v10+s22+$0x0] =	vst.idx.msk $0xffff, v13;
	v10 =	vmov v11  }
0x47: {  	_ =	sdelay $0x2  }
0x48: {  	v12 =	vshll.u32 v12, $0x3  }
0x49: {  	v11 =	vld.idx.msk [tilespmem:v11+s20+$0x0], $0xffff;
	v12 =	vor.u32 v6, v12  }
0x4a: {  	v12 =	vor.u32 v7, v12;
	_ =	sdelay $0x3  }
0x4b: {  	[tilespmem:v10+s22+$0x0] =	vst.idx.msk $0xffff, v11  }
0x4c: {  	v10 =	vld.idx.msk [tilespmem:v12+s20+$0x0], $0xffff;
	_ =	sdelay $0x4  }
0x4d: {  	s7 =	sadd.s32 s1, s2;
	[tilespmem:v12+s22+$0x0] =	vst.idx.msk $0xffff, v10  }
0x4e: {  	[spmem:s7] =	stream.linear.scatter [tilespmem:s22], [sflag:$0x7], $0x1000, $0x38;
	[tilespmem:$0x1E2A0] =	vst v63  }
0x4f: {  	s17 =	sadd.s32 $0x1, s17;
	_ =	swait.ge [sflag:s21], $0x1000  }
0x50: {  	p1 =	sne.s32 s17, $0xC;
	[sflag:s21] =	ssyncset.done $0x0  }
.Ltmp5:
0x51: {  	s16 =	sadd.s32 s1, s3;
	[sflag:s21] =	ssyncadd.s32 $0xFFFFF000;
	(pc) =	sbr.rel @p1 .LBB2_10-.Ltmp5, $4  }
0x52: {  	[spmem:s16] =	stream.linear.scatter [tilespmem:s18], [sflag:$0x7], $0x1000, $0x38;
	[tilespmem:$0x1E2A0] =	vst v63  }
0x53: {  	_ =	swait.ge [sflag:s21], $0x1000  }
0x54: {  	[sflag:s21] =	ssyncset.done $0x0  }
0x55: {  	[sflag:s21] =	ssyncadd.s32 $0xFFFFF000  }
0x56: {  	s1 =	simm.s32 $0x0;
	s7 =	rddreg [dreg:$0x9]  }
0x57: {  	[tilespmem:s20], [sflag:$0x7] =	stream.linear.gather [hbm4b:s7+s1], $0x80, $0x38;
	[tilespmem:$0x1E2A0] =	vst v63  }
0x58: {  	_ =	swait.ge [sflag:s21], $0x80  }
0x59: {  	[sflag:s21] =	ssyncset.done $0x0  }
0x5a: {  	[sflag:s21] =	ssyncadd.s32 $0xFFFFFF80  }
0x5b: {  	v10 =	vld.idx.msk [tilespmem:v1+s20+$0x0], $0xffff;
	_ =	sdelay $0x4  }
0x5c: {  	[tilespmem:v1+s22+$0x0] =	vst.idx.msk $0xffff, v10  }
0x5d: {  	v10 =	vld.idx.msk [tilespmem:v2+s20+$0x0], $0xffff;
	_ =	sdelay $0x4  }
0x5e: {  	[tilespmem:v2+s22+$0x0] =	vst.idx.msk $0xffff, v10  }
0x5f: {  	v10 =	vld.idx.msk [tilespmem:v8+s20+$0x0], $0xffff;
	_ =	sdelay $0x4  }
0x60: {  	[tilespmem:v8+s22+$0x0] =	vst.idx.msk $0xffff, v10  }
0x61: {  	v10 =	vld.idx.msk [tilespmem:v9+s20+$0x0], $0xffff;
	_ =	sdelay $0x4  }
0x62: {  	s17 =	rddreg [dreg:$0xa];
	[tilespmem:v9+s22+$0x0] =	vst.idx.msk $0xffff, v10  }
0x63: {  	[spmem:s17] =	stream.linear.scatter [tilespmem:s22], [sflag:$0x7], $0x80, $0x38;
	[tilespmem:$0x1E2A0] =	vst v63  }
0x64: {  	_ =	swait.ge [sflag:s21], $0x80  }
0x65: {  	[sflag:s21] =	ssyncset.done $0x0  }
.Ltmp6:
0x66: {  	s25 =	rddreg [dreg:$0xb];
	[sflag:s21] =	ssyncadd.s32 $0xFFFFFF80;
	(pc) =	sbr.rel .LBB2_14-.Ltmp6, $4  }
0x67: {  	[spmem:s25] =	stream.linear.scatter [tilespmem:s18], [sflag:$0x7], $0x80, $0x38;
	[tilespmem:$0x1E2A0] =	vst v63  }
0x68: {  	_ =	swait.ge [sflag:s21], $0x80  }
0x69: {  	[sflag:s21] =	ssyncset.done $0x0  }
0x6a: {  	[sflag:s21] =	ssyncadd.s32 $0xFFFFFF80  }
.LBB2_4:
0x6b: {  	s7 =	sshll.u32 s1, $0xC;
	s16 =	rddreg [dreg:$0x5];
	v10 =	vmov s25  }
0x6c: {  	s17 =	sadd.s32 s16, s7;
	v10 =	vshll.u32 v10, $0x3  }
0x6d: {  	s7 =	sshrl.u32 s17, $0x3;
	v10 =	vor.u32 v6, v10  }
0x6e: {  	s7 =	sadd.s32 s6, s7;
	v11 =	vor.u32 v7, v10  }
0x6f: {  	[tilespmem:s20], [sflag:$0x7] =	stream.linear.gather [hbm4b:s7+s25], $0x1000, $0x38;
	[tilespmem:$0x1E2A0] =	vst v63  }
0x70: {  	_ =	swait.ge [sflag:s21], $0x1000  }
0x71: {  	s16 =	simm.s32 $0x4;
	[sflag:s21] =	ssyncset.done $0x0  }
0x72: {  	v12 =	vmov s16;
	s7 =	simm.s32 $0x8;
	v10 =	vmov v11;
	[sflag:s21] =	ssyncadd.s32 $0xFFFFF000  }
.LBB2_5:
0x73: {  	p1 =	sne.s32 s7, $0x1FC;
	v12 =	vshll.u32 v12, $0x3;
	v13 =	vld.idx.msk [tilespmem:v11+s20+$0x0], $0xffff  }
0x74: {  	v11 =	vor.u32 v6, v12  }
.Ltmp7:
0x75: {  	v11 =	vor.u32 v7, v11;
	(pc) =	sbr.rel @p1 .LBB2_5-.Ltmp7, $2  }
0x76: {  	_ =	sdelay $0x2  }
0x77: {  	v12 =	vmov s7;
	s7 =	sadd.s32 $0x4, s7;
	[tilespmem:v10+s22+$0x0] =	vst.idx.msk $0xffff, v13;
	v10 =	vmov v11  }
0x78: {  	_ =	sdelay $0x2  }
0x79: {  	v12 =	vshll.u32 v12, $0x3  }
0x7a: {  	v11 =	vld.idx.msk [tilespmem:v11+s20+$0x0], $0xffff;
	v12 =	vor.u32 v6, v12  }
0x7b: {  	v12 =	vor.u32 v7, v12;
	_ =	sdelay $0x3  }
0x7c: {  	[tilespmem:v10+s22+$0x0] =	vst.idx.msk $0xffff, v11  }
0x7d: {  	v10 =	vld.idx.msk [tilespmem:v12+s20+$0x0], $0xffff;
	_ =	sdelay $0x4  }
0x7e: {  	s7 =	sadd.s32 s17, s2;
	[tilespmem:v12+s22+$0x0] =	vst.idx.msk $0xffff, v10  }
0x7f: {  	[spmem:s7] =	stream.linear.scatter [tilespmem:s22], [sflag:$0x7], $0x1000, $0x38;
	[tilespmem:$0x1E2A0] =	vst v63  }
0x80: {  	s1 =	sadd.s32 $0x1, s1;
	_ =	swait.ge [sflag:s21], $0x1000  }
0x81: {  	p1 =	sne.s32 s1, $0xC;
	[sflag:s21] =	ssyncset.done $0x0  }
.Ltmp8:
0x82: {  	s17 =	sadd.s32 s17, s3;
	[sflag:s21] =	ssyncadd.s32 $0xFFFFF000;
	(pc) =	sbr.rel @p1 .LBB2_4-.Ltmp8, $4  }
0x83: {  	[spmem:s17] =	stream.linear.scatter [tilespmem:s18], [sflag:$0x7], $0x1000, $0x38;
	[tilespmem:$0x1E2A0] =	vst v63  }
0x84: {  	_ =	swait.ge [sflag:s21], $0x1000  }
0x85: {  	[sflag:s21] =	ssyncset.done $0x0  }
0x86: {  	[sflag:s21] =	ssyncadd.s32 $0xFFFFF000  }
0x87: {  	s1 =	simm.s32 $0x0  }
0x88: {  	v10 =	vmov s1  }
0x89: {  	v10 =	vshll.u32 v10, $0x3  }
0x8a: {  	v10 =	vor.u32 v6, v10  }
0x8b: {  	s7 =	rddreg [dreg:$0x6];
	v11 =	vor.u32 v7, v10  }
0x8c: {  	[tilespmem:s20], [sflag:$0x7] =	stream.linear.gather [hbm4b:s7+s1], $0x380, $0x38;
	[tilespmem:$0x1E2A0] =	vst v63  }
0x8d: {  	_ =	swait.ge [sflag:s21], $0x380  }
0x8e: {  	s25 =	simm.s32 $0x4;
	[sflag:s21] =	ssyncset.done $0x0  }
0x8f: {  	v12 =	vmov s25;
	s1 =	simm.s32 $0x8;
	[sflag:s21] =	ssyncadd.s32 $0xFFFFFC80;
	v10 =	vmov v11  }
.LBB2_8:
0x90: {  	p1 =	sne.s32 s1, $0x6C;
	v12 =	vshll.u32 v12, $0x3;
	v13 =	vld.idx.msk [tilespmem:v11+s20+$0x0], $0xffff  }
0x91: {  	v11 =	vor.u32 v6, v12  }
.Ltmp9:
0x92: {  	v11 =	vor.u32 v7, v11;
	(pc) =	sbr.rel @p1 .LBB2_8-.Ltmp9, $2  }
0x93: {  	_ =	sdelay $0x2  }
0x94: {  	v12 =	vmov s1;
	s1 =	sadd.s32 $0x4, s1;
	[tilespmem:v10+s22+$0x0] =	vst.idx.msk $0xffff, v13;
	v10 =	vmov v11  }
0x95: {  	_ =	sdelay $0x2  }
0x96: {  	v12 =	vshll.u32 v12, $0x3  }
0x97: {  	v11 =	vld.idx.msk [tilespmem:v11+s20+$0x0], $0xffff;
	v12 =	vor.u32 v6, v12  }
0x98: {  	v12 =	vor.u32 v7, v12;
	_ =	sdelay $0x3  }
0x99: {  	[tilespmem:v10+s22+$0x0] =	vst.idx.msk $0xffff, v11  }
0x9a: {  	v10 =	vld.idx.msk [tilespmem:v12+s20+$0x0], $0xffff;
	_ =	sdelay $0x4  }
0x9b: {  	s1 =	rddreg [dreg:$0x7];
	[tilespmem:v12+s22+$0x0] =	vst.idx.msk $0xffff, v10  }
0x9c: {  	[spmem:s1] =	stream.linear.scatter [tilespmem:s22], [sflag:$0x7], $0x380, $0x38;
	[tilespmem:$0x1E2A0] =	vst v63  }
0x9d: {  	_ =	swait.ge [sflag:s21], $0x380  }
0x9e: {  	[sflag:s21] =	ssyncset.done $0x0  }
0x9f: {  	s25 =	rddreg [dreg:$0x8];
	[sflag:s21] =	ssyncadd.s32 $0xFFFFFC80  }
0xa0: {  	[spmem:s25] =	stream.linear.scatter [tilespmem:s18], [sflag:$0x7], $0x380, $0x38;
	[tilespmem:$0x1E2A0] =	vst v63  }
0xa1: {  	_ =	swait.ge [sflag:s21], $0x380  }
0xa2: {  	[sflag:s21] =	ssyncset.done $0x0  }
0xa3: {  	[sflag:s21] =	ssyncadd.s32 $0xFFFFFC80  }
.LBB2_14:
.Ltmp10:
0xa4: {  	(pc) =	sbr.rel .LBB2_15-.Ltmp10, $3  }
0xa5: {  	_ =	sdelay $0x1  }
0xa6: {  	[bflag:$0x0] =	sbarrier.arrive $0xFFFF  }
0xa7: {  	s25 =	simm.s32 $0x0  }
.LBB2_24:
0xa8: {  	_ =	sdelay $0x3  }
0xa9: {  	v24 =	vld.idx.msk [tilespmem:v24+s0+$0x0], $0xffff;
	_ =	sdelay $0x1  }
0xaa: {  	v23 =	vld.idx.msk [tilespmem:v23+s0+$0x0], $0xffff;
	_ =	sdelay $0x1  }
0xab: {  	v35 =	vmul.f32 v35, v20;
	v14 =	vld.idx.msk [tilespmem:v14+s14+$0x0], $0xffff  }
0xac: {  	[tilespmem:v10+s14+$0x0] =	vst.idx.msk $0xffff, v37;
	v10 =	vld.idx.msk [tilespmem:v15+s14+$0x0], $0xffff;
	v56 =	vmul.f32 v30, v24  }
0xad: {  	v57 =	vld.idx.msk [tilespmem:v32+s14+$0x0], $0xffff;
	v58 =	vmul.f32 v34, v21;
	[tilespmem:v31+s13+$0x0] =	vst.idx.msk $0xffff, v35  }
0xae: {  	v29 =	vld.idx.msk [tilespmem:v29+s14+$0x0], $0xffff;
	v59 =	vmul.f32 v33, v23;
	[tilespmem:v25+s13+$0x0] =	vst.idx.msk $0xffff, v56  }
0xaf: {  	[tilespmem:v19+s13+$0x0] =	vst.idx.msk $0xffff, v58;
	v15 =	vld.idx.msk [tilespmem:v22+s14+$0x0], $0xffff  }
0xb0: {  	v60 =	vld.idx.msk [tilespmem:v19+s14+$0x0], $0xffff;
	v14 =	vmul.f32 v14, v17;
	[tilespmem:v28+s13+$0x0] =	vst.idx.msk $0xffff, v59  }
0xb1: {  	[tilespmem:v12+s14+$0x0] =	vst.idx.msk $0xffff, v36;
	v10 =	vmul.f32 v10, v13;
	v61 =	vld.idx.msk [tilespmem:v28+s14+$0x0], $0xffff  }
0xb2: {  	v62 =	vmul.f32 v57, v16;
	[tilespmem:v27+s14+$0x0] =	vst.idx.msk $0xffff, v14  }
0xb3: {  	[tilespmem:v26+s14+$0x0] =	vst.idx.msk $0xffff, v10;
	v63 =	vmul.f32 v29, v20  }
0xb4: {  	[tilespmem:v11+s14+$0x0] =	vst.idx.msk $0xffff, v62;
	v10 =	vmul.f32 v15, v24  }
0xb5: {  	v11 =	vmul.f32 v60, v21;
	[tilespmem:v18+s14+$0x0] =	vst.idx.msk $0xffff, v63  }
0xb6: {  	[tilespmem:v25+s14+$0x0] =	vst.idx.msk $0xffff, v10;
	v10 =	vmul.f32 v61, v23  }
0xb7: {  	[tilespmem:v19+s14+$0x0] =	vst.idx.msk $0xffff, v11  }
0xb8: {  	[tilespmem:v28+s14+$0x0] =	vst.idx.msk $0xffff, v10  }
0xb9: {  	[spmem:s3] =	stream.indirect.scatter.add.f32 [tilespmem:s13], [sflag:$0x6], $0x8, s30, s12, $0xb8;
	[tilespmem:$0x1E2A0] =	vst v63  }
0xba: {  	_ = 	snop  }
0xbb: {  	[spmem:s3] =	stream.indirect.scatter.add.f32 [tilespmem:s14], [sflag:$0x6], $0x8, s31, s12, $0xb8;
	[tilespmem:$0x1E2A0] =	vst v63  }
0xbc: {  	s1 =	simm.s32 $0x1C6A0;
	s7 =	simm.s32 $0x1BD20  }
0xbd: {  	[spmem:s3] =	stream.indirect.scatter.add.f32 [tilespmem:s1], [sflag:$0x6], $0x8, s7, s12, $0xb8;
	[tilespmem:$0x1E2A0] =	vst v63  }
0xbe: {  	s16 =	simm.s32 $0x1BF20;
	s17 =	simm.s32 $0x1D6A0  }
0xbf: {  	[spmem:s3] =	stream.indirect.scatter.add.f32 [tilespmem:s17], [sflag:$0x6], $0x8, s16, s12, $0xb8;
	[tilespmem:$0x1E2A0] =	vst v63  }
0xc0: {  	s15 =	simm.s32 $0x1BDA0;
	s7 =	simm.s32 $0x1CAA0  }
0xc1: {  	[spmem:s3] =	stream.indirect.scatter.add.f32 [tilespmem:s7], [sflag:$0x6], $0x8, s15, s12, $0xb8;
	[tilespmem:$0x1E2A0] =	vst v63  }
0xc2: {  	s16 =	simm.s32 $0x1BFA0;
	s17 =	simm.s32 $0x1DAA0  }
0xc3: {  	[spmem:s3] =	stream.indirect.scatter.add.f32 [tilespmem:s17], [sflag:$0x6], $0x8, s16, s12, $0xb8;
	[tilespmem:$0x1E2A0] =	vst v63  }
0xc4: {  	s7 =	simm.s32 $0x1CEA0;
	s15 =	simm.s32 $0x1BE20  }
0xc5: {  	[spmem:s3] =	stream.indirect.scatter.add.f32 [tilespmem:s7], [sflag:$0x6], $0x8, s15, s12, $0xb8;
	[tilespmem:$0x1E2A0] =	vst v63  }
0xc6: {  	s16 =	simm.s32 $0x1C020;
	s17 =	simm.s32 $0x1DEA0  }
0xc7: {  	[spmem:s3] =	stream.indirect.scatter.add.f32 [tilespmem:s17], [sflag:$0x6], $0x8, s16, s12, $0xb8;
	[tilespmem:$0x1E2A0] =	vst v63  }
0xc8: {  	_ =	swait.ge [sflag:s23], $0x400  }
0xc9: {  	[sflag:s23] =	ssyncset.done $0x0  }
0xca: {  	[sflag:s23] =	ssyncadd.s32 $0xFFFFFC00  }
0xcb: {  	_ =	swait.ge [sflag:s23], $0x400  }
0xcc: {  	[sflag:s23] =	ssyncset.done $0x0  }
0xcd: {  	[sflag:s23] =	ssyncadd.s32 $0xFFFFFC00  }
0xce: {  	_ =	swait.ge [sflag:s23], $0x400  }
0xcf: {  	[sflag:s23] =	ssyncset.done $0x0  }
0xd0: {  	[sflag:s23] =	ssyncadd.s32 $0xFFFFFC00  }
0xd1: {  	_ =	swait.ge [sflag:s23], $0x400  }
0xd2: {  	[sflag:s23] =	ssyncset.done $0x0  }
0xd3: {  	[sflag:s23] =	ssyncadd.s32 $0xFFFFFC00  }
0xd4: {  	_ =	swait.ge [sflag:s23], $0x400  }
0xd5: {  	[sflag:s23] =	ssyncset.done $0x0  }
0xd6: {  	[sflag:s23] =	ssyncadd.s32 $0xFFFFFC00  }
0xd7: {  	_ =	swait.ge [sflag:s23], $0x400  }
0xd8: {  	[sflag:s23] =	ssyncset.done $0x0  }
0xd9: {  	[sflag:s23] =	ssyncadd.s32 $0xFFFFFC00  }
0xda: {  	_ =	swait.ge [sflag:s23], $0x400  }
0xdb: {  	[sflag:s23] =	ssyncset.done $0x0  }
0xdc: {  	[sflag:s23] =	ssyncadd.s32 $0xFFFFFC00  }
0xdd: {  	_ =	swait.ge [sflag:s23], $0x400  }
0xde: {  	[sflag:s23] =	ssyncset.done $0x0  }
0xdf: {  	[sflag:s23] =	ssyncadd.s32 $0xFFFFFC00  }
0xe0: {  	_ =	swait.ge [sflag:s24], $0x400  }
0xe1: {  	[sflag:s24] =	ssyncset.done $0x0  }
0xe2: {  	[sflag:s24] =	ssyncadd.s32 $0xFFFFFC00  }
0xe3: {  	_ =	swait.ge [sflag:s24], $0x400  }
0xe4: {  	[sflag:s24] =	ssyncset.done $0x0  }
0xe5: {  	[sflag:s24] =	ssyncadd.s32 $0xFFFFFC00  }
0xe6: {  	_ =	swait.ge [sflag:s24], $0x400  }
0xe7: {  	[sflag:s24] =	ssyncset.done $0x0  }
0xe8: {  	[sflag:s24] =	ssyncadd.s32 $0xFFFFFC00  }
0xe9: {  	_ =	swait.ge [sflag:s24], $0x400  }
0xea: {  	[sflag:s24] =	ssyncset.done $0x0  }
0xeb: {  	[sflag:s24] =	ssyncadd.s32 $0xFFFFFC00  }
0xec: {  	_ =	swait.ge [sflag:s24], $0x400  }
0xed: {  	[sflag:s24] =	ssyncset.done $0x0  }
0xee: {  	[sflag:s24] =	ssyncadd.s32 $0xFFFFFC00  }
0xef: {  	_ =	swait.ge [sflag:s24], $0x400  }
0xf0: {  	[sflag:s24] =	ssyncset.done $0x0  }
0xf1: {  	[sflag:s24] =	ssyncadd.s32 $0xFFFFFC00  }
0xf2: {  	_ =	swait.ge [sflag:s24], $0x400  }
0xf3: {  	[sflag:s24] =	ssyncset.done $0x0  }
0xf4: {  	[sflag:s24] =	ssyncadd.s32 $0xFFFFFC00  }
0xf5: {  	_ =	swait.ge [sflag:s24], $0x400  }
0xf6: {  	[sflag:s24] =	ssyncset.done $0x0  }
0xf7: {  	s15 =	stileid.u32;
	[sflag:s24] =	ssyncadd.s32 $0xFFFFFC00  }
.LBB2_25:
0xf8: {  	s25 =	sadd.s32 $0x1, s25  }
0xf9: {  	p1 =	sne.s32 s25, $0xC4  }
.Ltmp11:
0xfa: {  	_ = 	snop;
	(pc) =	sbr.rel @!p1 .LBB2_26-.Ltmp11, $1  }
0xfb: {  	_ =	sdelay $0x3  }
.LBB2_15:
0xfc: {  	s1 =	sshll.u32 s25, $0x5  }
0xfd: {  	s1 =	sor.u32 s1, s10  }
0xfe: {  	s1 =	sor.u32 s15, s1  }
0xff: {  	p1 =	sgt.u32 s1, $0x1869  }
.Ltmp12:
0x100: {  	_ = 	snop;
	(pc) =	sbr.rel @p1 .LBB2_25-.Ltmp12, $1  }
0x101: {  	_ =	sdelay $0x3  }
0x102: {  	s1 =	sshll.u32 s1, $0x7  }
0x103: {  	s17 =	simm.s32 $0x0;
	s7 =	sadd.s32 s8, s1  }
0x104: {  	[tilespmem:s26], [sflag:$0x1] =	stream.linear.gather [hbm4b:s7+s17], $0x200, $0x38;
	[tilespmem:$0x1E2A0] =	vst v63  }
0x105: {  	s15 =	sadd.s32 s9, s1  }
0x106: {  	[tilespmem:s28], [sflag:$0x1] =	stream.linear.gather [hbm4b:s15+s17], $0x200, $0x38;
	[tilespmem:$0x1E2A0] =	vst v63  }
0x107: {  	s15 =	rddreg [dreg:$0x1]  }
0x108: {  	s16 =	sadd.s32 s15, s1;
	s1 =	sor.u32 $0x40, s1  }
0x109: {  	[tilespmem:s29], [sflag:$0x1] =	stream.linear.gather [hbm4b:s16+s17], $0x200, $0x38;
	[tilespmem:$0x1E2A0] =	vst v63  }
0x10a: {  	s16 =	sadd.s32 s8, s1  }
0x10b: {  	[tilespmem:s30], [sflag:$0x4] =	stream.linear.gather [hbm4b:s16+s17], $0x200, $0x38;
	[tilespmem:$0x1E2A0] =	vst v63  }
0x10c: {  	s16 =	sadd.s32 s9, s1  }
0x10d: {  	[tilespmem:s31], [sflag:$0x4] =	stream.linear.gather [hbm4b:s16+s17], $0x200, $0x38;
	[tilespmem:$0x1E2A0] =	vst v63  }
0x10e: {  	s1 =	sadd.s32 s15, s1  }
0x10f: {  	[tilespmem:s0], [sflag:$0x4] =	stream.linear.gather [hbm4b:s1+s17], $0x200, $0x38;
	[tilespmem:$0x1E2A0] =	vst v63  }
0x110: {  	_ =	swait.ge [sflag:s11], $0x200  }
0x111: {  	[sflag:s11] =	ssyncset.done $0x0  }
0x112: {  	[sflag:s11] =	ssyncadd.s32 $0xFFFFFE00  }
0x113: {  	_ =	swait.ge [sflag:s11], $0x200  }
0x114: {  	[sflag:s11] =	ssyncset.done $0x0  }
0x115: {  	[sflag:s11] =	ssyncadd.s32 $0xFFFFFE00  }
0x116: {  	_ =	swait.ge [sflag:s11], $0x200  }
0x117: {  	[sflag:s11] =	ssyncset.done $0x0  }
0x118: {  	[sflag:s11] =	ssyncadd.s32 $0xFFFFFE00  }
0x119: {  	[tilespmem:s22], [sflag:$0x2] =	stream.indirect.gather [spmem:s2], $0x8, s28, s12, $0xb8;
	[tilespmem:$0x1E2A0] =	vst v63  }
0x11a: {  	_ = 	snop  }
0x11b: {  	[tilespmem:s18], [sflag:$0x2] =	stream.indirect.gather [spmem:s2], $0x8, s26, s12, $0xb8;
	[tilespmem:$0x1E2A0] =	vst v63  }
0x11c: {  	s7 =	simm.s32 $0x19920;
	s15 =	simm.s32 $0x1A0A0  }
0x11d: {  	[tilespmem:s15], [sflag:$0x2] =	stream.indirect.gather [spmem:s2], $0x8, s7, s12, $0xb8;
	[tilespmem:$0x1E2A0] =	vst v63  }
0x11e: {  	s16 =	simm.s32 $0x19720;
	s17 =	simm.s32 $0x1B0A0  }
0x11f: {  	[tilespmem:s17], [sflag:$0x2] =	stream.indirect.gather [spmem:s2], $0x8, s16, s12, $0xb8;
	[tilespmem:$0x1E2A0] =	vst v63  }
0x120: {  	s7 =	simm.s32 $0x199A0;
	s15 =	simm.s32 $0x1A4A0  }
0x121: {  	[tilespmem:s15], [sflag:$0x2] =	stream.indirect.gather [spmem:s2], $0x8, s7, s12, $0xb8;
	[tilespmem:$0x1E2A0] =	vst v63  }
0x122: {  	s16 =	simm.s32 $0x197A0;
	s17 =	simm.s32 $0x1B4A0  }
0x123: {  	[tilespmem:s17], [sflag:$0x2] =	stream.indirect.gather [spmem:s2], $0x8, s16, s12, $0xb8;
	[tilespmem:$0x1E2A0] =	vst v63  }
0x124: {  	s7 =	simm.s32 $0x19A20;
	s15 =	simm.s32 $0x1A8A0  }
0x125: {  	[tilespmem:s15], [sflag:$0x2] =	stream.indirect.gather [spmem:s2], $0x8, s7, s12, $0xb8;
	[tilespmem:$0x1E2A0] =	vst v63  }
0x126: {  	s16 =	simm.s32 $0x19820;
	s17 =	simm.s32 $0x1B8A0  }
0x127: {  	[tilespmem:s17], [sflag:$0x2] =	stream.indirect.gather [spmem:s2], $0x8, s16, s12, $0xb8;
	[tilespmem:$0x1E2A0] =	vst v63  }
0x128: {  	s1 =	simm.s32 $0x0;
	s17 =	simm.s32 $0x40  }
.LBB2_17:
0x129: {  	p1 =	sne.s32 s17, $0x7C0;
	v10 =	vld [tilespmem:s1+$0x19AA0];
	_ =	sdelay $0x4  }
0x12a: {  	(erf) = vrcp.f32 v10;
	_ =	sdelay $0x7  }
.Ltmp13:
0x12b: {  	(pc) =	sbr.rel @p1 .LBB2_17-.Ltmp13, $3  }
0x12c: {  	v10 =	vpop (erf)  }
0x12d: {  	v10 =	vmul.f32 $5.000000000e-01, v10;
	_ =	sdelay $0x1  }
0x12e: {  	[tilespmem:s1+$0x19AA0] =	vst v10;
	s1 =	sshra.s32 s17, $0x2;
	s17 =	sadd.s32 $0x40, s17  }
0x12f: {  	v10 =	vld [tilespmem:s1+$0x19AA0];
	_ =	sdelay $0x4  }
0x130: {  	(erf) = vrcp.f32 v10;
	_ =	sdelay $0x8  }
0x131: {  	v10 =	vpop (erf)  }
0x132: {  	v10 =	vmul.f32 $5.000000000e-01, v10;
	_ =	sdelay $0x1  }
0x133: {  	[tilespmem:s1+$0x19AA0] =	vst v10  }
0x134: {  	_ =	swait.ge [sflag:s4], $0x200  }
0x135: {  	[sflag:s4] =	ssyncset.done $0x0  }
0x136: {  	[sflag:s4] =	ssyncadd.s32 $0xFFFFFE00  }
0x137: {  	_ =	swait.ge [sflag:s4], $0x200  }
0x138: {  	[sflag:s4] =	ssyncset.done $0x0  }
0x139: {  	[sflag:s4] =	ssyncadd.s32 $0xFFFFFE00  }
0x13a: {  	_ =	swait.ge [sflag:s4], $0x200  }
0x13b: {  	[sflag:s4] =	ssyncset.done $0x0  }
0x13c: {  	[sflag:s4] =	ssyncadd.s32 $0xFFFFFE00  }
0x13d: {  	[tilespmem:s13], [sflag:$0x5] =	stream.indirect.gather [spmem:s2], $0x8, s31, s12, $0xb8;
	[tilespmem:$0x1E2A0] =	vst v63  }
0x13e: {  	_ = 	snop  }
0x13f: {  	[tilespmem:s14], [sflag:$0x5] =	stream.indirect.gather [spmem:s2], $0x8, s30, s12, $0xb8;
	[tilespmem:$0x1E2A0] =	vst v63  }
0x140: {  	s15 =	simm.s32 $0x1BF20;
	s7 =	simm.s32 $0x1C6A0  }
0x141: {  	[tilespmem:s7], [sflag:$0x5] =	stream.indirect.gather [spmem:s2], $0x8, s15, s12, $0xb8;
	[tilespmem:$0x1E2A0] =	vst v63  }
0x142: {  	s16 =	simm.s32 $0x1BD20;
	s17 =	simm.s32 $0x1D6A0  }
0x143: {  	[tilespmem:s17], [sflag:$0x5] =	stream.indirect.gather [spmem:s2], $0x8, s16, s12, $0xb8;
	[tilespmem:$0x1E2A0] =	vst v63  }
0x144: {  	s7 =	simm.s32 $0x1BFA0;
	s15 =	simm.s32 $0x1CAA0  }
0x145: {  	[tilespmem:s15], [sflag:$0x5] =	stream.indirect.gather [spmem:s2], $0x8, s7, s12, $0xb8;
	[tilespmem:$0x1E2A0] =	vst v63  }
0x146: {  	s16 =	simm.s32 $0x1BDA0;
	s17 =	simm.s32 $0x1DAA0  }
0x147: {  	[tilespmem:s17], [sflag:$0x5] =	stream.indirect.gather [spmem:s2], $0x8, s16, s12, $0xb8;
	[tilespmem:$0x1E2A0] =	vst v63  }
0x148: {  	s7 =	simm.s32 $0x1C020;
	s15 =	simm.s32 $0x1CEA0  }
0x149: {  	[tilespmem:s15], [sflag:$0x5] =	stream.indirect.gather [spmem:s2], $0x8, s7, s12, $0xb8;
	[tilespmem:$0x1E2A0] =	vst v63  }
0x14a: {  	s16 =	simm.s32 $0x1BE20;
	s17 =	simm.s32 $0x1DEA0  }
0x14b: {  	[tilespmem:s17], [sflag:$0x5] =	stream.indirect.gather [spmem:s2], $0x8, s16, s12, $0xb8;
	[tilespmem:$0x1E2A0] =	vst v63  }
0x14c: {  	s1 =	simm.s32 $0x0;
	s17 =	simm.s32 $0x40  }
.LBB2_19:
0x14d: {  	p1 =	sne.s32 s17, $0x7C0;
	v10 =	vld [tilespmem:s1+$0x1C0A0];
	_ =	sdelay $0x4  }
0x14e: {  	(erf) = vrcp.f32 v10;
	_ =	sdelay $0x7  }
.Ltmp14:
0x14f: {  	(pc) =	sbr.rel @p1 .LBB2_19-.Ltmp14, $3  }
0x150: {  	v10 =	vpop (erf)  }
0x151: {  	v10 =	vmul.f32 $5.000000000e-01, v10;
	_ =	sdelay $0x1  }
0x152: {  	[tilespmem:s1+$0x1C0A0] =	vst v10;
	s1 =	sshra.s32 s17, $0x2;
	s17 =	sadd.s32 $0x40, s17  }
0x153: {  	v10 =	vld [tilespmem:s1+$0x1C0A0];
	_ =	sdelay $0x4  }
0x154: {  	(erf) = vrcp.f32 v10;
	_ =	sdelay $0x8  }
0x155: {  	v10 =	vpop (erf)  }
0x156: {  	v10 =	vmul.f32 $5.000000000e-01, v10;
	_ =	sdelay $0x1  }
0x157: {  	[tilespmem:s1+$0x1C0A0] =	vst v10  }
0x158: {  	_ =	swait.ge [sflag:s5], $0x400  }
0x159: {  	[sflag:s5] =	ssyncset.done $0x0  }
0x15a: {  	[sflag:s5] =	ssyncadd.s32 $0xFFFFFC00  }
0x15b: {  	_ =	swait.ge [sflag:s5], $0x400  }
0x15c: {  	[sflag:s5] =	ssyncset.done $0x0  }
0x15d: {  	[sflag:s5] =	ssyncadd.s32 $0xFFFFFC00  }
0x15e: {  	_ =	swait.ge [sflag:s5], $0x400  }
0x15f: {  	[sflag:s5] =	ssyncset.done $0x0  }
0x160: {  	[sflag:s5] =	ssyncadd.s32 $0xFFFFFC00  }
0x161: {  	_ =	swait.ge [sflag:s5], $0x400  }
0x162: {  	[sflag:s5] =	ssyncset.done $0x0  }
0x163: {  	[sflag:s5] =	ssyncadd.s32 $0xFFFFFC00  }
0x164: {  	_ =	swait.ge [sflag:s5], $0x400  }
0x165: {  	[sflag:s5] =	ssyncset.done $0x0  }
0x166: {  	[sflag:s5] =	ssyncadd.s32 $0xFFFFFC00  }
0x167: {  	_ =	swait.ge [sflag:s5], $0x400  }
0x168: {  	[sflag:s5] =	ssyncset.done $0x0  }
0x169: {  	s15 =	simm.s32 $0x8;
	[sflag:s5] =	ssyncadd.s32 $0xFFFFFC00  }
0x16a: {  	v10 =	vor.u32 s15, v4;
	_ =	swait.ge [sflag:s5], $0x400  }
0x16b: {  	s16 =	simm.s32 $0x0;
	v11 =	vshll.u32 v10, $0x3;
	[sflag:s5] =	ssyncset.done $0x0  }
0x16c: {  	s7 =	simm.s32 $0x4;
	v20 =	vor.u32 v7, v11;
	v11 =	vor.u32 s16, v4;
	[sflag:s5] =	ssyncadd.s32 $0xFFFFFC00  }
0x16d: {  	v12 =	vor.u32 s7, v4;
	v13 =	vshll.u32 v11, $0x3;
	_ =	swait.ge [sflag:s5], $0x400  }
0x16e: {  	s17 =	simm.s32 $0xC;
	v25 =	vor.u32 v7, v13;
	[sflag:s5] =	ssyncset.done $0x0  }
0x16f: {  	v14 =	vor.u32 s17, v4;
	[sflag:s5] =	ssyncadd.s32 $0xFFFFFC00  }
0x170: {  	v15 =	vshll.u32 v12, $0x3;
	s15 =	simm.s32 $0x14;
	v13 =	vshll.u32 v14, $0x3;
	v18 =	vld.idx.msk [tilespmem:v10+s29+$0x0], $0xffff  }
0x171: {  	v26 =	vor.u32 v7, v15;
	v19 =	vor.u32 s15, v4;
	s16 =	simm.s32 $0x18;
	v10 =	vor.u32 v7, v13;
	v13 =	vld.idx.msk [tilespmem:v20+s22+$0x0], $0xffff  }
0x172: {  	s17 =	simm.s32 $0x10;
	v15 =	vshll.u32 v19, $0x3;
	v21 =	vor.u32 s16, v4;
	v27 =	vld.idx.msk [tilespmem:v12+s29+$0x0], $0xffff  }
0x173: {  	v23 =	vor.u32 s17, v4;
	v15 =	vor.u32 v7, v15;
	v16 =	vld.idx.msk [tilespmem:v25+s22+$0x0], $0xffff  }
0x174: {  	v29 =	vld.idx.msk [tilespmem:v11+s29+$0x0], $0xffff;
	v11 =	vshll.u32 v23, $0x3  }
0x175: {  	s17 =	simm.s32 $0x1C;
	v31 =	vld.idx.msk [tilespmem:v14+s29+$0x0], $0xffff;
	v14 =	vor.u32 v7, v11  }
0x176: {  	v24 =	vor.u32 s17, v4;
	v17 =	vld.idx.msk [tilespmem:v26+s22+$0x0], $0xffff;
	v12 =	vshll.u32 v21, $0x3  }
0x177: {  	v32 =	vld.idx.msk [tilespmem:v21+s29+$0x0], $0xffff;
	v12 =	vor.u32 v7, v12;
	v11 =	vshll.u32 v24, $0x3  }
0x178: {  	v21 =	vld.idx.msk [tilespmem:v15+s22+$0x0], $0xffff;
	v11 =	vor.u32 v7, v11  }
0x179: {  	v22 =	vld.idx.msk [tilespmem:v10+s22+$0x0], $0xffff;
	v13 =	vmul.f32 v13, v18  }
0x17a: {  	v30 =	vld.idx.msk [tilespmem:v14+s22+$0x0], $0xffff  }
0x17b: {  	[tilespmem:v20+s22+$0x0] =	vst.idx.msk $0xffff, v13;
	v13 =	vld.idx.msk [tilespmem:v19+s29+$0x0], $0xffff  }
0x17c: {  	v17 =	vmul.f32 v17, v27;
	v19 =	vld.idx.msk [tilespmem:v12+s22+$0x0], $0xffff  }
0x17d: {  	v33 =	vld.idx.msk [tilespmem:v11+s22+$0x0], $0xffff  }
0x17e: {  	s7 =	simm.s32 $0x24;
	v16 =	vmul.f32 v16, v29;
	[tilespmem:v26+s22+$0x0] =	vst.idx.msk $0xffff, v17;
	v17 =	vld.idx.msk [tilespmem:v23+s29+$0x0], $0xffff  }
0x17f: {  	v34 =	vor.u32 s7, v4;
	v28 =	vld.idx.msk [tilespmem:v20+s18+$0x0], $0xffff  }
0x180: {  	s17 =	simm.s32 $0x2C;
	v39 =	vshll.u32 v34, $0x3;
	s16 =	simm.s32 $0x20;
	[tilespmem:v25+s22+$0x0] =	vst.idx.msk $0xffff, v16;
	v16 =	vld.idx.msk [tilespmem:v24+s29+$0x0], $0xffff  }
0x181: {  	s15 =	simm.s32 $0x28;
	v24 =	vor.u32 s16, v4;
	v23 =	vor.u32 s17, v4;
	v36 =	vld.idx.msk [tilespmem:v25+s18+$0x0], $0xffff;
	v22 =	vmul.f32 v22, v31  }
0x182: {  	v35 =	vor.u32 s15, v4;
	v37 =	vshll.u32 v24, $0x3;
	v38 =	vld.idx.msk [tilespmem:v26+s18+$0x0], $0xffff;
	v40 =	vshll.u32 v23, $0x3  }
0x183: {  	[tilespmem:v10+s22+$0x0] =	vst.idx.msk $0xffff, v22;
	v22 =	vshll.u32 v35, $0x3;
	v19 =	vmul.f32 v19, v32;
	v63 =	vmul.f32 v21, v13  }
0x184: {  	v30 =	vmul.f32 v30, v17;
	v28 =	vmul.f32 v28, v18;
	v18 =	vor.u32 v7, v22  }
0x185: {  	v21 =	vld.idx.msk [tilespmem:v34+s29+$0x0], $0xffff;
	v33 =	vmul.f32 v33, v16;
	v22 =	vor.u32 v7, v37;
	[tilespmem:v12+s22+$0x0] =	vst.idx.msk $0xffff, v19  }
0x186: {  	v62 =	vld.idx.msk [tilespmem:v10+s18+$0x0], $0xffff;
	v29 =	vmul.f32 v36, v29;
	v19 =	vor.u32 v7, v39;
	[tilespmem:v15+s22+$0x0] =	vst.idx.msk $0xffff, v63  }
0x187: {  	v27 =	vmul.f32 v38, v27;
	v41 =	vld.idx.msk [tilespmem:v12+s18+$0x0], $0xffff;
	[tilespmem:v20+s18+$0x0] =	vst.idx.msk $0xffff, v28;
	v28 =	vor.u32 v7, v40  }
0x188: {  	[tilespmem:v14+s22+$0x0] =	vst.idx.msk $0xffff, v30;
	v20 =	vld.idx.msk [tilespmem:v35+s29+$0x0], $0xffff  }
0x189: {  	[tilespmem:v11+s22+$0x0] =	vst.idx.msk $0xffff, v33;
	v35 =	vld.idx.msk [tilespmem:v18+s22+$0x0], $0xffff  }
0x18a: {  	[tilespmem:v25+s18+$0x0] =	vst.idx.msk $0xffff, v29;
	v30 =	vld.idx.msk [tilespmem:v22+s22+$0x0], $0xffff  }
0x18b: {  	[tilespmem:v26+s18+$0x0] =	vst.idx.msk $0xffff, v27;
	v25 =	vmovc v22;
	v26 =	vmov v15;
	v29 =	vmov v18;
	v27 =	vmov v14;
	v34 =	vld.idx.msk [tilespmem:v19+s22+$0x0], $0xffff  }
0x18c: {  	s1 =	simm.s32 $0x3C;
	s17 =	simm.s32 $0x8;
	v37 =	vmul.f32 v62, v31;
	v31 =	vmovc v18;
	v33 =	vld.idx.msk [tilespmem:v28+s22+$0x0], $0xffff;
	v36 =	vmul.f32 v41, v32;
	v32 =	vmov v11  }
.LBB2_21:
0x18d: {  	v38 =	vmov v28  }
0x18e: {  	s7 =	sadd.s32 $0xFFFFFFF8, s1;
	s15 =	sadd.s32 $0xFFFFFFFC, s1;
	v28 =	vor.u32 s1, v4;
	s17 =	sadd.s32 $0x4, s17;
	v40 =	vmovc v19;
	v39 =	vld.idx.msk [tilespmem:v24+s29+$0x0], $0xffff;
	[tilespmem:v10+s18+$0x0] =	vst.idx.msk $0xffff, v37;
	v10 =	vmov v11;
	v11 =	vmov v38  }
0x18f: {  	s16 =	sadd.s32 $0xFFFFFFF4, s1;
	v37 =	vor.u32 s7, v4;
	v41 =	vor.u32 s15, v4;
	v42 =	vshll.u32 v28, $0x3;
	p1 =	slt.u32 s17, $0x7C;
	v43 =	vld.idx.msk [tilespmem:v23+s29+$0x0], $0xffff;
	[tilespmem:v12+s18+$0x0] =	vst.idx.msk $0xffff, v36;
	v23 =	vmovc v28  }
0x190: {  	v24 =	vor.u32 s16, v4;
	v35 =	vmul.f32 v35, v20;
	v28 =	vshll.u32 v41, $0x3;
	v12 =	vmovc v18;
	v36 =	vld.idx.msk [tilespmem:v14+s18+$0x0], $0xffff;
	v14 =	vmovc v22  }
0x191: {  	v46 =	vmovc v21;
	v44 =	vshll.u32 v37, $0x3;
	v22 =	vshll.u32 v24, $0x3;
	v18 =	vor.u32 v7, v28;
	v45 =	vld.idx.msk [tilespmem:v15+s18+$0x0], $0xffff;
	v15 =	vmovc v19  }
0x192: {  	v22 =	vor.u32 v7, v22;
	v19 =	vor.u32 v7, v44;
	[tilespmem:v31+s22+$0x0] =	vst.idx.msk $0xffff, v35;
	v44 =	vld.idx.msk [tilespmem:v32+s18+$0x0], $0xffff  }
0x193: {  	v28 =	vor.u32 v7, v42;
	v34 =	vmul.f32 v34, v46;
	v31 =	vmovc v18;
	v42 =	vld.idx.msk [tilespmem:v29+s18+$0x0], $0xffff;
	v29 =	vmov v18  }
0x194: {  	v32 =	vmov v38;
	v38 =	vmov v20;
	v30 =	vmul.f32 v30, v39;
	v21 =	vld.idx.msk [tilespmem:v37+s29+$0x0], $0xffff  }
.Ltmp15:
0x195: {  	v33 =	vmul.f32 v33, v43;
	v20 =	vld.idx.msk [tilespmem:v41+s29+$0x0], $0xffff;
	[tilespmem:v40+s22+$0x0] =	vst.idx.msk $0xffff, v34;
	(pc) =	sbr.rel @p1 .LBB2_21-.Ltmp15, $4  }
0x196: {  	v36 =	vmul.f32 v36, v17;
	v17 =	vmov v39;
	v35 =	vld.idx.msk [tilespmem:v18+s22+$0x0], $0xffff;
	[tilespmem:v25+s22+$0x0] =	vst.idx.msk $0xffff, v30  }
0x197: {  	v39 =	vmul.f32 v45, v13;
	v13 =	vmov v46;
	v30 =	vld.idx.msk [tilespmem:v22+s22+$0x0], $0xffff;
	[tilespmem:v11+s22+$0x0] =	vst.idx.msk $0xffff, v33  }
0x198: {  	v37 =	vmul.f32 v44, v16;
	v16 =	vmov v43;
	v34 =	vld.idx.msk [tilespmem:v19+s22+$0x0], $0xffff;
	[tilespmem:v27+s18+$0x0] =	vst.idx.msk $0xffff, v36;
	v27 =	vmov v25  }
0x199: {  	s1 =	sadd.s32 $0x10, s1;
	v36 =	vmul.f32 v42, v38;
	v25 =	vmov v22;
	v33 =	vld.idx.msk [tilespmem:v28+s22+$0x0], $0xffff;
	[tilespmem:v26+s18+$0x0] =	vst.idx.msk $0xffff, v39;
	v26 =	vmov v40  }
0x19a: {  	_ =	sdelay $0x3  }
0x19b: {  	v24 =	vld.idx.msk [tilespmem:v24+s29+$0x0], $0xffff;
	_ =	sdelay $0x1  }
0x19c: {  	v23 =	vld.idx.msk [tilespmem:v23+s29+$0x0], $0xffff  }
0x19d: {  	v35 =	vmul.f32 v35, v20  }
0x19e: {  	v14 =	vld.idx.msk [tilespmem:v14+s18+$0x0], $0xffff;
	[tilespmem:v10+s18+$0x0] =	vst.idx.msk $0xffff, v37  }
0x19f: {  	v10 =	vld.idx.msk [tilespmem:v15+s18+$0x0], $0xffff;
	[tilespmem:v31+s22+$0x0] =	vst.idx.msk $0xffff, v35;
	v15 =	vmul.f32 v30, v24  }
0x1a0: {  	v31 =	vmul.f32 v34, v21;
	v29 =	vld.idx.msk [tilespmem:v29+s18+$0x0], $0xffff  }
0x1a1: {  	v30 =	vld.idx.msk [tilespmem:v32+s18+$0x0], $0xffff;
	v55 =	vmul.f32 v33, v23;
	[tilespmem:v25+s22+$0x0] =	vst.idx.msk $0xffff, v15  }
0x1a2: {  	[tilespmem:v19+s22+$0x0] =	vst.idx.msk $0xffff, v31;
	v15 =	vld.idx.msk [tilespmem:v22+s18+$0x0], $0xffff  }
0x1a3: {  	v14 =	vmul.f32 v14, v17;
	v17 =	vld.idx.msk [tilespmem:v19+s18+$0x0], $0xffff;
	[tilespmem:v28+s22+$0x0] =	vst.idx.msk $0xffff, v55  }
0x1a4: {  	[tilespmem:v12+s18+$0x0] =	vst.idx.msk $0xffff, v36;
	v10 =	vmul.f32 v10, v13;
	v12 =	vld.idx.msk [tilespmem:v28+s18+$0x0], $0xffff  }
0x1a5: {  	[tilespmem:v27+s18+$0x0] =	vst.idx.msk $0xffff, v14;
	v14 =	vmul.f32 v29, v20  }
0x1a6: {  	[tilespmem:v26+s18+$0x0] =	vst.idx.msk $0xffff, v10;
	v13 =	vmul.f32 v30, v16  }
0x1a7: {  	[tilespmem:v18+s18+$0x0] =	vst.idx.msk $0xffff, v14;
	v10 =	vmul.f32 v15, v24  }
0x1a8: {  	[tilespmem:v11+s18+$0x0] =	vst.idx.msk $0xffff, v13;
	v11 =	vmul.f32 v17, v21  }
0x1a9: {  	[tilespmem:v25+s18+$0x0] =	vst.idx.msk $0xffff, v10;
	v10 =	vmul.f32 v12, v23  }
0x1aa: {  	[tilespmem:v19+s18+$0x0] =	vst.idx.msk $0xffff, v11  }
0x1ab: {  	[tilespmem:v28+s18+$0x0] =	vst.idx.msk $0xffff, v10  }
0x1ac: {  	[spmem:s3] =	stream.indirect.scatter.add.f32 [tilespmem:s22], [sflag:$0x3], $0x8, s26, s12, $0xb8;
	[tilespmem:$0x1E2A0] =	vst v63  }
0x1ad: {  	_ = 	snop  }
0x1ae: {  	[spmem:s3] =	stream.indirect.scatter.add.f32 [tilespmem:s18], [sflag:$0x3], $0x8, s28, s12, $0xb8;
	[tilespmem:$0x1E2A0] =	vst v63  }
0x1af: {  	s1 =	simm.s32 $0x1A0A0;
	s7 =	simm.s32 $0x19720  }
0x1b0: {  	[spmem:s3] =	stream.indirect.scatter.add.f32 [tilespmem:s1], [sflag:$0x3], $0x8, s7, s12, $0xb8;
	[tilespmem:$0x1E2A0] =	vst v63  }
0x1b1: {  	s16 =	simm.s32 $0x19920;
	s17 =	simm.s32 $0x1B0A0  }
0x1b2: {  	[spmem:s3] =	stream.indirect.scatter.add.f32 [tilespmem:s17], [sflag:$0x3], $0x8, s16, s12, $0xb8;
	[tilespmem:$0x1E2A0] =	vst v63  }
0x1b3: {  	s15 =	simm.s32 $0x197A0;
	s7 =	simm.s32 $0x1A4A0  }
0x1b4: {  	[spmem:s3] =	stream.indirect.scatter.add.f32 [tilespmem:s7], [sflag:$0x3], $0x8, s15, s12, $0xb8;
	[tilespmem:$0x1E2A0] =	vst v63  }
0x1b5: {  	s16 =	simm.s32 $0x199A0;
	s17 =	simm.s32 $0x1B4A0  }
0x1b6: {  	[spmem:s3] =	stream.indirect.scatter.add.f32 [tilespmem:s17], [sflag:$0x3], $0x8, s16, s12, $0xb8;
	[tilespmem:$0x1E2A0] =	vst v63  }
0x1b7: {  	s7 =	simm.s32 $0x1A8A0;
	s15 =	simm.s32 $0x19820  }
0x1b8: {  	[spmem:s3] =	stream.indirect.scatter.add.f32 [tilespmem:s7], [sflag:$0x3], $0x8, s15, s12, $0xb8;
	[tilespmem:$0x1E2A0] =	vst v63  }
0x1b9: {  	s16 =	simm.s32 $0x19A20;
	s17 =	simm.s32 $0x1B8A0  }
0x1ba: {  	[spmem:s3] =	stream.indirect.scatter.add.f32 [tilespmem:s17], [sflag:$0x3], $0x8, s16, s12, $0xb8;
	[tilespmem:$0x1E2A0] =	vst v63  }
0x1bb: {  	_ =	swait.ge [sflag:s19], $0x400  }
0x1bc: {  	[sflag:s19] =	ssyncset.done $0x0  }
0x1bd: {  	[sflag:s19] =	ssyncadd.s32 $0xFFFFFC00  }
0x1be: {  	_ =	swait.ge [sflag:s19], $0x400  }
0x1bf: {  	[sflag:s19] =	ssyncset.done $0x0  }
0x1c0: {  	[sflag:s19] =	ssyncadd.s32 $0xFFFFFC00  }
0x1c1: {  	_ =	swait.ge [sflag:s19], $0x400  }
0x1c2: {  	[sflag:s19] =	ssyncset.done $0x0  }
0x1c3: {  	[sflag:s19] =	ssyncadd.s32 $0xFFFFFC00  }
0x1c4: {  	_ =	swait.ge [sflag:s19], $0x400  }
0x1c5: {  	[sflag:s19] =	ssyncset.done $0x0  }
0x1c6: {  	[sflag:s19] =	ssyncadd.s32 $0xFFFFFC00  }
0x1c7: {  	_ =	swait.ge [sflag:s19], $0x400  }
0x1c8: {  	[sflag:s19] =	ssyncset.done $0x0  }
0x1c9: {  	[sflag:s19] =	ssyncadd.s32 $0xFFFFFC00  }
0x1ca: {  	_ =	swait.ge [sflag:s19], $0x400  }
0x1cb: {  	[sflag:s19] =	ssyncset.done $0x0  }
0x1cc: {  	s7 =	simm.s32 $0x8;
	[sflag:s19] =	ssyncadd.s32 $0xFFFFFC00  }
0x1cd: {  	v10 =	vor.u32 s7, v4;
	_ =	swait.ge [sflag:s19], $0x400  }
0x1ce: {  	s15 =	simm.s32 $0x0;
	v11 =	vshll.u32 v10, $0x3;
	[sflag:s19] =	ssyncset.done $0x0  }
0x1cf: {  	s16 =	simm.s32 $0x4;
	v20 =	vor.u32 v7, v11;
	v11 =	vor.u32 s15, v4;
	[sflag:s19] =	ssyncadd.s32 $0xFFFFFC00  }
0x1d0: {  	v12 =	vor.u32 s16, v4;
	v13 =	vshll.u32 v11, $0x3;
	_ =	swait.ge [sflag:s19], $0x400  }
0x1d1: {  	s17 =	simm.s32 $0xC;
	v25 =	vor.u32 v7, v13;
	[sflag:s19] =	ssyncset.done $0x0  }
0x1d2: {  	v14 =	vor.u32 s17, v4;
	[sflag:s19] =	ssyncadd.s32 $0xFFFFFC00  }
0x1d3: {  	s7 =	simm.s32 $0x14;
	v15 =	vshll.u32 v12, $0x3;
	v13 =	vshll.u32 v14, $0x3;
	v18 =	vld.idx.msk [tilespmem:v10+s0+$0x0], $0xffff  }
0x1d4: {  	v19 =	vor.u32 s7, v4;
	s15 =	simm.s32 $0x18;
	v26 =	vor.u32 v7, v15;
	v10 =	vor.u32 v7, v13;
	v13 =	vld.idx.msk [tilespmem:v20+s13+$0x0], $0xffff  }
0x1d5: {  	s16 =	simm.s32 $0x10;
	v21 =	vor.u32 s15, v4;
	v15 =	vshll.u32 v19, $0x3;
	v27 =	vld.idx.msk [tilespmem:v12+s0+$0x0], $0xffff  }
0x1d6: {  	v23 =	vor.u32 s16, v4;
	v15 =	vor.u32 v7, v15;
	v16 =	vld.idx.msk [tilespmem:v25+s13+$0x0], $0xffff  }
0x1d7: {  	v29 =	vld.idx.msk [tilespmem:v11+s0+$0x0], $0xffff;
	v11 =	vshll.u32 v23, $0x3  }
0x1d8: {  	s17 =	simm.s32 $0x1C;
	v31 =	vld.idx.msk [tilespmem:v14+s0+$0x0], $0xffff;
	v14 =	vor.u32 v7, v11  }
0x1d9: {  	v24 =	vor.u32 s17, v4;
	v17 =	vld.idx.msk [tilespmem:v26+s13+$0x0], $0xffff;
	v12 =	vshll.u32 v21, $0x3  }
0x1da: {  	v56 =	vld.idx.msk [tilespmem:v21+s0+$0x0], $0xffff;
	v12 =	vor.u32 v7, v12;
	v11 =	vshll.u32 v24, $0x3  }
0x1db: {  	v21 =	vld.idx.msk [tilespmem:v15+s13+$0x0], $0xffff;
	v11 =	vor.u32 v7, v11  }
0x1dc: {  	v22 =	vld.idx.msk [tilespmem:v10+s13+$0x0], $0xffff;
	v13 =	vmul.f32 v13, v18  }
0x1dd: {  	v30 =	vld.idx.msk [tilespmem:v14+s13+$0x0], $0xffff  }
0x1de: {  	[tilespmem:v20+s13+$0x0] =	vst.idx.msk $0xffff, v13;
	v13 =	vld.idx.msk [tilespmem:v19+s0+$0x0], $0xffff  }
0x1df: {  	v19 =	vld.idx.msk [tilespmem:v12+s13+$0x0], $0xffff  }
0x1e0: {  	v17 =	vmul.f32 v17, v27;
	v57 =	vld.idx.msk [tilespmem:v11+s13+$0x0], $0xffff  }
0x1e1: {  	s7 =	simm.s32 $0x24;
	v16 =	vmul.f32 v16, v29;
	v28 =	vld.idx.msk [tilespmem:v20+s14+$0x0], $0xffff  }
0x1e2: {  	v58 =	vor.u32 s7, v4;
	s16 =	simm.s32 $0x20;
	[tilespmem:v26+s13+$0x0] =	vst.idx.msk $0xffff, v17;
	v17 =	vld.idx.msk [tilespmem:v23+s0+$0x0], $0xffff  }
0x1e3: {  	s15 =	simm.s32 $0x28;
	s17 =	simm.s32 $0x2C;
	v39 =	vshll.u32 v58, $0x3;
	[tilespmem:v25+s13+$0x0] =	vst.idx.msk $0xffff, v16;
	v16 =	vld.idx.msk [tilespmem:v24+s0+$0x0], $0xffff;
	v24 =	vor.u32 s16, v4;
	v22 =	vmul.f32 v22, v31  }
0x1e4: {  	v59 =	vor.u32 s15, v4;
	v23 =	vor.u32 s17, v4;
	v60 =	vld.idx.msk [tilespmem:v25+s14+$0x0], $0xffff;
	v61 =	vshll.u32 v24, $0x3  }
0x1e5: {  	v38 =	vld.idx.msk [tilespmem:v26+s14+$0x0], $0xffff;
	v40 =	vshll.u32 v23, $0x3;
	[tilespmem:v10+s13+$0x0] =	vst.idx.msk $0xffff, v22;
	v22 =	vshll.u32 v59, $0x3;
	v19 =	vmul.f32 v19, v56  }
0x1e6: {  	v63 =	vmul.f32 v21, v13;
	v28 =	vmul.f32 v28, v18;
	v18 =	vor.u32 v7, v22  }
0x1e7: {  	v21 =	vld.idx.msk [tilespmem:v58+s0+$0x0], $0xffff;
	v30 =	vmul.f32 v30, v17;
	v22 =	vor.u32 v7, v61;
	[tilespmem:v12+s13+$0x0] =	vst.idx.msk $0xffff, v19  }
0x1e8: {  	v33 =	vmul.f32 v57, v16;
	v62 =	vld.idx.msk [tilespmem:v10+s14+$0x0], $0xffff;
	v19 =	vor.u32 v7, v39;
	[tilespmem:v15+s13+$0x0] =	vst.idx.msk $0xffff, v63  }
0x1e9: {  	v29 =	vmul.f32 v60, v29;
	v41 =	vld.idx.msk [tilespmem:v12+s14+$0x0], $0xffff;
	[tilespmem:v20+s14+$0x0] =	vst.idx.msk $0xffff, v28;
	v28 =	vor.u32 v7, v40  }
0x1ea: {  	v27 =	vmul.f32 v38, v27;
	[tilespmem:v14+s13+$0x0] =	vst.idx.msk $0xffff, v30;
	v20 =	vld.idx.msk [tilespmem:v59+s0+$0x0], $0xffff  }
0x1eb: {  	[tilespmem:v11+s13+$0x0] =	vst.idx.msk $0xffff, v33;
	v35 =	vld.idx.msk [tilespmem:v18+s13+$0x0], $0xffff  }
0x1ec: {  	[tilespmem:v25+s14+$0x0] =	vst.idx.msk $0xffff, v29;
	v30 =	vld.idx.msk [tilespmem:v22+s13+$0x0], $0xffff  }
0x1ed: {  	v32 =	vmovc v11;
	[tilespmem:v26+s14+$0x0] =	vst.idx.msk $0xffff, v27;
	v25 =	vmov v22;
	v26 =	vmov v15;
	v29 =	vmov v18;
	v34 =	vld.idx.msk [tilespmem:v19+s13+$0x0], $0xffff  }
0x1ee: {  	s1 =	simm.s32 $0x3C;
	s17 =	simm.s32 $0x8;
	v27 =	vmovc v14;
	v37 =	vmul.f32 v62, v31;
	v31 =	vmov v18;
	v33 =	vld.idx.msk [tilespmem:v28+s13+$0x0], $0xffff;
	v36 =	vmul.f32 v41, v56  }
.LBB2_23:
0x1ef: {  	v38 =	vmov v28  }
0x1f0: {  	s7 =	sadd.s32 $0xFFFFFFF8, s1;
	s15 =	sadd.s32 $0xFFFFFFFC, s1;
	v28 =	vor.u32 s1, v4;
	s17 =	sadd.s32 $0x4, s17;
	v40 =	vmovc v19;
	v39 =	vld.idx.msk [tilespmem:v24+s0+$0x0], $0xffff;
	[tilespmem:v10+s14+$0x0] =	vst.idx.msk $0xffff, v37;
	v10 =	vmov v11;
	v11 =	vmov v38  }
0x1f1: {  	s16 =	sadd.s32 $0xFFFFFFF4, s1;
	v37 =	vor.u32 s7, v4;
	v41 =	vor.u32 s15, v4;
	v42 =	vshll.u32 v28, $0x3;
	p1 =	slt.u32 s17, $0x7C;
	v43 =	vld.idx.msk [tilespmem:v23+s0+$0x0], $0xffff;
	[tilespmem:v12+s14+$0x0] =	vst.idx.msk $0xffff, v36;
	v23 =	vmovc v28  }
0x1f2: {  	v35 =	vmul.f32 v35, v20;
	v24 =	vor.u32 s16, v4;
	v28 =	vshll.u32 v41, $0x3;
	v12 =	vmovc v18;
	v36 =	vld.idx.msk [tilespmem:v14+s14+$0x0], $0xffff;
	v14 =	vmovc v22  }
0x1f3: {  	v46 =	vmovc v21;
	v44 =	vshll.u32 v37, $0x3;
	v22 =	vshll.u32 v24, $0x3;
	v18 =	vor.u32 v7, v28;
	v45 =	vld.idx.msk [tilespmem:v15+s14+$0x0], $0xffff;
	v15 =	vmovc v19  }
0x1f4: {  	v22 =	vor.u32 v7, v22;
	v19 =	vor.u32 v7, v44;
	[tilespmem:v31+s13+$0x0] =	vst.idx.msk $0xffff, v35;
	v44 =	vld.idx.msk [tilespmem:v32+s14+$0x0], $0xffff  }
0x1f5: {  	v34 =	vmul.f32 v34, v46;
	v28 =	vor.u32 v7, v42;
	v31 =	vmovc v18;
	v42 =	vld.idx.msk [tilespmem:v29+s14+$0x0], $0xffff;
	v29 =	vmov v18  }
0x1f6: {  	v32 =	vmov v38;
	v38 =	vmov v20;
	v30 =	vmul.f32 v30, v39;
	v21 =	vld.idx.msk [tilespmem:v37+s0+$0x0], $0xffff  }
.Ltmp16:
0x1f7: {  	v33 =	vmul.f32 v33, v43;
	v20 =	vld.idx.msk [tilespmem:v41+s0+$0x0], $0xffff;
	[tilespmem:v40+s13+$0x0] =	vst.idx.msk $0xffff, v34;
	(pc) =	sbr.rel @p1 .LBB2_23-.Ltmp16, $4  }
0x1f8: {  	v36 =	vmul.f32 v36, v17;
	v17 =	vmov v39;
	v35 =	vld.idx.msk [tilespmem:v18+s13+$0x0], $0xffff;
	[tilespmem:v25+s13+$0x0] =	vst.idx.msk $0xffff, v30  }
0x1f9: {  	v39 =	vmul.f32 v45, v13;
	v13 =	vmov v46;
	v30 =	vld.idx.msk [tilespmem:v22+s13+$0x0], $0xffff;
	[tilespmem:v11+s13+$0x0] =	vst.idx.msk $0xffff, v33  }
0x1fa: {  	v37 =	vmul.f32 v44, v16;
	v16 =	vmov v43;
	v34 =	vld.idx.msk [tilespmem:v19+s13+$0x0], $0xffff;
	[tilespmem:v27+s14+$0x0] =	vst.idx.msk $0xffff, v36;
	v27 =	vmov v25  }
0x1fb: {  	s1 =	sadd.s32 $0x10, s1;
	v36 =	vmul.f32 v42, v38;
	v25 =	vmov v22;
	v33 =	vld.idx.msk [tilespmem:v28+s13+$0x0], $0xffff;
	[tilespmem:v26+s14+$0x0] =	vst.idx.msk $0xffff, v39;
	v26 =	vmov v40  }
.Ltmp17:
0x1fc: {  	_ = 	snop;
	(pc) =	sbr.rel .LBB2_24-.Ltmp17, $1  }
0x1fd: {  	_ =	sdelay $0x3  }
.LBB2_27:
0x1fe: {  	_ =	sfence.sel $0x180000  }
0x1ff: {  	[bflag:$0x0] =	sbarrier.arrive $0xFFFF  }
0x200: {  	_ =	strace $0x90000047  }
0x201: {  	[bflag:$0x2] =	sbarrier.arrive $0xFFFF  }
0x202: {  	p0 =	sne.s32 s15, $0x0;
	s0 =	rddreg [dreg:$0x4]  }
0x203: {  	s0 =	sadd.s32 @!p0 $0x100000, s0  }
0x204: {  	[sflag:s0] =	ssyncadd.tile.s32 @!p0 $0x1;
	_ =	shalt  }
.Lfunc_end2:
_tile_overlayer_lowered:
.L_overlay_start_2:
0x205: {  	(tag) =	ssettag $0x2  }
0x206: {  	s0 =	rddreg [dreg:$0x0];
	s2 =	stileid.u32  }
0x207: {  	s1 =	rddreg [dreg:$0x1];
	p0 =	sne.s32 s2, $0x0  }
0x208: {  	s3 =	rddreg [dreg:$0x2];
	[bflag:$0x3] =	sbarrier.arrive $0xFFFF;
	s2 =	simm.s32 @!p0 $0x1C07  }
0x209: {  	[timem:s3], [sflag:s2] =	dma.local @!p0 [hbm:s0], s1  }
0x20a: {  	s0 =	simm.s32 @!p0 $0x7  }
0x20b: {  	_ =	swait.ge @!p0 [sflag:s0], s1  }
0x20c: {  	s1 =	ssub.s32 @!p0 $0x0, s1;
	[sflag:s0] =	ssyncset.done @!p0 $0x0  }
0x20d: {  	[sflag:s0] =	ssyncadd.s32 @!p0 s1  }
0x20e: {  	[bflag:$0x3] =	sbarrier.arrive $0xFFFF  }
0x20f: {  	_ =	shalt  }

</sc_bundles>
